<compile_context>
chip_gen: v7x
topology: tpu7x:2x2x1
jax: 0.10.2.dev20260603
libtpu: 0.0.44.dev20260713+nightly
codegen_flags: <defaults>
</compile_context>

<pallas_src>
import functools

import jax
import jax.numpy as jnp
from jax import lax
from jax.experimental import pallas as pl
from jax.experimental.pallas import tpu as pltpu
from jax.experimental.pallas import tpu_sc as plsc

B = 16384
F = 100
EMB = 16
D_IN = F * EMB
EPS = 1e-5

NC, NS = 2, 16
NW = NC * NS
IDX_W = 128
GPC = 5
CHUNK = GPC * IDX_W

NSPLIT = 4
BS = B // NSPLIT


def _sc_gather(table, idx2d):
    n_idx_rows = idx2d.shape[0]
    n_rows = n_idx_rows * IDX_W
    irows_w = n_idx_rows // NW
    rows_w = n_rows // NW
    nchunk = rows_w // CHUNK
    assert nchunk % 2 == 0 and nchunk * CHUNK == rows_w

    mesh = plsc.VectorSubcoreMesh(core_axis_name="c", subcore_axis_name="s")

    @functools.partial(
        pl.kernel,
        out_type=jax.ShapeDtypeStruct((n_rows, EMB), jnp.float32),
        mesh=mesh,
        scratch_types=[
            pltpu.VMEM((irows_w, IDX_W), jnp.int32),
            pltpu.VMEM((CHUNK, EMB), jnp.float32),
            pltpu.VMEM((CHUNK, EMB), jnp.float32),
            pltpu.SemaphoreType.DMA,
            pltpu.SemaphoreType.DMA,
            pltpu.SemaphoreType.DMA,
            pltpu.SemaphoreType.DMA,
        ],
        compiler_params=pltpu.CompilerParams(use_tc_tiling_on_sc=False),
    )
    def gather_kernel(table_hbm, idx_hbm, out_hbm, idx_v,
                      rows0, rows1, gsem0, gsem1, osem0, osem1):
        wid = lax.axis_index("s") * NC + lax.axis_index("c")
        pltpu.sync_copy(idx_hbm.at[pl.ds(wid * irows_w, irows_w)], idx_v)
        row_base = wid * rows_w
        rows = (rows0, rows1)
        gsem = (gsem0, gsem1)
        osem = (osem0, osem1)

        def fire(c, b):
            for j in range(GPC):
                pltpu.async_copy(table_hbm.at[idx_v.at[c * GPC + j]],
                                 rows[b].at[pl.ds(j * IDX_W, IDX_W)], gsem[b])

        def drain_g(b):
            pltpu.make_async_copy(table_hbm.at[pl.ds(0, CHUNK)],
                                  rows[b], gsem[b]).wait()

        def drain_o(b):
            pltpu.make_async_copy(rows[b], out_hbm.at[pl.ds(0, CHUNK)],
                                  osem[b]).wait()

        fire(0, 0)

        @pl.loop(0, nchunk // 2)
        def _pair(g):
            for b in range(2):
                c = 2 * g + b

                @pl.when(c >= 1)
                def _():
                    drain_o(1 - b)

                @pl.when(c + 1 < nchunk)
                def _():
                    fire(c + 1, 1 - b)

                drain_g(b)
                pltpu.async_copy(
                    rows[b], out_hbm.at[pl.ds(row_base + c * CHUNK, CHUNK)],
                    osem[b])

        drain_o(1)

    return gather_kernel(table, idx2d)


def _mlp_body(emb, s, t, w1, b1, w2, b2, w3, b3, out):
    a = (emb[...] * s[...] + t[...]).astype(jnp.bfloat16)
    h = jnp.dot(a, w1[...], preferred_element_type=jnp.float32) + b1[...]
    h = jnp.maximum(h, 0.0).astype(jnp.bfloat16)
    h = jnp.dot(h, w2[...], preferred_element_type=jnp.float32) + b2[...]
    h = jnp.maximum(h, 0.0).astype(jnp.bfloat16)
    z = jnp.dot(h, w3[...], preferred_element_type=jnp.float32)
    out[...] = jax.nn.sigmoid(z[:, 0:1] + b3[...])


def _tc_mlp(emb, s, t, w1, b1, w2, b2, w3, b3, bm=1024):
    nb = emb.shape[0]
    return pl.pallas_call(
        _mlp_body,
        grid=(nb // bm,),
        in_specs=[
            pl.BlockSpec((bm, D_IN), lambda i: (i, 0)),
            pl.BlockSpec((1, D_IN), lambda i: (0, 0)),
            pl.BlockSpec((1, D_IN), lambda i: (0, 0)),
            pl.BlockSpec((D_IN, 1024), lambda i: (0, 0)),
            pl.BlockSpec((1, 1024), lambda i: (0, 0)),
            pl.BlockSpec((1024, 512), lambda i: (0, 0)),
            pl.BlockSpec((1, 512), lambda i: (0, 0)),
            pl.BlockSpec((512, 128), lambda i: (0, 0)),
            pl.BlockSpec((1, 1), lambda i: (0, 0)),
        ],
        out_specs=pl.BlockSpec((bm, 1), lambda i: (i, 0)),
        out_shape=jax.ShapeDtypeStruct((nb, 1), jnp.float32),
    )(emb, s, t, w1, b1, w2, b2, w3, b3)


def kernel(x, table, rm, rv, gamma, beta, W1, b1, W2, b2, W3, b3):
    idx2d = x.astype(jnp.int32).reshape(B * F // IDX_W, IDX_W)
    inv = lax.rsqrt(rv + EPS)
    s = (gamma * inv).reshape(1, D_IN)
    t = (beta - rm * gamma * inv).reshape(1, D_IN)
    w1 = W1.astype(jnp.bfloat16)
    w2 = W2.astype(jnp.bfloat16)
    w3 = jnp.pad(W3, ((0, 0), (0, 127))).astype(jnp.bfloat16)
    b1r, b2r, b3r = b1.reshape(1, -1), b2.reshape(1, -1), b3.reshape(1, 1)

    irows_half = B * F // IDX_W // NSPLIT
    outs = []
    for k in range(NSPLIT):
        emb = _sc_gather(table, lax.slice_in_dim(idx2d, k * irows_half,
                                                 (k + 1) * irows_half))
        outs.append(_tc_mlp(emb.reshape(BS, D_IN), s, t, w1, b1r, w2, b2r,
                            w3, b3r))
    return jnp.concatenate(outs, axis=0)

# --- scband reference (transcript-rebuilt; emitter-appended) ---
"""Pipeline reference for scband-nnrank-model-35828617183461 (READ-ONLY COPY).

The authoritative reference and input builder live on the scoring server;
editing this copy changes nothing except your own understanding.
"""

import jax, jax.numpy as jnp
import numpy as np

B = 16384
F = 100
EMB = 16
VOCAB = 100000
D_IN = F * EMB  # 1600
EPS = 1e-5


def setup_inputs(seed: int = 0) -> dict:
    key = jax.random.key(seed)
    ks = jax.random.split(key, 8)
    x = jax.random.randint(ks[0], (B, F), 0, VOCAB, dtype=jnp.int64)
    # EmbeddingSumConcat table, NormalTensorInitializer(var=0.001)
    table = jax.random.normal(ks[1], (VOCAB, EMB), dtype=jnp.float32) * jnp.sqrt(0.001)
    # Normalization (BatchNorm-style) buffers/params
    rm = jnp.zeros((D_IN,), dtype=jnp.float32)
    rv = jnp.ones((D_IN,), dtype=jnp.float32)
    gamma = jnp.ones((D_IN,), dtype=jnp.float32)
    beta = jnp.zeros((D_IN,), dtype=jnp.float32)
    # Dense MLP: 1600 -> 1024 -> 512 -> 1, zero biases per ZeroTensorInitializer
    W1 = jax.random.normal(ks[2], (D_IN, 1024), dtype=jnp.float32) * (1.0 / jnp.sqrt(D_IN))
    b1 = jnp.zeros((1024,), dtype=jnp.float32)
    W2 = jax.random.normal(ks[3], (1024, 512), dtype=jnp.float32) * (1.0 / jnp.sqrt(1024.0))
    b2 = jnp.zeros((512,), dtype=jnp.float32)
    W3 = jax.random.normal(ks[4], (512, 1), dtype=jnp.float32) * (1.0 / jnp.sqrt(512.0))
    b3 = jnp.zeros((1,), dtype=jnp.float32)
    return {"x": x, "table": table, "rm": rm, "rv": rv, "gamma": gamma, "beta": beta,
            "W1": W1, "b1": b1, "W2": W2, "b2": b2, "W3": W3, "b3": b3}


def reference(x, table, rm, rv, gamma, beta, W1, b1, W2, b2, W3, b3):
    # EmbeddingSumConcat: per-field embedding lookup (one value per field here),
    # concatenated across fields -> [B, F*EMB]
    emb = jnp.take(table, x, axis=0).reshape(B, F * EMB)
    # Normalization.forward (inference path): uses running stats regardless of mode
    out = (emb - rm) / jnp.sqrt(rv + EPS)
    out = out * gamma + beta
    # Dense MLP
    h = jax.nn.relu(out @ W1 + b1)
    h = jax.nn.relu(h @ W2 + b2)
    logits = h @ W3 + b3
    return jax.nn.sigmoid(logits)

if __name__ == "__main__":
    import jax
    _d = setup_inputs()
    print(jax.jit(kernel)(*tuple(_d.values())))

</pallas_src>

<mosaic_0001>
#map = affine_map<(d0, d1) -> (0, 0)>
module attributes {stable_mosaic.version = 14 : i64} {
  func.func @gather_kernel(%arg0: i32, %arg1: i32, %arg2: memref<100000x16xf32, #tpu.memory_space<hbm>>, %arg3: memref<3200x128xi32, #tpu.memory_space<hbm>>, %arg4: memref<409600x16xf32, #tpu.memory_space<hbm>>, %arg5: memref<100x128xi32, #tpu.memory_space<vmem>>, %arg6: memref<640x16xf32, #tpu.memory_space<vmem>>, %arg7: memref<640x16xf32, #tpu.memory_space<vmem>>, %arg8: memref<!tpu.dma_semaphore, #tpu.memory_space<semaphore_mem>>, %arg9: memref<!tpu.dma_semaphore, #tpu.memory_space<semaphore_mem>>, %arg10: memref<!tpu.dma_semaphore, #tpu.memory_space<semaphore_mem>>, %arg11: memref<!tpu.dma_semaphore, #tpu.memory_space<semaphore_mem>>) attributes {dimension_semantics = [#tpu.dimension_semantics<core_parallel>, #tpu.dimension_semantics<subcore_parallel>], iteration_bounds = array<i64: 2, 16>, scalar_prefetch = 0 : i64, scratch_operands = 7 : i64, tpu.core_type = #tpu.core_type<sc_vector_subcore>, window_params = [{transform_indices = #map}, {transform_indices = #map}, {transform_indices = #map}]} {
    %mul3A = arith.constant 2 : i32
    %mul3A_0 = arith.muli %arg1, %mul3A : i32
    %add3A = arith.addi %mul3A_0, %arg0 : i32
    %mul3A_1 = arith.constant 100 : i32
    %mul3A_2 = arith.muli %add3A, %mul3A_1 : i32
    "tpu.region"() ({
      %run_scoped3A = tpu.sem_alloc : memref<!tpu.dma_semaphore, #tpu.memory_space<semaphore_mem>>
      %dma_start3A_63 = arith.constant 0 : i32
      %dma_start3A_64 = tpu.memref_slice %arg3[%mul3A_2, %dma_start3A_63] : memref<3200x128xi32, #tpu.memory_space<hbm>> -> memref<100x128xi32, #tpu.memory_space<hbm>>
      %dma_start3A_65 = arith.constant 0 : i32
      %dma_start3A_66 = tpu.memref_slice %arg3[%mul3A_2, %dma_start3A_65] : memref<3200x128xi32, #tpu.memory_space<hbm>> -> memref<100x128xi32, #tpu.memory_space<hbm>>
      tpu.enqueue_dma source(%dma_start3A_66 : memref<100x128xi32, #tpu.memory_space<hbm>>) target(%arg5 : memref<100x128xi32, #tpu.memory_space<vmem>>) target_semaphore(%run_scoped3A : memref<!tpu.dma_semaphore, #tpu.memory_space<semaphore_mem>>)
      %dma_wait3A_67 = arith.constant 0 : i32
      %dma_wait3A_68 = tpu.memref_slice %arg3[%mul3A_2, %dma_wait3A_67] : memref<3200x128xi32, #tpu.memory_space<hbm>> -> memref<100x128xi32, #tpu.memory_space<hbm>>
      %dma_wait3A_69 = arith.constant 0 : i32
      %dma_wait3A_70 = tpu.memref_slice %arg3[%mul3A_2, %dma_wait3A_69] : memref<3200x128xi32, #tpu.memory_space<hbm>> -> memref<100x128xi32, #tpu.memory_space<hbm>>
      tpu.wait_dma2 semaphore(%run_scoped3A : memref<!tpu.dma_semaphore, #tpu.memory_space<semaphore_mem>>) src(%dma_wait3A_70 : memref<100x128xi32, #tpu.memory_space<hbm>>) dst(%arg5 : memref<100x128xi32, #tpu.memory_space<vmem>>)
      tpu.yield
    }) : () -> ()
    %mul3A_3 = arith.constant 12800 : i32
    %mul3A_4 = arith.muli %add3A, %mul3A_3 : i32
    %dma_start3A = arith.constant 0 : i32
    %dma_start3A_5 = arith.constant 0 : i32
    %dma_start3A_6 = arith.constant 0 : i32
    %dma_start3A_7 = tpu.memref_slice %arg6[%dma_start3A_5, %dma_start3A_6] : memref<640x16xf32, #tpu.memory_space<vmem>> -> memref<128x16xf32, #tpu.memory_space<vmem>>
    %dma_start3A_8 = arith.constant 0 : i32
    %dma_start3A_9 = tpu.memref_slice %arg5[%dma_start3A, %dma_start3A_8] : memref<100x128xi32, #tpu.memory_space<vmem>> -> memref<1x128xi32, #tpu.memory_space<vmem>>
    %dma_start3A_10 = tpu.memref_squeeze %dma_start3A_9 : memref<1x128xi32, #tpu.memory_space<vmem>> -> memref<128xi32, #tpu.memory_space<vmem>>
    %dma_start3A_11 = arith.constant 0 : i32
    %dma_start3A_12 = arith.constant 0 : i32
    %dma_start3A_13 = tpu.memref_slice %arg2[%dma_start3A_11, %dma_start3A_12] : memref<100000x16xf32, #tpu.memory_space<hbm>> -> memref<100000x16xf32, #tpu.memory_space<hbm>>
    tpu.enqueue_indirect_dma source(%dma_start3A_13 : memref<100000x16xf32, #tpu.memory_space<hbm>>) target(%dma_start3A_7 : memref<128x16xf32, #tpu.memory_space<vmem>>) offsets(%dma_start3A_10 : memref<128xi32, #tpu.memory_space<vmem>>) semaphore(%arg8 : memref<!tpu.dma_semaphore, #tpu.memory_space<semaphore_mem>>)
    %dma_start3A_14 = arith.constant 1 : i32
    %dma_start3A_15 = arith.constant 128 : i32
    %dma_start3A_16 = arith.constant 0 : i32
    %dma_start3A_17 = tpu.memref_slice %arg6[%dma_start3A_15, %dma_start3A_16] : memref<640x16xf32, #tpu.memory_space<vmem>> -> memref<128x16xf32, #tpu.memory_space<vmem>>
    %dma_start3A_18 = arith.constant 0 : i32
    %dma_start3A_19 = tpu.memref_slice %arg5[%dma_start3A_14, %dma_start3A_18] : memref<100x128xi32, #tpu.memory_space<vmem>> -> memref<1x128xi32, #tpu.memory_space<vmem>>
    %dma_start3A_20 = tpu.memref_squeeze %dma_start3A_19 : memref<1x128xi32, #tpu.memory_space<vmem>> -> memref<128xi32, #tpu.memory_space<vmem>>
    %dma_start3A_21 = arith.constant 0 : i32
    %dma_start3A_22 = arith.constant 0 : i32
    %dma_start3A_23 = tpu.memref_slice %arg2[%dma_start3A_21, %dma_start3A_22] : memref<100000x16xf32, #tpu.memory_space<hbm>> -> memref<100000x16xf32, #tpu.memory_space<hbm>>
    tpu.enqueue_indirect_dma source(%dma_start3A_23 : memref<100000x16xf32, #tpu.memory_space<hbm>>) target(%dma_start3A_17 : memref<128x16xf32, #tpu.memory_space<vmem>>) offsets(%dma_start3A_20 : memref<128xi32, #tpu.memory_space<vmem>>) semaphore(%arg8 : memref<!tpu.dma_semaphore, #tpu.memory_space<semaphore_mem>>)
    %dma_start3A_24 = arith.constant 2 : i32
    %dma_start3A_25 = arith.constant 256 : i32
    %dma_start3A_26 = arith.constant 0 : i32
    %dma_start3A_27 = tpu.memref_slice %arg6[%dma_start3A_25, %dma_start3A_26] : memref<640x16xf32, #tpu.memory_space<vmem>> -> memref<128x16xf32, #tpu.memory_space<vmem>>
    %dma_start3A_28 = arith.constant 0 : i32
    %dma_start3A_29 = tpu.memref_slice %arg5[%dma_start3A_24, %dma_start3A_28] : memref<100x128xi32, #tpu.memory_space<vmem>> -> memref<1x128xi32, #tpu.memory_space<vmem>>
    %dma_start3A_30 = tpu.memref_squeeze %dma_start3A_29 : memref<1x128xi32, #tpu.memory_space<vmem>> -> memref<128xi32, #tpu.memory_space<vmem>>
    %dma_start3A_31 = arith.constant 0 : i32
    %dma_start3A_32 = arith.constant 0 : i32
    %dma_start3A_33 = tpu.memref_slice %arg2[%dma_start3A_31, %dma_start3A_32] : memref<100000x16xf32, #tpu.memory_space<hbm>> -> memref<100000x16xf32, #tpu.memory_space<hbm>>
    tpu.enqueue_indirect_dma source(%dma_start3A_33 : memref<100000x16xf32, #tpu.memory_space<hbm>>) target(%dma_start3A_27 : memref<128x16xf32, #tpu.memory_space<vmem>>) offsets(%dma_start3A_30 : memref<128xi32, #tpu.memory_space<vmem>>) semaphore(%arg8 : memref<!tpu.dma_semaphore, #tpu.memory_space<semaphore_mem>>)
    %dma_start3A_34 = arith.constant 3 : i32
    %dma_start3A_35 = arith.constant 384 : i32
    %dma_start3A_36 = arith.constant 0 : i32
    %dma_start3A_37 = tpu.memref_slice %arg6[%dma_start3A_35, %dma_start3A_36] : memref<640x16xf32, #tpu.memory_space<vmem>> -> memref<128x16xf32, #tpu.memory_space<vmem>>
    %dma_start3A_38 = arith.constant 0 : i32
    %dma_start3A_39 = tpu.memref_slice %arg5[%dma_start3A_34, %dma_start3A_38] : memref<100x128xi32, #tpu.memory_space<vmem>> -> memref<1x128xi32, #tpu.memory_space<vmem>>
    %dma_start3A_40 = tpu.memref_squeeze %dma_start3A_39 : memref<1x128xi32, #tpu.memory_space<vmem>> -> memref<128xi32, #tpu.memory_space<vmem>>
    %dma_start3A_41 = arith.constant 0 : i32
    %dma_start3A_42 = arith.constant 0 : i32
    %dma_start3A_43 = tpu.memref_slice %arg2[%dma_start3A_41, %dma_start3A_42] : memref<100000x16xf32, #tpu.memory_space<hbm>> -> memref<100000x16xf32, #tpu.memory_space<hbm>>
    tpu.enqueue_indirect_dma source(%dma_start3A_43 : memref<100000x16xf32, #tpu.memory_space<hbm>>) target(%dma_start3A_37 : memref<128x16xf32, #tpu.memory_space<vmem>>) offsets(%dma_start3A_40 : memref<128xi32, #tpu.memory_space<vmem>>) semaphore(%arg8 : memref<!tpu.dma_semaphore, #tpu.memory_space<semaphore_mem>>)
    %dma_start3A_44 = arith.constant 4 : i32
    %dma_start3A_45 = arith.constant 512 : i32
    %dma_start3A_46 = arith.constant 0 : i32
    %dma_start3A_47 = tpu.memref_slice %arg6[%dma_start3A_45, %dma_start3A_46] : memref<640x16xf32, #tpu.memory_space<vmem>> -> memref<128x16xf32, #tpu.memory_space<vmem>>
    %dma_start3A_48 = arith.constant 0 : i32
    %dma_start3A_49 = tpu.memref_slice %arg5[%dma_start3A_44, %dma_start3A_48] : memref<100x128xi32, #tpu.memory_space<vmem>> -> memref<1x128xi32, #tpu.memory_space<vmem>>
    %dma_start3A_50 = tpu.memref_squeeze %dma_start3A_49 : memref<1x128xi32, #tpu.memory_space<vmem>> -> memref<128xi32, #tpu.memory_space<vmem>>
    %dma_start3A_51 = arith.constant 0 : i32
    %dma_start3A_52 = arith.constant 0 : i32
    %dma_start3A_53 = tpu.memref_slice %arg2[%dma_start3A_51, %dma_start3A_52] : memref<100000x16xf32, #tpu.memory_space<hbm>> -> memref<100000x16xf32, #tpu.memory_space<hbm>>
    tpu.enqueue_indirect_dma source(%dma_start3A_53 : memref<100000x16xf32, #tpu.memory_space<hbm>>) target(%dma_start3A_47 : memref<128x16xf32, #tpu.memory_space<vmem>>) offsets(%dma_start3A_50 : memref<128xi32, #tpu.memory_space<vmem>>) semaphore(%arg8 : memref<!tpu.dma_semaphore, #tpu.memory_space<semaphore_mem>>)
    %scan3A = arith.constant 0 : i32
    %scan3A_54 = arith.constant 10 : i32
    %scan3A_55 = arith.addi %scan3A, %scan3A_54 : i32
    %scan3A_56 = arith.constant 1 : i32
    scf.for %scan3A_63 = %scan3A to %scan3A_55 step %scan3A_56  : i32 {
      %mul3A_64 = arith.constant 1 : i32
      %mul3A_65 = arith.muli %scan3A_63, %mul3A_64 : i32
      %add3A_66 = arith.constant 0 : i32
      %add3A_67 = arith.addi %add3A_66, %mul3A_65 : i32
      %mul3A_68 = arith.constant 2 : i32
      %mul3A_69 = arith.muli %mul3A_68, %add3A_67 : i32
      %add3A_70 = arith.constant 0 : i32
      %add3A_71 = arith.addi %mul3A_69, %add3A_70 : i32
      %ge3A = arith.constant 1 : i32
      %ge3A_72 = arith.cmpi sge, %add3A_71, %ge3A : i32
      %convert_element_type3A = arith.extui %ge3A_72 : i1 to i32
      %cond3A = arith.constant 0 : i32
      %cond3A_73 = arith.cmpi ne, %convert_element_type3A, %cond3A : i32
      scf.if %cond3A_73 {
        %dma_wait3A_122 = arith.constant 0 : i32
        %dma_wait3A_123 = arith.constant 0 : i32
        %dma_wait3A_124 = tpu.memref_slice %arg4[%dma_wait3A_122, %dma_wait3A_123] : memref<409600x16xf32, #tpu.memory_space<hbm>> -> memref<640x16xf32, #tpu.memory_space<hbm>>
        %dma_wait3A_125 = arith.constant 0 : i32
        %dma_wait3A_126 = arith.constant 0 : i32
        %dma_wait3A_127 = tpu.memref_slice %arg4[%dma_wait3A_125, %dma_wait3A_126] : memref<409600x16xf32, #tpu.memory_space<hbm>> -> memref<640x16xf32, #tpu.memory_space<hbm>>
        tpu.wait_dma2 semaphore(%arg11 : memref<!tpu.dma_semaphore, #tpu.memory_space<semaphore_mem>>) src(%arg7 : memref<640x16xf32, #tpu.memory_space<vmem>>) dst(%dma_wait3A_127 : memref<640x16xf32, #tpu.memory_space<hbm>>)
      } else {
      }
      %add3A_74 = arith.constant 1 : i32
      %add3A_75 = arith.addi %add3A_71, %add3A_74 : i32
      %lt3A = arith.constant 20 : i32
      %lt3A_76 = arith.cmpi slt, %add3A_75, %lt3A : i32
      %convert_element_type3A_77 = arith.extui %lt3A_76 : i1 to i32
      %cond3A_78 = arith.constant 0 : i32
      %cond3A_79 = arith.cmpi ne, %convert_element_type3A_77, %cond3A_78 : i32
      scf.if %cond3A_79 {
        %add3A_122 = arith.constant 1 : i32
        %add3A_123 = arith.addi %add3A_71, %add3A_122 : i32
        %mul3A_124 = arith.constant 5 : i32
        %mul3A_125 = arith.muli %add3A_123, %mul3A_124 : i32
        %add3A_126 = arith.constant 0 : i32
        %add3A_127 = arith.addi %mul3A_125, %add3A_126 : i32
        %dma_start3A_128 = arith.constant 0 : i32
        %dma_start3A_129 = arith.constant 0 : i32
        %dma_start3A_130 = tpu.memref_slice %arg7[%dma_start3A_128, %dma_start3A_129] : memref<640x16xf32, #tpu.memory_space<vmem>> -> memref<128x16xf32, #tpu.memory_space<vmem>>
        %dma_start3A_131 = arith.constant 0 : i32
        %dma_start3A_132 = tpu.memref_slice %arg5[%add3A_127, %dma_start3A_131] : memref<100x128xi32, #tpu.memory_space<vmem>> -> memref<1x128xi32, #tpu.memory_space<vmem>>
        %dma_start3A_133 = tpu.memref_squeeze %dma_start3A_132 : memref<1x128xi32, #tpu.memory_space<vmem>> -> memref<128xi32, #tpu.memory_space<vmem>>
        %dma_start3A_134 = arith.constant 0 : i32
        %dma_start3A_135 = arith.constant 0 : i32
        %dma_start3A_136 = tpu.memref_slice %arg2[%dma_start3A_134, %dma_start3A_135] : memref<100000x16xf32, #tpu.memory_space<hbm>> -> memref<100000x16xf32, #tpu.memory_space<hbm>>
        tpu.enqueue_indirect_dma source(%dma_start3A_136 : memref<100000x16xf32, #tpu.memory_space<hbm>>) target(%dma_start3A_130 : memref<128x16xf32, #tpu.memory_space<vmem>>) offsets(%dma_start3A_133 : memref<128xi32, #tpu.memory_space<vmem>>) semaphore(%arg9 : memref<!tpu.dma_semaphore, #tpu.memory_space<semaphore_mem>>)
        %mul3A_137 = arith.constant 5 : i32
        %mul3A_138 = arith.muli %add3A_123, %mul3A_137 : i32
        %add3A_139 = arith.constant 1 : i32
        %add3A_140 = arith.addi %mul3A_138, %add3A_139 : i32
        %dma_start3A_141 = arith.constant 128 : i32
        %dma_start3A_142 = arith.constant 0 : i32
        %dma_start3A_143 = tpu.memref_slice %arg7[%dma_start3A_141, %dma_start3A_142] : memref<640x16xf32, #tpu.memory_space<vmem>> -> memref<128x16xf32, #tpu.memory_space<vmem>>
        %dma_start3A_144 = arith.constant 0 : i32
        %dma_start3A_145 = tpu.memref_slice %arg5[%add3A_140, %dma_start3A_144] : memref<100x128xi32, #tpu.memory_space<vmem>> -> memref<1x128xi32, #tpu.memory_space<vmem>>
        %dma_start3A_146 = tpu.memref_squeeze %dma_start3A_145 : memref<1x128xi32, #tpu.memory_space<vmem>> -> memref<128xi32, #tpu.memory_space<vmem>>
        %dma_start3A_147 = arith.constant 0 : i32
        %dma_start3A_148 = arith.constant 0 : i32
        %dma_start3A_149 = tpu.memref_slice %arg2[%dma_start3A_147, %dma_start3A_148] : memref<100000x16xf32, #tpu.memory_space<hbm>> -> memref<100000x16xf32, #tpu.memory_space<hbm>>
        tpu.enqueue_indirect_dma source(%dma_start3A_149 : memref<100000x16xf32, #tpu.memory_space<hbm>>) target(%dma_start3A_143 : memref<128x16xf32, #tpu.memory_space<vmem>>) offsets(%dma_start3A_146 : memref<128xi32, #tpu.memory_space<vmem>>) semaphore(%arg9 : memref<!tpu.dma_semaphore, #tpu.memory_space<semaphore_mem>>)
        %mul3A_150 = arith.constant 5 : i32
        %mul3A_151 = arith.muli %add3A_123, %mul3A_150 : i32
        %add3A_152 = arith.constant 2 : i32
        %add3A_153 = arith.addi %mul3A_151, %add3A_152 : i32
        %dma_start3A_154 = arith.constant 256 : i32
        %dma_start3A_155 = arith.constant 0 : i32
        %dma_start3A_156 = tpu.memref_slice %arg7[%dma_start3A_154, %dma_start3A_155] : memref<640x16xf32, #tpu.memory_space<vmem>> -> memref<128x16xf32, #tpu.memory_space<vmem>>
        %dma_start3A_157 = arith.constant 0 : i32
        %dma_start3A_158 = tpu.memref_slice %arg5[%add3A_153, %dma_start3A_157] : memref<100x128xi32, #tpu.memory_space<vmem>> -> memref<1x128xi32, #tpu.memory_space<vmem>>
        %dma_start3A_159 = tpu.memref_squeeze %dma_start3A_158 : memref<1x128xi32, #tpu.memory_space<vmem>> -> memref<128xi32, #tpu.memory_space<vmem>>
        %dma_start3A_160 = arith.constant 0 : i32
        %dma_start3A_161 = arith.constant 0 : i32
        %dma_start3A_162 = tpu.memref_slice %arg2[%dma_start3A_160, %dma_start3A_161] : memref<100000x16xf32, #tpu.memory_space<hbm>> -> memref<100000x16xf32, #tpu.memory_space<hbm>>
        tpu.enqueue_indirect_dma source(%dma_start3A_162 : memref<100000x16xf32, #tpu.memory_space<hbm>>) target(%dma_start3A_156 : memref<128x16xf32, #tpu.memory_space<vmem>>) offsets(%dma_start3A_159 : memref<128xi32, #tpu.memory_space<vmem>>) semaphore(%arg9 : memref<!tpu.dma_semaphore, #tpu.memory_space<semaphore_mem>>)
        %mul3A_163 = arith.constant 5 : i32
        %mul3A_164 = arith.muli %add3A_123, %mul3A_163 : i32
        %add3A_165 = arith.constant 3 : i32
        %add3A_166 = arith.addi %mul3A_164, %add3A_165 : i32
        %dma_start3A_167 = arith.constant 384 : i32
        %dma_start3A_168 = arith.constant 0 : i32
        %dma_start3A_169 = tpu.memref_slice %arg7[%dma_start3A_167, %dma_start3A_168] : memref<640x16xf32, #tpu.memory_space<vmem>> -> memref<128x16xf32, #tpu.memory_space<vmem>>
        %dma_start3A_170 = arith.constant 0 : i32
        %dma_start3A_171 = tpu.memref_slice %arg5[%add3A_166, %dma_start3A_170] : memref<100x128xi32, #tpu.memory_space<vmem>> -> memref<1x128xi32, #tpu.memory_space<vmem>>
        %dma_start3A_172 = tpu.memref_squeeze %dma_start3A_171 : memref<1x128xi32, #tpu.memory_space<vmem>> -> memref<128xi32, #tpu.memory_space<vmem>>
        %dma_start3A_173 = arith.constant 0 : i32
        %dma_start3A_174 = arith.constant 0 : i32
        %dma_start3A_175 = tpu.memref_slice %arg2[%dma_start3A_173, %dma_start3A_174] : memref<100000x16xf32, #tpu.memory_space<hbm>> -> memref<100000x16xf32, #tpu.memory_space<hbm>>
        tpu.enqueue_indirect_dma source(%dma_start3A_175 : memref<100000x16xf32, #tpu.memory_space<hbm>>) target(%dma_start3A_169 : memref<128x16xf32, #tpu.memory_space<vmem>>) offsets(%dma_start3A_172 : memref<128xi32, #tpu.memory_space<vmem>>) semaphore(%arg9 : memref<!tpu.dma_semaphore, #tpu.memory_space<semaphore_mem>>)
        %mul3A_176 = arith.constant 5 : i32
        %mul3A_177 = arith.muli %add3A_123, %mul3A_176 : i32
        %add3A_178 = arith.constant 4 : i32
        %add3A_179 = arith.addi %mul3A_177, %add3A_178 : i32
        %dma_start3A_180 = arith.constant 512 : i32
        %dma_start3A_181 = arith.constant 0 : i32
        %dma_start3A_182 = tpu.memref_slice %arg7[%dma_start3A_180, %dma_start3A_181] : memref<640x16xf32, #tpu.memory_space<vmem>> -> memref<128x16xf32, #tpu.memory_space<vmem>>
        %dma_start3A_183 = arith.constant 0 : i32
        %dma_start3A_184 = tpu.memref_slice %arg5[%add3A_179, %dma_start3A_183] : memref<100x128xi32, #tpu.memory_space<vmem>> -> memref<1x128xi32, #tpu.memory_space<vmem>>
        %dma_start3A_185 = tpu.memref_squeeze %dma_start3A_184 : memref<1x128xi32, #tpu.memory_space<vmem>> -> memref<128xi32, #tpu.memory_space<vmem>>
        %dma_start3A_186 = arith.constant 0 : i32
        %dma_start3A_187 = arith.constant 0 : i32
        %dma_start3A_188 = tpu.memref_slice %arg2[%dma_start3A_186, %dma_start3A_187] : memref<100000x16xf32, #tpu.memory_space<hbm>> -> memref<100000x16xf32, #tpu.memory_space<hbm>>
        tpu.enqueue_indirect_dma source(%dma_start3A_188 : memref<100000x16xf32, #tpu.memory_space<hbm>>) target(%dma_start3A_182 : memref<128x16xf32, #tpu.memory_space<vmem>>) offsets(%dma_start3A_185 : memref<128xi32, #tpu.memory_space<vmem>>) semaphore(%arg9 : memref<!tpu.dma_semaphore, #tpu.memory_space<semaphore_mem>>)
      } else {
      }
      %dma_wait3A_80 = arith.constant 0 : i32
      %dma_wait3A_81 = arith.constant 0 : i32
      %dma_wait3A_82 = tpu.memref_slice %arg2[%dma_wait3A_80, %dma_wait3A_81] : memref<100000x16xf32, #tpu.memory_space<hbm>> -> memref<640x16xf32, #tpu.memory_space<hbm>>
      %dma_wait3A_83 = arith.constant 0 : i32
      %dma_wait3A_84 = arith.constant 0 : i32
      %dma_wait3A_85 = tpu.memref_slice %arg2[%dma_wait3A_83, %dma_wait3A_84] : memref<100000x16xf32, #tpu.memory_space<hbm>> -> memref<640x16xf32, #tpu.memory_space<hbm>>
      tpu.wait_dma2 semaphore(%arg8 : memref<!tpu.dma_semaphore, #tpu.memory_space<semaphore_mem>>) src(%dma_wait3A_85 : memref<640x16xf32, #tpu.memory_space<hbm>>) dst(%arg6 : memref<640x16xf32, #tpu.memory_space<vmem>>)
      %mul3A_86 = arith.constant 640 : i32
      %mul3A_87 = arith.muli %add3A_71, %mul3A_86 : i32
      %add3A_88 = arith.addi %mul3A_4, %mul3A_87 : i32
      %dma_start3A_89 = arith.constant 0 : i32
      %dma_start3A_90 = tpu.memref_slice %arg4[%add3A_88, %dma_start3A_89] : memref<409600x16xf32, #tpu.memory_space<hbm>> -> memref<640x16xf32, #tpu.memory_space<hbm>>
      %dma_start3A_91 = arith.constant 0 : i32
      %dma_start3A_92 = tpu.memref_slice %arg4[%add3A_88, %dma_start3A_91] : memref<409600x16xf32, #tpu.memory_space<hbm>> -> memref<640x16xf32, #tpu.memory_space<hbm>>
      tpu.enqueue_dma source(%arg6 : memref<640x16xf32, #tpu.memory_space<vmem>>) target(%dma_start3A_92 : memref<640x16xf32, #tpu.memory_space<hbm>>) target_semaphore(%arg10 : memref<!tpu.dma_semaphore, #tpu.memory_space<semaphore_mem>>)
      %mul3A_93 = arith.constant 2 : i32
      %mul3A_94 = arith.muli %mul3A_93, %add3A_67 : i32
      %add3A_95 = arith.constant 1 : i32
      %add3A_96 = arith.addi %mul3A_94, %add3A_95 : i32
      %ge3A_97 = arith.constant 1 : i32
      %ge3A_98 = arith.cmpi sge, %add3A_96, %ge3A_97 : i32
      %convert_element_type3A_99 = arith.extui %ge3A_98 : i1 to i32
      %cond3A_100 = arith.constant 0 : i32
      %cond3A_101 = arith.cmpi ne, %convert_element_type3A_99, %cond3A_100 : i32
      scf.if %cond3A_101 {
        %dma_wait3A_122 = arith.constant 0 : i32
        %dma_wait3A_123 = arith.constant 0 : i32
        %dma_wait3A_124 = tpu.memref_slice %arg4[%dma_wait3A_122, %dma_wait3A_123] : memref<409600x16xf32, #tpu.memory_space<hbm>> -> memref<640x16xf32, #tpu.memory_space<hbm>>
        %dma_wait3A_125 = arith.constant 0 : i32
        %dma_wait3A_126 = arith.constant 0 : i32
        %dma_wait3A_127 = tpu.memref_slice %arg4[%dma_wait3A_125, %dma_wait3A_126] : memref<409600x16xf32, #tpu.memory_space<hbm>> -> memref<640x16xf32, #tpu.memory_space<hbm>>
        tpu.wait_dma2 semaphore(%arg10 : memref<!tpu.dma_semaphore, #tpu.memory_space<semaphore_mem>>) src(%arg6 : memref<640x16xf32, #tpu.memory_space<vmem>>) dst(%dma_wait3A_127 : memref<640x16xf32, #tpu.memory_space<hbm>>)
      } else {
      }
      %add3A_102 = arith.constant 1 : i32
      %add3A_103 = arith.addi %add3A_96, %add3A_102 : i32
      %lt3A_104 = arith.constant 20 : i32
      %lt3A_105 = arith.cmpi slt, %add3A_103, %lt3A_104 : i32
      %convert_element_type3A_106 = arith.extui %lt3A_105 : i1 to i32
      %cond3A_107 = arith.constant 0 : i32
      %cond3A_108 = arith.cmpi ne, %convert_element_type3A_106, %cond3A_107 : i32
      scf.if %cond3A_108 {
        %add3A_122 = arith.constant 1 : i32
        %add3A_123 = arith.addi %add3A_96, %add3A_122 : i32
        %mul3A_124 = arith.constant 5 : i32
        %mul3A_125 = arith.muli %add3A_123, %mul3A_124 : i32
        %add3A_126 = arith.constant 0 : i32
        %add3A_127 = arith.addi %mul3A_125, %add3A_126 : i32
        %dma_start3A_128 = arith.constant 0 : i32
        %dma_start3A_129 = arith.constant 0 : i32
        %dma_start3A_130 = tpu.memref_slice %arg6[%dma_start3A_128, %dma_start3A_129] : memref<640x16xf32, #tpu.memory_space<vmem>> -> memref<128x16xf32, #tpu.memory_space<vmem>>
        %dma_start3A_131 = arith.constant 0 : i32
        %dma_start3A_132 = tpu.memref_slice %arg5[%add3A_127, %dma_start3A_131] : memref<100x128xi32, #tpu.memory_space<vmem>> -> memref<1x128xi32, #tpu.memory_space<vmem>>
        %dma_start3A_133 = tpu.memref_squeeze %dma_start3A_132 : memref<1x128xi32, #tpu.memory_space<vmem>> -> memref<128xi32, #tpu.memory_space<vmem>>
        %dma_start3A_134 = arith.constant 0 : i32
        %dma_start3A_135 = arith.constant 0 : i32
        %dma_start3A_136 = tpu.memref_slice %arg2[%dma_start3A_134, %dma_start3A_135] : memref<100000x16xf32, #tpu.memory_space<hbm>> -> memref<100000x16xf32, #tpu.memory_space<hbm>>
        tpu.enqueue_indirect_dma source(%dma_start3A_136 : memref<100000x16xf32, #tpu.memory_space<hbm>>) target(%dma_start3A_130 : memref<128x16xf32, #tpu.memory_space<vmem>>) offsets(%dma_start3A_133 : memref<128xi32, #tpu.memory_space<vmem>>) semaphore(%arg8 : memref<!tpu.dma_semaphore, #tpu.memory_space<semaphore_mem>>)
        %mul3A_137 = arith.constant 5 : i32
        %mul3A_138 = arith.muli %add3A_123, %mul3A_137 : i32
        %add3A_139 = arith.constant 1 : i32
        %add3A_140 = arith.addi %mul3A_138, %add3A_139 : i32
        %dma_start3A_141 = arith.constant 128 : i32
        %dma_start3A_142 = arith.constant 0 : i32
        %dma_start3A_143 = tpu.memref_slice %arg6[%dma_start3A_141, %dma_start3A_142] : memref<640x16xf32, #tpu.memory_space<vmem>> -> memref<128x16xf32, #tpu.memory_space<vmem>>
        %dma_start3A_144 = arith.constant 0 : i32
        %dma_start3A_145 = tpu.memref_slice %arg5[%add3A_140, %dma_start3A_144] : memref<100x128xi32, #tpu.memory_space<vmem>> -> memref<1x128xi32, #tpu.memory_space<vmem>>
        %dma_start3A_146 = tpu.memref_squeeze %dma_start3A_145 : memref<1x128xi32, #tpu.memory_space<vmem>> -> memref<128xi32, #tpu.memory_space<vmem>>
        %dma_start3A_147 = arith.constant 0 : i32
        %dma_start3A_148 = arith.constant 0 : i32
        %dma_start3A_149 = tpu.memref_slice %arg2[%dma_start3A_147, %dma_start3A_148] : memref<100000x16xf32, #tpu.memory_space<hbm>> -> memref<100000x16xf32, #tpu.memory_space<hbm>>
        tpu.enqueue_indirect_dma source(%dma_start3A_149 : memref<100000x16xf32, #tpu.memory_space<hbm>>) target(%dma_start3A_143 : memref<128x16xf32, #tpu.memory_space<vmem>>) offsets(%dma_start3A_146 : memref<128xi32, #tpu.memory_space<vmem>>) semaphore(%arg8 : memref<!tpu.dma_semaphore, #tpu.memory_space<semaphore_mem>>)
        %mul3A_150 = arith.constant 5 : i32
        %mul3A_151 = arith.muli %add3A_123, %mul3A_150 : i32
        %add3A_152 = arith.constant 2 : i32
        %add3A_153 = arith.addi %mul3A_151, %add3A_152 : i32
        %dma_start3A_154 = arith.constant 256 : i32
        %dma_start3A_155 = arith.constant 0 : i32
        %dma_start3A_156 = tpu.memref_slice %arg6[%dma_start3A_154, %dma_start3A_155] : memref<640x16xf32, #tpu.memory_space<vmem>> -> memref<128x16xf32, #tpu.memory_space<vmem>>
        %dma_start3A_157 = arith.constant 0 : i32
        %dma_start3A_158 = tpu.memref_slice %arg5[%add3A_153, %dma_start3A_157] : memref<100x128xi32, #tpu.memory_space<vmem>> -> memref<1x128xi32, #tpu.memory_space<vmem>>
        %dma_start3A_159 = tpu.memref_squeeze %dma_start3A_158 : memref<1x128xi32, #tpu.memory_space<vmem>> -> memref<128xi32, #tpu.memory_space<vmem>>
        %dma_start3A_160 = arith.constant 0 : i32
        %dma_start3A_161 = arith.constant 0 : i32
        %dma_start3A_162 = tpu.memref_slice %arg2[%dma_start3A_160, %dma_start3A_161] : memref<100000x16xf32, #tpu.memory_space<hbm>> -> memref<100000x16xf32, #tpu.memory_space<hbm>>
        tpu.enqueue_indirect_dma source(%dma_start3A_162 : memref<100000x16xf32, #tpu.memory_space<hbm>>) target(%dma_start3A_156 : memref<128x16xf32, #tpu.memory_space<vmem>>) offsets(%dma_start3A_159 : memref<128xi32, #tpu.memory_space<vmem>>) semaphore(%arg8 : memref<!tpu.dma_semaphore, #tpu.memory_space<semaphore_mem>>)
        %mul3A_163 = arith.constant 5 : i32
        %mul3A_164 = arith.muli %add3A_123, %mul3A_163 : i32
        %add3A_165 = arith.constant 3 : i32
        %add3A_166 = arith.addi %mul3A_164, %add3A_165 : i32
        %dma_start3A_167 = arith.constant 384 : i32
        %dma_start3A_168 = arith.constant 0 : i32
        %dma_start3A_169 = tpu.memref_slice %arg6[%dma_start3A_167, %dma_start3A_168] : memref<640x16xf32, #tpu.memory_space<vmem>> -> memref<128x16xf32, #tpu.memory_space<vmem>>
        %dma_start3A_170 = arith.constant 0 : i32
        %dma_start3A_171 = tpu.memref_slice %arg5[%add3A_166, %dma_start3A_170] : memref<100x128xi32, #tpu.memory_space<vmem>> -> memref<1x128xi32, #tpu.memory_space<vmem>>
        %dma_start3A_172 = tpu.memref_squeeze %dma_start3A_171 : memref<1x128xi32, #tpu.memory_space<vmem>> -> memref<128xi32, #tpu.memory_space<vmem>>
        %dma_start3A_173 = arith.constant 0 : i32
        %dma_start3A_174 = arith.constant 0 : i32
        %dma_start3A_175 = tpu.memref_slice %arg2[%dma_start3A_173, %dma_start3A_174] : memref<100000x16xf32, #tpu.memory_space<hbm>> -> memref<100000x16xf32, #tpu.memory_space<hbm>>
        tpu.enqueue_indirect_dma source(%dma_start3A_175 : memref<100000x16xf32, #tpu.memory_space<hbm>>) target(%dma_start3A_169 : memref<128x16xf32, #tpu.memory_space<vmem>>) offsets(%dma_start3A_172 : memref<128xi32, #tpu.memory_space<vmem>>) semaphore(%arg8 : memref<!tpu.dma_semaphore, #tpu.memory_space<semaphore_mem>>)
        %mul3A_176 = arith.constant 5 : i32
        %mul3A_177 = arith.muli %add3A_123, %mul3A_176 : i32
        %add3A_178 = arith.constant 4 : i32
        %add3A_179 = arith.addi %mul3A_177, %add3A_178 : i32
        %dma_start3A_180 = arith.constant 512 : i32
        %dma_start3A_181 = arith.constant 0 : i32
        %dma_start3A_182 = tpu.memref_slice %arg6[%dma_start3A_180, %dma_start3A_181] : memref<640x16xf32, #tpu.memory_space<vmem>> -> memref<128x16xf32, #tpu.memory_space<vmem>>
        %dma_start3A_183 = arith.constant 0 : i32
        %dma_start3A_184 = tpu.memref_slice %arg5[%add3A_179, %dma_start3A_183] : memref<100x128xi32, #tpu.memory_space<vmem>> -> memref<1x128xi32, #tpu.memory_space<vmem>>
        %dma_start3A_185 = tpu.memref_squeeze %dma_start3A_184 : memref<1x128xi32, #tpu.memory_space<vmem>> -> memref<128xi32, #tpu.memory_space<vmem>>
        %dma_start3A_186 = arith.constant 0 : i32
        %dma_start3A_187 = arith.constant 0 : i32
        %dma_start3A_188 = tpu.memref_slice %arg2[%dma_start3A_186, %dma_start3A_187] : memref<100000x16xf32, #tpu.memory_space<hbm>> -> memref<100000x16xf32, #tpu.memory_space<hbm>>
        tpu.enqueue_indirect_dma source(%dma_start3A_188 : memref<100000x16xf32, #tpu.memory_space<hbm>>) target(%dma_start3A_182 : memref<128x16xf32, #tpu.memory_space<vmem>>) offsets(%dma_start3A_185 : memref<128xi32, #tpu.memory_space<vmem>>) semaphore(%arg8 : memref<!tpu.dma_semaphore, #tpu.memory_space<semaphore_mem>>)
      } else {
      }
      %dma_wait3A_109 = arith.constant 0 : i32
      %dma_wait3A_110 = arith.constant 0 : i32
      %dma_wait3A_111 = tpu.memref_slice %arg2[%dma_wait3A_109, %dma_wait3A_110] : memref<100000x16xf32, #tpu.memory_space<hbm>> -> memref<640x16xf32, #tpu.memory_space<hbm>>
      %dma_wait3A_112 = arith.constant 0 : i32
      %dma_wait3A_113 = arith.constant 0 : i32
      %dma_wait3A_114 = tpu.memref_slice %arg2[%dma_wait3A_112, %dma_wait3A_113] : memref<100000x16xf32, #tpu.memory_space<hbm>> -> memref<640x16xf32, #tpu.memory_space<hbm>>
      tpu.wait_dma2 semaphore(%arg9 : memref<!tpu.dma_semaphore, #tpu.memory_space<semaphore_mem>>) src(%dma_wait3A_114 : memref<640x16xf32, #tpu.memory_space<hbm>>) dst(%arg7 : memref<640x16xf32, #tpu.memory_space<vmem>>)
      %mul3A_115 = arith.constant 640 : i32
      %mul3A_116 = arith.muli %add3A_96, %mul3A_115 : i32
      %add3A_117 = arith.addi %mul3A_4, %mul3A_116 : i32
      %dma_start3A_118 = arith.constant 0 : i32
      %dma_start3A_119 = tpu.memref_slice %arg4[%add3A_117, %dma_start3A_118] : memref<409600x16xf32, #tpu.memory_space<hbm>> -> memref<640x16xf32, #tpu.memory_space<hbm>>
      %dma_start3A_120 = arith.constant 0 : i32
      %dma_start3A_121 = tpu.memref_slice %arg4[%add3A_117, %dma_start3A_120] : memref<409600x16xf32, #tpu.memory_space<hbm>> -> memref<640x16xf32, #tpu.memory_space<hbm>>
      tpu.enqueue_dma source(%arg7 : memref<640x16xf32, #tpu.memory_space<vmem>>) target(%dma_start3A_121 : memref<640x16xf32, #tpu.memory_space<hbm>>) target_semaphore(%arg11 : memref<!tpu.dma_semaphore, #tpu.memory_space<semaphore_mem>>)
    }
    %scan3A_57 = arith.constant 10 : i32
    %dma_wait3A = arith.constant 0 : i32
    %dma_wait3A_58 = arith.constant 0 : i32
    %dma_wait3A_59 = tpu.memref_slice %arg4[%dma_wait3A, %dma_wait3A_58] : memref<409600x16xf32, #tpu.memory_space<hbm>> -> memref<640x16xf32, #tpu.memory_space<hbm>>
    %dma_wait3A_60 = arith.constant 0 : i32
    %dma_wait3A_61 = arith.constant 0 : i32
    %dma_wait3A_62 = tpu.memref_slice %arg4[%dma_wait3A_60, %dma_wait3A_61] : memref<409600x16xf32, #tpu.memory_space<hbm>> -> memref<640x16xf32, #tpu.memory_space<hbm>>
    tpu.wait_dma2 semaphore(%arg11 : memref<!tpu.dma_semaphore, #tpu.memory_space<semaphore_mem>>) src(%arg7 : memref<640x16xf32, #tpu.memory_space<vmem>>) dst(%dma_wait3A_62 : memref<640x16xf32, #tpu.memory_space<hbm>>)
    return
  }
}

#map = affine_map<(d0, d1) -> (0, 0)>
module attributes {stable_mosaic.version = 14 : i64} {
  func.func @gather_kernel(%arg0: i32, %arg1: i32, %arg2: memref<100000x16xf32, #tpu.memory_space<hbm>>, %arg3: memref<3200x128xi32, #tpu.memory_space<hbm>>, %arg4: memref<409600x16xf32, #tpu.memory_space<hbm>>, %arg5: memref<100x128xi32, #tpu.memory_space<vmem>>, %arg6: memref<640x16xf32, #tpu.memory_space<vmem>>, %arg7: memref<640x16xf32, #tpu.memory_space<vmem>>, %arg8: memref<!tpu.dma_semaphore, #tpu.memory_space<semaphore_mem>>, %arg9: memref<!tpu.dma_semaphore, #tpu.memory_space<semaphore_mem>>, %arg10: memref<!tpu.dma_semaphore, #tpu.memory_space<semaphore_mem>>, %arg11: memref<!tpu.dma_semaphore, #tpu.memory_space<semaphore_mem>>) attributes {dimension_semantics = [#tpu.dimension_semantics<core_parallel>, #tpu.dimension_semantics<subcore_parallel>], iteration_bounds = array<i64: 2, 16>, scalar_prefetch = 0 : i64, scratch_operands = 7 : i64, tpu.core_type = #tpu.core_type<sc_vector_subcore>, window_params = [{transform_indices = #map}, {transform_indices = #map}, {transform_indices = #map}]} {
    %mul3A = arith.constant 2 : i32
    %mul3A_0 = arith.muli %arg1, %mul3A : i32
    %add3A = arith.addi %mul3A_0, %arg0 : i32
    %mul3A_1 = arith.constant 100 : i32
    %mul3A_2 = arith.muli %add3A, %mul3A_1 : i32
    "tpu.region"() ({
      %run_scoped3A = tpu.sem_alloc : memref<!tpu.dma_semaphore, #tpu.memory_space<semaphore_mem>>
      %dma_start3A_63 = arith.constant 0 : i32
      %dma_start3A_64 = tpu.memref_slice %arg3[%mul3A_2, %dma_start3A_63] : memref<3200x128xi32, #tpu.memory_space<hbm>> -> memref<100x128xi32, #tpu.memory_space<hbm>>
      %dma_start3A_65 = arith.constant 0 : i32
      %dma_start3A_66 = tpu.memref_slice %arg3[%mul3A_2, %dma_start3A_65] : memref<3200x128xi32, #tpu.memory_space<hbm>> -> memref<100x128xi32, #tpu.memory_space<hbm>>
      tpu.enqueue_dma source(%dma_start3A_66 : memref<100x128xi32, #tpu.memory_space<hbm>>) target(%arg5 : memref<100x128xi32, #tpu.memory_space<vmem>>) target_semaphore(%run_scoped3A : memref<!tpu.dma_semaphore, #tpu.memory_space<semaphore_mem>>)
      %dma_wait3A_67 = arith.constant 0 : i32
      %dma_wait3A_68 = tpu.memref_slice %arg3[%mul3A_2, %dma_wait3A_67] : memref<3200x128xi32, #tpu.memory_space<hbm>> -> memref<100x128xi32, #tpu.memory_space<hbm>>
      %dma_wait3A_69 = arith.constant 0 : i32
      %dma_wait3A_70 = tpu.memref_slice %arg3[%mul3A_2, %dma_wait3A_69] : memref<3200x128xi32, #tpu.memory_space<hbm>> -> memref<100x128xi32, #tpu.memory_space<hbm>>
      tpu.wait_dma2 semaphore(%run_scoped3A : memref<!tpu.dma_semaphore, #tpu.memory_space<semaphore_mem>>) src(%dma_wait3A_70 : memref<100x128xi32, #tpu.memory_space<hbm>>) dst(%arg5 : memref<100x128xi32, #tpu.memory_space<vmem>>)
      tpu.yield
    }) : () -> ()
    %mul3A_3 = arith.constant 12800 : i32
    %mul3A_4 = arith.muli %add3A, %mul3A_3 : i32
    %dma_start3A = arith.constant 0 : i32
    %dma_start3A_5 = arith.constant 0 : i32
    %dma_start3A_6 = arith.constant 0 : i32
    %dma_start3A_7 = tpu.memref_slice %arg6[%dma_start3A_5, %dma_start3A_6] : memref<640x16xf32, #tpu.memory_space<vmem>> -> memref<128x16xf32, #tpu.memory_space<vmem>>
    %dma_start3A_8 = arith.constant 0 : i32
    %dma_start3A_9 = tpu.memref_slice %arg5[%dma_start3A, %dma_start3A_8] : memref<100x128xi32, #tpu.memory_space<vmem>> -> memref<1x128xi32, #tpu.memory_space<vmem>>
    %dma_start3A_10 = tpu.memref_squeeze %dma_start3A_9 : memref<1x128xi32, #tpu.memory_space<vmem>> -> memref<128xi32, #tpu.memory_space<vmem>>
    %dma_start3A_11 = arith.constant 0 : i32
    %dma_start3A_12 = arith.constant 0 : i32
    %dma_start3A_13 = tpu.memref_slice %arg2[%dma_start3A_11, %dma_start3A_12] : memref<100000x16xf32, #tpu.memory_space<hbm>> -> memref<100000x16xf32, #tpu.memory_space<hbm>>
    tpu.enqueue_indirect_dma source(%dma_start3A_13 : memref<100000x16xf32, #tpu.memory_space<hbm>>) target(%dma_start3A_7 : memref<128x16xf32, #tpu.memory_space<vmem>>) offsets(%dma_start3A_10 : memref<128xi32, #tpu.memory_space<vmem>>) semaphore(%arg8 : memref<!tpu.dma_semaphore, #tpu.memory_space<semaphore_mem>>)
    %dma_start3A_14 = arith.constant 1 : i32
    %dma_start3A_15 = arith.constant 128 : i32
    %dma_start3A_16 = arith.constant 0 : i32
    %dma_start3A_17 = tpu.memref_slice %arg6[%dma_start3A_15, %dma_start3A_16] : memref<640x16xf32, #tpu.memory_space<vmem>> -> memref<128x16xf32, #tpu.memory_space<vmem>>
    %dma_start3A_18 = arith.constant 0 : i32
    %dma_start3A_19 = tpu.memref_slice %arg5[%dma_start3A_14, %dma_start3A_18] : memref<100x128xi32, #tpu.memory_space<vmem>> -> memref<1x128xi32, #tpu.memory_space<vmem>>
    %dma_start3A_20 = tpu.memref_squeeze %dma_start3A_19 : memref<1x128xi32, #tpu.memory_space<vmem>> -> memref<128xi32, #tpu.memory_space<vmem>>
    %dma_start3A_21 = arith.constant 0 : i32
    %dma_start3A_22 = arith.constant 0 : i32
    %dma_start3A_23 = tpu.memref_slice %arg2[%dma_start3A_21, %dma_start3A_22] : memref<100000x16xf32, #tpu.memory_space<hbm>> -> memref<100000x16xf32, #tpu.memory_space<hbm>>
    tpu.enqueue_indirect_dma source(%dma_start3A_23 : memref<100000x16xf32, #tpu.memory_space<hbm>>) target(%dma_start3A_17 : memref<128x16xf32, #tpu.memory_space<vmem>>) offsets(%dma_start3A_20 : memref<128xi32, #tpu.memory_space<vmem>>) semaphore(%arg8 : memref<!tpu.dma_semaphore, #tpu.memory_space<semaphore_mem>>)
    %dma_start3A_24 = arith.constant 2 : i32
    %dma_start3A_25 = arith.constant 256 : i32
    %dma_start3A_26 = arith.constant 0 : i32
    %dma_start3A_27 = tpu.memref_slice %arg6[%dma_start3A_25, %dma_start3A_26] : memref<640x16xf32, #tpu.memory_space<vmem>> -> memref<128x16xf32, #tpu.memory_space<vmem>>
    %dma_start3A_28 = arith.constant 0 : i32
    %dma_start3A_29 = tpu.memref_slice %arg5[%dma_start3A_24, %dma_start3A_28] : memref<100x128xi32, #tpu.memory_space<vmem>> -> memref<1x128xi32, #tpu.memory_space<vmem>>
    %dma_start3A_30 = tpu.memref_squeeze %dma_start3A_29 : memref<1x128xi32, #tpu.memory_space<vmem>> -> memref<128xi32, #tpu.memory_space<vmem>>
    %dma_start3A_31 = arith.constant 0 : i32
    %dma_start3A_32 = arith.constant 0 : i32
    %dma_start3A_33 = tpu.memref_slice %arg2[%dma_start3A_31, %dma_start3A_32] : memref<100000x16xf32, #tpu.memory_space<hbm>> -> memref<100000x16xf32, #tpu.memory_space<hbm>>
    tpu.enqueue_indirect_dma source(%dma_start3A_33 : memref<100000x16xf32, #tpu.memory_space<hbm>>) target(%dma_start3A_27 : memref<128x16xf32, #tpu.memory_space<vmem>>) offsets(%dma_start3A_30 : memref<128xi32, #tpu.memory_space<vmem>>) semaphore(%arg8 : memref<!tpu.dma_semaphore, #tpu.memory_space<semaphore_mem>>)
    %dma_start3A_34 = arith.constant 3 : i32
    %dma_start3A_35 = arith.constant 384 : i32
    %dma_start3A_36 = arith.constant 0 : i32
    %dma_start3A_37 = tpu.memref_slice %arg6[%dma_start3A_35, %dma_start3A_36] : memref<640x16xf32, #tpu.memory_space<vmem>> -> memref<128x16xf32, #tpu.memory_space<vmem>>
    %dma_start3A_38 = arith.constant 0 : i32
    %dma_start3A_39 = tpu.memref_slice %arg5[%dma_start3A_34, %dma_start3A_38] : memref<100x128xi32, #tpu.memory_space<vmem>> -> memref<1x128xi32, #tpu.memory_space<vmem>>
    %dma_start3A_40 = tpu.memref_squeeze %dma_start3A_39 : memref<1x128xi32, #tpu.memory_space<vmem>> -> memref<128xi32, #tpu.memory_space<vmem>>
    %dma_start3A_41 = arith.constant 0 : i32
    %dma_start3A_42 = arith.constant 0 : i32
    %dma_start3A_43 = tpu.memref_slice %arg2[%dma_start3A_41, %dma_start3A_42] : memref<100000x16xf32, #tpu.memory_space<hbm>> -> memref<100000x16xf32, #tpu.memory_space<hbm>>
    tpu.enqueue_indirect_dma source(%dma_start3A_43 : memref<100000x16xf32, #tpu.memory_space<hbm>>) target(%dma_start3A_37 : memref<128x16xf32, #tpu.memory_space<vmem>>) offsets(%dma_start3A_40 : memref<128xi32, #tpu.memory_space<vmem>>) semaphore(%arg8 : memref<!tpu.dma_semaphore, #tpu.memory_space<semaphore_mem>>)
    %dma_start3A_44 = arith.constant 4 : i32
    %dma_start3A_45 = arith.constant 512 : i32
    %dma_start3A_46 = arith.constant 0 : i32
    %dma_start3A_47 = tpu.memref_slice %arg6[%dma_start3A_45, %dma_start3A_46] : memref<640x16xf32, #tpu.memory_space<vmem>> -> memref<128x16xf32, #tpu.memory_space<vmem>>
    %dma_start3A_48 = arith.constant 0 : i32
    %dma_start3A_49 = tpu.memref_slice %arg5[%dma_start3A_44, %dma_start3A_48] : memref<100x128xi32, #tpu.memory_space<vmem>> -> memref<1x128xi32, #tpu.memory_space<vmem>>
    %dma_start3A_50 = tpu.memref_squeeze %dma_start3A_49 : memref<1x128xi32, #tpu.memory_space<vmem>> -> memref<128xi32, #tpu.memory_space<vmem>>
    %dma_start3A_51 = arith.constant 0 : i32
    %dma_start3A_52 = arith.constant 0 : i32
    %dma_start3A_53 = tpu.memref_slice %arg2[%dma_start3A_51, %dma_start3A_52] : memref<100000x16xf32, #tpu.memory_space<hbm>> -> memref<100000x16xf32, #tpu.memory_space<hbm>>
    tpu.enqueue_indirect_dma source(%dma_start3A_53 : memref<100000x16xf32, #tpu.memory_space<hbm>>) target(%dma_start3A_47 : memref<128x16xf32, #tpu.memory_space<vmem>>) offsets(%dma_start3A_50 : memref<128xi32, #tpu.memory_space<vmem>>) semaphore(%arg8 : memref<!tpu.dma_semaphore, #tpu.memory_space<semaphore_mem>>)
    %scan3A = arith.constant 0 : i32
    %scan3A_54 = arith.constant 10 : i32
    %scan3A_55 = arith.addi %scan3A, %scan3A_54 : i32
    %scan3A_56 = arith.constant 1 : i32
    scf.for %scan3A_63 = %scan3A to %scan3A_55 step %scan3A_56  : i32 {
      %mul3A_64 = arith.constant 1 : i32
      %mul3A_65 = arith.muli %scan3A_63, %mul3A_64 : i32
      %add3A_66 = arith.constant 0 : i32
      %add3A_67 = arith.addi %add3A_66, %mul3A_65 : i32
      %mul3A_68 = arith.constant 2 : i32
      %mul3A_69 = arith.muli %mul3A_68, %add3A_67 : i32
      %add3A_70 = arith.constant 0 : i32
      %add3A_71 = arith.addi %mul3A_69, %add3A_70 : i32
      %ge3A = arith.constant 1 : i32
      %ge3A_72 = arith.cmpi sge, %add3A_71, %ge3A : i32
      %convert_element_type3A = arith.extui %ge3A_72 : i1 to i32
      %cond3A = arith.constant 0 : i32
      %cond3A_73 = arith.cmpi ne, %convert_element_type3A, %cond3A : i32
      scf.if %cond3A_73 {
        %dma_wait3A_122 = arith.constant 0 : i32
        %dma_wait3A_123 = arith.constant 0 : i32
        %dma_wait3A_124 = tpu.memref_slice %arg4[%dma_wait3A_122, %dma_wait3A_123] : memref<409600x16xf32, #tpu.memory_space<hbm>> -> memref<640x16xf32, #tpu.memory_space<hbm>>
        %dma_wait3A_125 = arith.constant 0 : i32
        %dma_wait3A_126 = arith.constant 0 : i32
        %dma_wait3A_127 = tpu.memref_slice %arg4[%dma_wait3A_125, %dma_wait3A_126] : memref<409600x16xf32, #tpu.memory_space<hbm>> -> memref<640x16xf32, #tpu.memory_space<hbm>>
        tpu.wait_dma2 semaphore(%arg11 : memref<!tpu.dma_semaphore, #tpu.memory_space<semaphore_mem>>) src(%arg7 : memref<640x16xf32, #tpu.memory_space<vmem>>) dst(%dma_wait3A_127 : memref<640x16xf32, #tpu.memory_space<hbm>>)
      } else {
      }
      %add3A_74 = arith.constant 1 : i32
      %add3A_75 = arith.addi %add3A_71, %add3A_74 : i32
      %lt3A = arith.constant 20 : i32
      %lt3A_76 = arith.cmpi slt, %add3A_75, %lt3A : i32
      %convert_element_type3A_77 = arith.extui %lt3A_76 : i1 to i32
      %cond3A_78 = arith.constant 0 : i32
      %cond3A_79 = arith.cmpi ne, %convert_element_type3A_77, %cond3A_78 : i32
      scf.if %cond3A_79 {
        %add3A_122 = arith.constant 1 : i32
        %add3A_123 = arith.addi %add3A_71, %add3A_122 : i32
        %mul3A_124 = arith.constant 5 : i32
        %mul3A_125 = arith.muli %add3A_123, %mul3A_124 : i32
        %add3A_126 = arith.constant 0 : i32
        %add3A_127 = arith.addi %mul3A_125, %add3A_126 : i32
        %dma_start3A_128 = arith.constant 0 : i32
        %dma_start3A_129 = arith.constant 0 : i32
        %dma_start3A_130 = tpu.memref_slice %arg7[%dma_start3A_128, %dma_start3A_129] : memref<640x16xf32, #tpu.memory_space<vmem>> -> memref<128x16xf32, #tpu.memory_space<vmem>>
        %dma_start3A_131 = arith.constant 0 : i32
        %dma_start3A_132 = tpu.memref_slice %arg5[%add3A_127, %dma_start3A_131] : memref<100x128xi32, #tpu.memory_space<vmem>> -> memref<1x128xi32, #tpu.memory_space<vmem>>
        %dma_start3A_133 = tpu.memref_squeeze %dma_start3A_132 : memref<1x128xi32, #tpu.memory_space<vmem>> -> memref<128xi32, #tpu.memory_space<vmem>>
        %dma_start3A_134 = arith.constant 0 : i32
        %dma_start3A_135 = arith.constant 0 : i32
        %dma_start3A_136 = tpu.memref_slice %arg2[%dma_start3A_134, %dma_start3A_135] : memref<100000x16xf32, #tpu.memory_space<hbm>> -> memref<100000x16xf32, #tpu.memory_space<hbm>>
        tpu.enqueue_indirect_dma source(%dma_start3A_136 : memref<100000x16xf32, #tpu.memory_space<hbm>>) target(%dma_start3A_130 : memref<128x16xf32, #tpu.memory_space<vmem>>) offsets(%dma_start3A_133 : memref<128xi32, #tpu.memory_space<vmem>>) semaphore(%arg9 : memref<!tpu.dma_semaphore, #tpu.memory_space<semaphore_mem>>)
        %mul3A_137 = arith.constant 5 : i32
        %mul3A_138 = arith.muli %add3A_123, %mul3A_137 : i32
        %add3A_139 = arith.constant 1 : i32
        %add3A_140 = arith.addi %mul3A_138, %add3A_139 : i32
        %dma_start3A_141 = arith.constant 128 : i32
        %dma_start3A_142 = arith.constant 0 : i32
        %dma_start3A_143 = tpu.memref_slice %arg7[%dma_start3A_141, %dma_start3A_142] : memref<640x16xf32, #tpu.memory_space<vmem>> -> memref<128x16xf32, #tpu.memory_space<vmem>>
        %dma_start3A_144 = arith.constant 0 : i32
        %dma_start3A_145 = tpu.memref_slice %arg5[%add3A_140, %dma_start3A_144] : memref<100x128xi32, #tpu.memory_space<vmem>> -> memref<1x128xi32, #tpu.memory_space<vmem>>
        %dma_start3A_146 = tpu.memref_squeeze %dma_start3A_145 : memref<1x128xi32, #tpu.memory_space<vmem>> -> memref<128xi32, #tpu.memory_space<vmem>>
        %dma_start3A_147 = arith.constant 0 : i32
        %dma_start3A_148 = arith.constant 0 : i32
        %dma_start3A_149 = tpu.memref_slice %arg2[%dma_start3A_147, %dma_start3A_148] : memref<100000x16xf32, #tpu.memory_space<hbm>> -> memref<100000x16xf32, #tpu.memory_space<hbm>>
        tpu.enqueue_indirect_dma source(%dma_start3A_149 : memref<100000x16xf32, #tpu.memory_space<hbm>>) target(%dma_start3A_143 : memref<128x16xf32, #tpu.memory_space<vmem>>) offsets(%dma_start3A_146 : memref<128xi32, #tpu.memory_space<vmem>>) semaphore(%arg9 : memref<!tpu.dma_semaphore, #tpu.memory_space<semaphore_mem>>)
        %mul3A_150 = arith.constant 5 : i32
        %mul3A_151 = arith.muli %add3A_123, %mul3A_150 : i32
        %add3A_152 = arith.constant 2 : i32
        %add3A_153 = arith.addi %mul3A_151, %add3A_152 : i32
        %dma_start3A_154 = arith.constant 256 : i32
        %dma_start3A_155 = arith.constant 0 : i32
        %dma_start3A_156 = tpu.memref_slice %arg7[%dma_start3A_154, %dma_start3A_155] : memref<640x16xf32, #tpu.memory_space<vmem>> -> memref<128x16xf32, #tpu.memory_space<vmem>>
        %dma_start3A_157 = arith.constant 0 : i32
        %dma_start3A_158 = tpu.memref_slice %arg5[%add3A_153, %dma_start3A_157] : memref<100x128xi32, #tpu.memory_space<vmem>> -> memref<1x128xi32, #tpu.memory_space<vmem>>
        %dma_start3A_159 = tpu.memref_squeeze %dma_start3A_158 : memref<1x128xi32, #tpu.memory_space<vmem>> -> memref<128xi32, #tpu.memory_space<vmem>>
        %dma_start3A_160 = arith.constant 0 : i32
        %dma_start3A_161 = arith.constant 0 : i32
        %dma_start3A_162 = tpu.memref_slice %arg2[%dma_start3A_160, %dma_start3A_161] : memref<100000x16xf32, #tpu.memory_space<hbm>> -> memref<100000x16xf32, #tpu.memory_space<hbm>>
        tpu.enqueue_indirect_dma source(%dma_start3A_162 : memref<100000x16xf32, #tpu.memory_space<hbm>>) target(%dma_start3A_156 : memref<128x16xf32, #tpu.memory_space<vmem>>) offsets(%dma_start3A_159 : memref<128xi32, #tpu.memory_space<vmem>>) semaphore(%arg9 : memref<!tpu.dma_semaphore, #tpu.memory_space<semaphore_mem>>)
        %mul3A_163 = arith.constant 5 : i32
        %mul3A_164 = arith.muli %add3A_123, %mul3A_163 : i32
        %add3A_165 = arith.constant 3 : i32
        %add3A_166 = arith.addi %mul3A_164, %add3A_165 : i32
        %dma_start3A_167 = arith.constant 384 : i32
        %dma_start3A_168 = arith.constant 0 : i32
        %dma_start3A_169 = tpu.memref_slice %arg7[%dma_start3A_167, %dma_start3A_168] : memref<640x16xf32, #tpu.memory_space<vmem>> -> memref<128x16xf32, #tpu.memory_space<vmem>>
        %dma_start3A_170 = arith.constant 0 : i32
        %dma_start3A_171 = tpu.memref_slice %arg5[%add3A_166, %dma_start3A_170] : memref<100x128xi32, #tpu.memory_space<vmem>> -> memref<1x128xi32, #tpu.memory_space<vmem>>
        %dma_start3A_172 = tpu.memref_squeeze %dma_start3A_171 : memref<1x128xi32, #tpu.memory_space<vmem>> -> memref<128xi32, #tpu.memory_space<vmem>>
        %dma_start3A_173 = arith.constant 0 : i32
        %dma_start3A_174 = arith.constant 0 : i32
        %dma_start3A_175 = tpu.memref_slice %arg2[%dma_start3A_173, %dma_start3A_174] : memref<100000x16xf32, #tpu.memory_space<hbm>> -> memref<100000x16xf32, #tpu.memory_space<hbm>>
        tpu.enqueue_indirect_dma source(%dma_start3A_175 : memref<100000x16xf32, #tpu.memory_space<hbm>>) target(%dma_start3A_169 : memref<128x16xf32, #tpu.memory_space<vmem>>) offsets(%dma_start3A_172 : memref<128xi32, #tpu.memory_space<vmem>>) semaphore(%arg9 : memref<!tpu.dma_semaphore, #tpu.memory_space<semaphore_mem>>)
        %mul3A_176 = arith.constant 5 : i32
        %mul3A_177 = arith.muli %add3A_123, %mul3A_176 : i32
        %add3A_178 = arith.constant 4 : i32
        %add3A_179 = arith.addi %mul3A_177, %add3A_178 : i32
        %dma_start3A_180 = arith.constant 512 : i32
        %dma_start3A_181 = arith.constant 0 : i32
        %dma_start3A_182 = tpu.memref_slice %arg7[%dma_start3A_180, %dma_start3A_181] : memref<640x16xf32, #tpu.memory_space<vmem>> -> memref<128x16xf32, #tpu.memory_space<vmem>>
        %dma_start3A_183 = arith.constant 0 : i32
        %dma_start3A_184 = tpu.memref_slice %arg5[%add3A_179, %dma_start3A_183] : memref<100x128xi32, #tpu.memory_space<vmem>> -> memref<1x128xi32, #tpu.memory_space<vmem>>
        %dma_start3A_185 = tpu.memref_squeeze %dma_start3A_184 : memref<1x128xi32, #tpu.memory_space<vmem>> -> memref<128xi32, #tpu.memory_space<vmem>>
        %dma_start3A_186 = arith.constant 0 : i32
        %dma_start3A_187 = arith.constant 0 : i32
        %dma_start3A_188 = tpu.memref_slice %arg2[%dma_start3A_186, %dma_start3A_187] : memref<100000x16xf32, #tpu.memory_space<hbm>> -> memref<100000x16xf32, #tpu.memory_space<hbm>>
        tpu.enqueue_indirect_dma source(%dma_start3A_188 : memref<100000x16xf32, #tpu.memory_space<hbm>>) target(%dma_start3A_182 : memref<128x16xf32, #tpu.memory_space<vmem>>) offsets(%dma_start3A_185 : memref<128xi32, #tpu.memory_space<vmem>>) semaphore(%arg9 : memref<!tpu.dma_semaphore, #tpu.memory_space<semaphore_mem>>)
      } else {
      }
      %dma_wait3A_80 = arith.constant 0 : i32
      %dma_wait3A_81 = arith.constant 0 : i32
      %dma_wait3A_82 = tpu.memref_slice %arg2[%dma_wait3A_80, %dma_wait3A_81] : memref<100000x16xf32, #tpu.memory_space<hbm>> -> memref<640x16xf32, #tpu.memory_space<hbm>>
      %dma_wait3A_83 = arith.constant 0 : i32
      %dma_wait3A_84 = arith.constant 0 : i32
      %dma_wait3A_85 = tpu.memref_slice %arg2[%dma_wait3A_83, %dma_wait3A_84] : memref<100000x16xf32, #tpu.memory_space<hbm>> -> memref<640x16xf32, #tpu.memory_space<hbm>>
      tpu.wait_dma2 semaphore(%arg8 : memref<!tpu.dma_semaphore, #tpu.memory_space<semaphore_mem>>) src(%dma_wait3A_85 : memref<640x16xf32, #tpu.memory_space<hbm>>) dst(%arg6 : memref<640x16xf32, #tpu.memory_space<vmem>>)
      %mul3A_86 = arith.constant 640 : i32
      %mul3A_87 = arith.muli %add3A_71, %mul3A_86 : i32
      %add3A_88 = arith.addi %mul3A_4, %mul3A_87 : i32
      %dma_start3A_89 = arith.constant 0 : i32
      %dma_start3A_90 = tpu.memref_slice %arg4[%add3A_88, %dma_start3A_89] : memref<409600x16xf32, #tpu.memory_space<hbm>> -> memref<640x16xf32, #tpu.memory_space<hbm>>
      %dma_start3A_91 = arith.constant 0 : i32
      %dma_start3A_92 = tpu.memref_slice %arg4[%add3A_88, %dma_start3A_91] : memref<409600x16xf32, #tpu.memory_space<hbm>> -> memref<640x16xf32, #tpu.memory_space<hbm>>
      tpu.enqueue_dma source(%arg6 : memref<640x16xf32, #tpu.memory_space<vmem>>) target(%dma_start3A_92 : memref<640x16xf32, #tpu.memory_space<hbm>>) target_semaphore(%arg10 : memref<!tpu.dma_semaphore, #tpu.memory_space<semaphore_mem>>)
      %mul3A_93 = arith.constant 2 : i32
      %mul3A_94 = arith.muli %mul3A_93, %add3A_67 : i32
      %add3A_95 = arith.constant 1 : i32
      %add3A_96 = arith.addi %mul3A_94, %add3A_95 : i32
      %ge3A_97 = arith.constant 1 : i32
      %ge3A_98 = arith.cmpi sge, %add3A_96, %ge3A_97 : i32
      %convert_element_type3A_99 = arith.extui %ge3A_98 : i1 to i32
      %cond3A_100 = arith.constant 0 : i32
      %cond3A_101 = arith.cmpi ne, %convert_element_type3A_99, %cond3A_100 : i32
      scf.if %cond3A_101 {
        %dma_wait3A_122 = arith.constant 0 : i32
        %dma_wait3A_123 = arith.constant 0 : i32
        %dma_wait3A_124 = tpu.memref_slice %arg4[%dma_wait3A_122, %dma_wait3A_123] : memref<409600x16xf32, #tpu.memory_space<hbm>> -> memref<640x16xf32, #tpu.memory_space<hbm>>
        %dma_wait3A_125 = arith.constant 0 : i32
        %dma_wait3A_126 = arith.constant 0 : i32
        %dma_wait3A_127 = tpu.memref_slice %arg4[%dma_wait3A_125, %dma_wait3A_126] : memref<409600x16xf32, #tpu.memory_space<hbm>> -> memref<640x16xf32, #tpu.memory_space<hbm>>
        tpu.wait_dma2 semaphore(%arg10 : memref<!tpu.dma_semaphore, #tpu.memory_space<semaphore_mem>>) src(%arg6 : memref<640x16xf32, #tpu.memory_space<vmem>>) dst(%dma_wait3A_127 : memref<640x16xf32, #tpu.memory_space<hbm>>)
      } else {
      }
      %add3A_102 = arith.constant 1 : i32
      %add3A_103 = arith.addi %add3A_96, %add3A_102 : i32
      %lt3A_104 = arith.constant 20 : i32
      %lt3A_105 = arith.cmpi slt, %add3A_103, %lt3A_104 : i32
      %convert_element_type3A_106 = arith.extui %lt3A_105 : i1 to i32
      %cond3A_107 = arith.constant 0 : i32
      %cond3A_108 = arith.cmpi ne, %convert_element_type3A_106, %cond3A_107 : i32
      scf.if %cond3A_108 {
        %add3A_122 = arith.constant 1 : i32
        %add3A_123 = arith.addi %add3A_96, %add3A_122 : i32
        %mul3A_124 = arith.constant 5 : i32
        %mul3A_125 = arith.muli %add3A_123, %mul3A_124 : i32
        %add3A_126 = arith.constant 0 : i32
        %add3A_127 = arith.addi %mul3A_125, %add3A_126 : i32
        %dma_start3A_128 = arith.constant 0 : i32
        %dma_start3A_129 = arith.constant 0 : i32
        %dma_start3A_130 = tpu.memref_slice %arg6[%dma_start3A_128, %dma_start3A_129] : memref<640x16xf32, #tpu.memory_space<vmem>> -> memref<128x16xf32, #tpu.memory_space<vmem>>
        %dma_start3A_131 = arith.constant 0 : i32
        %dma_start3A_132 = tpu.memref_slice %arg5[%add3A_127, %dma_start3A_131] : memref<100x128xi32, #tpu.memory_space<vmem>> -> memref<1x128xi32, #tpu.memory_space<vmem>>
        %dma_start3A_133 = tpu.memref_squeeze %dma_start3A_132 : memref<1x128xi32, #tpu.memory_space<vmem>> -> memref<128xi32, #tpu.memory_space<vmem>>
        %dma_start3A_134 = arith.constant 0 : i32
        %dma_start3A_135 = arith.constant 0 : i32
        %dma_start3A_136 = tpu.memref_slice %arg2[%dma_start3A_134, %dma_start3A_135] : memref<100000x16xf32, #tpu.memory_space<hbm>> -> memref<100000x16xf32, #tpu.memory_space<hbm>>
        tpu.enqueue_indirect_dma source(%dma_start3A_136 : memref<100000x16xf32, #tpu.memory_space<hbm>>) target(%dma_start3A_130 : memref<128x16xf32, #tpu.memory_space<vmem>>) offsets(%dma_start3A_133 : memref<128xi32, #tpu.memory_space<vmem>>) semaphore(%arg8 : memref<!tpu.dma_semaphore, #tpu.memory_space<semaphore_mem>>)
        %mul3A_137 = arith.constant 5 : i32
        %mul3A_138 = arith.muli %add3A_123, %mul3A_137 : i32
        %add3A_139 = arith.constant 1 : i32
        %add3A_140 = arith.addi %mul3A_138, %add3A_139 : i32
        %dma_start3A_141 = arith.constant 128 : i32
        %dma_start3A_142 = arith.constant 0 : i32
        %dma_start3A_143 = tpu.memref_slice %arg6[%dma_start3A_141, %dma_start3A_142] : memref<640x16xf32, #tpu.memory_space<vmem>> -> memref<128x16xf32, #tpu.memory_space<vmem>>
        %dma_start3A_144 = arith.constant 0 : i32
        %dma_start3A_145 = tpu.memref_slice %arg5[%add3A_140, %dma_start3A_144] : memref<100x128xi32, #tpu.memory_space<vmem>> -> memref<1x128xi32, #tpu.memory_space<vmem>>
        %dma_start3A_146 = tpu.memref_squeeze %dma_start3A_145 : memref<1x128xi32, #tpu.memory_space<vmem>> -> memref<128xi32, #tpu.memory_space<vmem>>
        %dma_start3A_147 = arith.constant 0 : i32
        %dma_start3A_148 = arith.constant 0 : i32
        %dma_start3A_149 = tpu.memref_slice %arg2[%dma_start3A_147, %dma_start3A_148] : memref<100000x16xf32, #tpu.memory_space<hbm>> -> memref<100000x16xf32, #tpu.memory_space<hbm>>
        tpu.enqueue_indirect_dma source(%dma_start3A_149 : memref<100000x16xf32, #tpu.memory_space<hbm>>) target(%dma_start3A_143 : memref<128x16xf32, #tpu.memory_space<vmem>>) offsets(%dma_start3A_146 : memref<128xi32, #tpu.memory_space<vmem>>) semaphore(%arg8 : memref<!tpu.dma_semaphore, #tpu.memory_space<semaphore_mem>>)
        %mul3A_150 = arith.constant 5 : i32
        %mul3A_151 = arith.muli %add3A_123, %mul3A_150 : i32
        %add3A_152 = arith.constant 2 : i32
        %add3A_153 = arith.addi %mul3A_151, %add3A_152 : i32
        %dma_start3A_154 = arith.constant 256 : i32
        %dma_start3A_155 = arith.constant 0 : i32
        %dma_start3A_156 = tpu.memref_slice %arg6[%dma_start3A_154, %dma_start3A_155] : memref<640x16xf32, #tpu.memory_space<vmem>> -> memref<128x16xf32, #tpu.memory_space<vmem>>
        %dma_start3A_157 = arith.constant 0 : i32
        %dma_start3A_158 = tpu.memref_slice %arg5[%add3A_153, %dma_start3A_157] : memref<100x128xi32, #tpu.memory_space<vmem>> -> memref<1x128xi32, #tpu.memory_space<vmem>>
        %dma_start3A_159 = tpu.memref_squeeze %dma_start3A_158 : memref<1x128xi32, #tpu.memory_space<vmem>> -> memref<128xi32, #tpu.memory_space<vmem>>
        %dma_start3A_160 = arith.constant 0 : i32
        %dma_start3A_161 = arith.constant 0 : i32
        %dma_start3A_162 = tpu.memref_slice %arg2[%dma_start3A_160, %dma_start3A_161] : memref<100000x16xf32, #tpu.memory_space<hbm>> -> memref<100000x16xf32, #tpu.memory_space<hbm>>
        tpu.enqueue_indirect_dma source(%dma_start3A_162 : memref<100000x16xf32, #tpu.memory_space<hbm>>) target(%dma_start3A_156 : memref<128x16xf32, #tpu.memory_space<vmem>>) offsets(%dma_start3A_159 : memref<128xi32, #tpu.memory_space<vmem>>) semaphore(%arg8 : memref<!tpu.dma_semaphore, #tpu.memory_space<semaphore_mem>>)
        %mul3A_163 = arith.constant 5 : i32
        %mul3A_164 = arith.muli %add3A_123, %mul3A_163 : i32
        %add3A_165 = arith.constant 3 : i32
        %add3A_166 = arith.addi %mul3A_164, %add3A_165 : i32
        %dma_start3A_167 = arith.constant 384 : i32
        %dma_start3A_168 = arith.constant 0 : i32
        %dma_start3A_169 = tpu.memref_slice %arg6[%dma_start3A_167, %dma_start3A_168] : memref<640x16xf32, #tpu.memory_space<vmem>> -> memref<128x16xf32, #tpu.memory_space<vmem>>
        %dma_start3A_170 = arith.constant 0 : i32
        %dma_start3A_171 = tpu.memref_slice %arg5[%add3A_166, %dma_start3A_170] : memref<100x128xi32, #tpu.memory_space<vmem>> -> memref<1x128xi32, #tpu.memory_space<vmem>>
        %dma_start3A_172 = tpu.memref_squeeze %dma_start3A_171 : memref<1x128xi32, #tpu.memory_space<vmem>> -> memref<128xi32, #tpu.memory_space<vmem>>
        %dma_start3A_173 = arith.constant 0 : i32
        %dma_start3A_174 = arith.constant 0 : i32
        %dma_start3A_175 = tpu.memref_slice %arg2[%dma_start3A_173, %dma_start3A_174] : memref<100000x16xf32, #tpu.memory_space<hbm>> -> memref<100000x16xf32, #tpu.memory_space<hbm>>
        tpu.enqueue_indirect_dma source(%dma_start3A_175 : memref<100000x16xf32, #tpu.memory_space<hbm>>) target(%dma_start3A_169 : memref<128x16xf32, #tpu.memory_space<vmem>>) offsets(%dma_start3A_172 : memref<128xi32, #tpu.memory_space<vmem>>) semaphore(%arg8 : memref<!tpu.dma_semaphore, #tpu.memory_space<semaphore_mem>>)
        %mul3A_176 = arith.constant 5 : i32
        %mul3A_177 = arith.muli %add3A_123, %mul3A_176 : i32
        %add3A_178 = arith.constant 4 : i32
        %add3A_179 = arith.addi %mul3A_177, %add3A_178 : i32
        %dma_start3A_180 = arith.constant 512 : i32
        %dma_start3A_181 = arith.constant 0 : i32
        %dma_start3A_182 = tpu.memref_slice %arg6[%dma_start3A_180, %dma_start3A_181] : memref<640x16xf32, #tpu.memory_space<vmem>> -> memref<128x16xf32, #tpu.memory_space<vmem>>
        %dma_start3A_183 = arith.constant 0 : i32
        %dma_start3A_184 = tpu.memref_slice %arg5[%add3A_179, %dma_start3A_183] : memref<100x128xi32, #tpu.memory_space<vmem>> -> memref<1x128xi32, #tpu.memory_space<vmem>>
        %dma_start3A_185 = tpu.memref_squeeze %dma_start3A_184 : memref<1x128xi32, #tpu.memory_space<vmem>> -> memref<128xi32, #tpu.memory_space<vmem>>
        %dma_start3A_186 = arith.constant 0 : i32
        %dma_start3A_187 = arith.constant 0 : i32
        %dma_start3A_188 = tpu.memref_slice %arg2[%dma_start3A_186, %dma_start3A_187] : memref<100000x16xf32, #tpu.memory_space<hbm>> -> memref<100000x16xf32, #tpu.memory_space<hbm>>
        tpu.enqueue_indirect_dma source(%dma_start3A_188 : memref<100000x16xf32, #tpu.memory_space<hbm>>) target(%dma_start3A_182 : memref<128x16xf32, #tpu.memory_space<vmem>>) offsets(%dma_start3A_185 : memref<128xi32, #tpu.memory_space<vmem>>) semaphore(%arg8 : memref<!tpu.dma_semaphore, #tpu.memory_space<semaphore_mem>>)
      } else {
      }
      %dma_wait3A_109 = arith.constant 0 : i32
      %dma_wait3A_110 = arith.constant 0 : i32
      %dma_wait3A_111 = tpu.memref_slice %arg2[%dma_wait3A_109, %dma_wait3A_110] : memref<100000x16xf32, #tpu.memory_space<hbm>> -> memref<640x16xf32, #tpu.memory_space<hbm>>
      %dma_wait3A_112 = arith.constant 0 : i32
      %dma_wait3A_113 = arith.constant 0 : i32
      %dma_wait3A_114 = tpu.memref_slice %arg2[%dma_wait3A_112, %dma_wait3A_113] : memref<100000x16xf32, #tpu.memory_space<hbm>> -> memref<640x16xf32, #tpu.memory_space<hbm>>
      tpu.wait_dma2 semaphore(%arg9 : memref<!tpu.dma_semaphore, #tpu.memory_space<semaphore_mem>>) src(%dma_wait3A_114 : memref<640x16xf32, #tpu.memory_space<hbm>>) dst(%arg7 : memref<640x16xf32, #tpu.memory_space<vmem>>)
      %mul3A_115 = arith.constant 640 : i32
      %mul3A_116 = arith.muli %add3A_96, %mul3A_115 : i32
      %add3A_117 = arith.addi %mul3A_4, %mul3A_116 : i32
      %dma_start3A_118 = arith.constant 0 : i32
      %dma_start3A_119 = tpu.memref_slice %arg4[%add3A_117, %dma_start3A_118] : memref<409600x16xf32, #tpu.memory_space<hbm>> -> memref<640x16xf32, #tpu.memory_space<hbm>>
      %dma_start3A_120 = arith.constant 0 : i32
      %dma_start3A_121 = tpu.memref_slice %arg4[%add3A_117, %dma_start3A_120] : memref<409600x16xf32, #tpu.memory_space<hbm>> -> memref<640x16xf32, #tpu.memory_space<hbm>>
      tpu.enqueue_dma source(%arg7 : memref<640x16xf32, #tpu.memory_space<vmem>>) target(%dma_start3A_121 : memref<640x16xf32, #tpu.memory_space<hbm>>) target_semaphore(%arg11 : memref<!tpu.dma_semaphore, #tpu.memory_space<semaphore_mem>>)
    }
    %scan3A_57 = arith.constant 10 : i32
    %dma_wait3A = arith.constant 0 : i32
    %dma_wait3A_58 = arith.constant 0 : i32
    %dma_wait3A_59 = tpu.memref_slice %arg4[%dma_wait3A, %dma_wait3A_58] : memref<409600x16xf32, #tpu.memory_space<hbm>> -> memref<640x16xf32, #tpu.memory_space<hbm>>
    %dma_wait3A_60 = arith.constant 0 : i32
    %dma_wait3A_61 = arith.constant 0 : i32
    %dma_wait3A_62 = tpu.memref_slice %arg4[%dma_wait3A_60, %dma_wait3A_61] : memref<409600x16xf32, #tpu.memory_space<hbm>> -> memref<640x16xf32, #tpu.memory_space<hbm>>
    tpu.wait_dma2 semaphore(%arg11 : memref<!tpu.dma_semaphore, #tpu.memory_space<semaphore_mem>>) src(%arg7 : memref<640x16xf32, #tpu.memory_space<vmem>>) dst(%dma_wait3A_62 : memref<640x16xf32, #tpu.memory_space<hbm>>)
    return
  }
}

#map = affine_map<(d0, d1) -> (0, 0)>
module attributes {stable_mosaic.version = 14 : i64} {
  func.func @gather_kernel(%arg0: i32, %arg1: i32, %arg2: memref<100000x16xf32, #tpu.memory_space<hbm>>, %arg3: memref<3200x128xi32, #tpu.memory_space<hbm>>, %arg4: memref<409600x16xf32, #tpu.memory_space<hbm>>, %arg5: memref<100x128xi32, #tpu.memory_space<vmem>>, %arg6: memref<640x16xf32, #tpu.memory_space<vmem>>, %arg7: memref<640x16xf32, #tpu.memory_space<vmem>>, %arg8: memref<!tpu.dma_semaphore, #tpu.memory_space<semaphore_mem>>, %arg9: memref<!tpu.dma_semaphore, #tpu.memory_space<semaphore_mem>>, %arg10: memref<!tpu.dma_semaphore, #tpu.memory_space<semaphore_mem>>, %arg11: memref<!tpu.dma_semaphore, #tpu.memory_space<semaphore_mem>>) attributes {dimension_semantics = [#tpu.dimension_semantics<core_parallel>, #tpu.dimension_semantics<subcore_parallel>], iteration_bounds = array<i64: 2, 16>, scalar_prefetch = 0 : i64, scratch_operands = 7 : i64, tpu.core_type = #tpu.core_type<sc_vector_subcore>, window_params = [{transform_indices = #map}, {transform_indices = #map}, {transform_indices = #map}]} {
    %mul3A = arith.constant 2 : i32
    %mul3A_0 = arith.muli %arg1, %mul3A : i32
    %add3A = arith.addi %mul3A_0, %arg0 : i32
    %mul3A_1 = arith.constant 100 : i32
    %mul3A_2 = arith.muli %add3A, %mul3A_1 : i32
    "tpu.region"() ({
      %run_scoped3A = tpu.sem_alloc : memref<!tpu.dma_semaphore, #tpu.memory_space<semaphore_mem>>
      %dma_start3A_63 = arith.constant 0 : i32
      %dma_start3A_64 = tpu.memref_slice %arg3[%mul3A_2, %dma_start3A_63] : memref<3200x128xi32, #tpu.memory_space<hbm>> -> memref<100x128xi32, #tpu.memory_space<hbm>>
      %dma_start3A_65 = arith.constant 0 : i32
      %dma_start3A_66 = tpu.memref_slice %arg3[%mul3A_2, %dma_start3A_65] : memref<3200x128xi32, #tpu.memory_space<hbm>> -> memref<100x128xi32, #tpu.memory_space<hbm>>
      tpu.enqueue_dma source(%dma_start3A_66 : memref<100x128xi32, #tpu.memory_space<hbm>>) target(%arg5 : memref<100x128xi32, #tpu.memory_space<vmem>>) target_semaphore(%run_scoped3A : memref<!tpu.dma_semaphore, #tpu.memory_space<semaphore_mem>>)
      %dma_wait3A_67 = arith.constant 0 : i32
      %dma_wait3A_68 = tpu.memref_slice %arg3[%mul3A_2, %dma_wait3A_67] : memref<3200x128xi32, #tpu.memory_space<hbm>> -> memref<100x128xi32, #tpu.memory_space<hbm>>
      %dma_wait3A_69 = arith.constant 0 : i32
      %dma_wait3A_70 = tpu.memref_slice %arg3[%mul3A_2, %dma_wait3A_69] : memref<3200x128xi32, #tpu.memory_space<hbm>> -> memref<100x128xi32, #tpu.memory_space<hbm>>
      tpu.wait_dma2 semaphore(%run_scoped3A : memref<!tpu.dma_semaphore, #tpu.memory_space<semaphore_mem>>) src(%dma_wait3A_70 : memref<100x128xi32, #tpu.memory_space<hbm>>) dst(%arg5 : memref<100x128xi32, #tpu.memory_space<vmem>>)
      tpu.yield
    }) : () -> ()
    %mul3A_3 = arith.constant 12800 : i32
    %mul3A_4 = arith.muli %add3A, %mul3A_3 : i32
    %dma_start3A = arith.constant 0 : i32
    %dma_start3A_5 = arith.constant 0 : i32
    %dma_start3A_6 = arith.constant 0 : i32
    %dma_start3A_7 = tpu.memref_slice %arg6[%dma_start3A_5, %dma_start3A_6] : memref<640x16xf32, #tpu.memory_space<vmem>> -> memref<128x16xf32, #tpu.memory_space<vmem>>
    %dma_start3A_8 = arith.constant 0 : i32
    %dma_start3A_9 = tpu.memref_slice %arg5[%dma_start3A, %dma_start3A_8] : memref<100x128xi32, #tpu.memory_space<vmem>> -> memref<1x128xi32, #tpu.memory_space<vmem>>
    %dma_start3A_10 = tpu.memref_squeeze %dma_start3A_9 : memref<1x128xi32, #tpu.memory_space<vmem>> -> memref<128xi32, #tpu.memory_space<vmem>>
    %dma_start3A_11 = arith.constant 0 : i32
    %dma_start3A_12 = arith.constant 0 : i32
    %dma_start3A_13 = tpu.memref_slice %arg2[%dma_start3A_11, %dma_start3A_12] : memref<100000x16xf32, #tpu.memory_space<hbm>> -> memref<100000x16xf32, #tpu.memory_space<hbm>>
    tpu.enqueue_indirect_dma source(%dma_start3A_13 : memref<100000x16xf32, #tpu.memory_space<hbm>>) target(%dma_start3A_7 : memref<128x16xf32, #tpu.memory_space<vmem>>) offsets(%dma_start3A_10 : memref<128xi32, #tpu.memory_space<vmem>>) semaphore(%arg8 : memref<!tpu.dma_semaphore, #tpu.memory_space<semaphore_mem>>)
    %dma_start3A_14 = arith.constant 1 : i32
    %dma_start3A_15 = arith.constant 128 : i32
    %dma_start3A_16 = arith.constant 0 : i32
    %dma_start3A_17 = tpu.memref_slice %arg6[%dma_start3A_15, %dma_start3A_16] : memref<640x16xf32, #tpu.memory_space<vmem>> -> memref<128x16xf32, #tpu.memory_space<vmem>>
    %dma_start3A_18 = arith.constant 0 : i32
    %dma_start3A_19 = tpu.memref_slice %arg5[%dma_start3A_14, %dma_start3A_18] : memref<100x128xi32, #tpu.memory_space<vmem>> -> memref<1x128xi32, #tpu.memory_space<vmem>>
    %dma_start3A_20 = tpu.memref_squeeze %dma_start3A_19 : memref<1x128xi32, #tpu.memory_space<vmem>> -> memref<128xi32, #tpu.memory_space<vmem>>
    %dma_start3A_21 = arith.constant 0 : i32
    %dma_start3A_22 = arith.constant 0 : i32
    %dma_start3A_23 = tpu.memref_slice %arg2[%dma_start3A_21, %dma_start3A_22] : memref<100000x16xf32, #tpu.memory_space<hbm>> -> memref<100000x16xf32, #tpu.memory_space<hbm>>
    tpu.enqueue_indirect_dma source(%dma_start3A_23 : memref<100000x16xf32, #tpu.memory_space<hbm>>) target(%dma_start3A_17 : memref<128x16xf32, #tpu.memory_space<vmem>>) offsets(%dma_start3A_20 : memref<128xi32, #tpu.memory_space<vmem>>) semaphore(%arg8 : memref<!tpu.dma_semaphore, #tpu.memory_space<semaphore_mem>>)
    %dma_start3A_24 = arith.constant 2 : i32
    %dma_start3A_25 = arith.constant 256 : i32
    %dma_start3A_26 = arith.constant 0 : i32
    %dma_start3A_27 = tpu.memref_slice %arg6[%dma_start3A_25, %dma_start3A_26] : memref<640x16xf32, #tpu.memory_space<vmem>> -> memref<128x16xf32, #tpu.memory_space<vmem>>
    %dma_start3A_28 = arith.constant 0 : i32
    %dma_start3A_29 = tpu.memref_slice %arg5[%dma_start3A_24, %dma_start3A_28] : memref<100x128xi32, #tpu.memory_space<vmem>> -> memref<1x128xi32, #tpu.memory_space<vmem>>
    %dma_start3A_30 = tpu.memref_squeeze %dma_start3A_29 : memref<1x128xi32, #tpu.memory_space<vmem>> -> memref<128xi32, #tpu.memory_space<vmem>>
    %dma_start3A_31 = arith.constant 0 : i32
    %dma_start3A_32 = arith.constant 0 : i32
    %dma_start3A_33 = tpu.memref_slice %arg2[%dma_start3A_31, %dma_start3A_32] : memref<100000x16xf32, #tpu.memory_space<hbm>> -> memref<100000x16xf32, #tpu.memory_space<hbm>>
    tpu.enqueue_indirect_dma source(%dma_start3A_33 : memref<100000x16xf32, #tpu.memory_space<hbm>>) target(%dma_start3A_27 : memref<128x16xf32, #tpu.memory_space<vmem>>) offsets(%dma_start3A_30 : memref<128xi32, #tpu.memory_space<vmem>>) semaphore(%arg8 : memref<!tpu.dma_semaphore, #tpu.memory_space<semaphore_mem>>)
    %dma_start3A_34 = arith.constant 3 : i32
    %dma_start3A_35 = arith.constant 384 : i32
    %dma_start3A_36 = arith.constant 0 : i32
    %dma_start3A_37 = tpu.memref_slice %arg6[%dma_start3A_35, %dma_start3A_36] : memref<640x16xf32, #tpu.memory_space<vmem>> -> memref<128x16xf32, #tpu.memory_space<vmem>>
    %dma_start3A_38 = arith.constant 0 : i32
    %dma_start3A_39 = tpu.memref_slice %arg5[%dma_start3A_34, %dma_start3A_38] : memref<100x128xi32, #tpu.memory_space<vmem>> -> memref<1x128xi32, #tpu.memory_space<vmem>>
    %dma_start3A_40 = tpu.memref_squeeze %dma_start3A_39 : memref<1x128xi32, #tpu.memory_space<vmem>> -> memref<128xi32, #tpu.memory_space<vmem>>
    %dma_start3A_41 = arith.constant 0 : i32
    %dma_start3A_42 = arith.constant 0 : i32
    %dma_start3A_43 = tpu.memref_slice %arg2[%dma_start3A_41, %dma_start3A_42] : memref<100000x16xf32, #tpu.memory_space<hbm>> -> memref<100000x16xf32, #tpu.memory_space<hbm>>
    tpu.enqueue_indirect_dma source(%dma_start3A_43 : memref<100000x16xf32, #tpu.memory_space<hbm>>) target(%dma_start3A_37 : memref<128x16xf32, #tpu.memory_space<vmem>>) offsets(%dma_start3A_40 : memref<128xi32, #tpu.memory_space<vmem>>) semaphore(%arg8 : memref<!tpu.dma_semaphore, #tpu.memory_space<semaphore_mem>>)
    %dma_start3A_44 = arith.constant 4 : i32
    %dma_start3A_45 = arith.constant 512 : i32
    %dma_start3A_46 = arith.constant 0 : i32
    %dma_start3A_47 = tpu.memref_slice %arg6[%dma_start3A_45, %dma_start3A_46] : memref<640x16xf32, #tpu.memory_space<vmem>> -> memref<128x16xf32, #tpu.memory_space<vmem>>
    %dma_start3A_48 = arith.constant 0 : i32
    %dma_start3A_49 = tpu.memref_slice %arg5[%dma_start3A_44, %dma_start3A_48] : memref<100x128xi32, #tpu.memory_space<vmem>> -> memref<1x128xi32, #tpu.memory_space<vmem>>
    %dma_start3A_50 = tpu.memref_squeeze %dma_start3A_49 : memref<1x128xi32, #tpu.memory_space<vmem>> -> memref<128xi32, #tpu.memory_space<vmem>>
    %dma_start3A_51 = arith.constant 0 : i32
    %dma_start3A_52 = arith.constant 0 : i32
    %dma_start3A_53 = tpu.memref_slice %arg2[%dma_start3A_51, %dma_start3A_52] : memref<100000x16xf32, #tpu.memory_space<hbm>> -> memref<100000x16xf32, #tpu.memory_space<hbm>>
    tpu.enqueue_indirect_dma source(%dma_start3A_53 : memref<100000x16xf32, #tpu.memory_space<hbm>>) target(%dma_start3A_47 : memref<128x16xf32, #tpu.memory_space<vmem>>) offsets(%dma_start3A_50 : memref<128xi32, #tpu.memory_space<vmem>>) semaphore(%arg8 : memref<!tpu.dma_semaphore, #tpu.memory_space<semaphore_mem>>)
    %scan3A = arith.constant 0 : i32
    %scan3A_54 = arith.constant 10 : i32
    %scan3A_55 = arith.addi %scan3A, %scan3A_54 : i32
    %scan3A_56 = arith.constant 1 : i32
    scf.for %scan3A_63 = %scan3A to %scan3A_55 step %scan3A_56  : i32 {
      %mul3A_64 = arith.constant 1 : i32
      %mul3A_65 = arith.muli %scan3A_63, %mul3A_64 : i32
      %add3A_66 = arith.constant 0 : i32
      %add3A_67 = arith.addi %add3A_66, %mul3A_65 : i32
      %mul3A_68 = arith.constant 2 : i32
      %mul3A_69 = arith.muli %mul3A_68, %add3A_67 : i32
      %add3A_70 = arith.constant 0 : i32
      %add3A_71 = arith.addi %mul3A_69, %add3A_70 : i32
      %ge3A = arith.constant 1 : i32
      %ge3A_72 = arith.cmpi sge, %add3A_71, %ge3A : i32
      %convert_element_type3A = arith.extui %ge3A_72 : i1 to i32
      %cond3A = arith.constant 0 : i32
      %cond3A_73 = arith.cmpi ne, %convert_element_type3A, %cond3A : i32
      scf.if %cond3A_73 {
        %dma_wait3A_122 = arith.constant 0 : i32
        %dma_wait3A_123 = arith.constant 0 : i32
        %dma_wait3A_124 = tpu.memref_slice %arg4[%dma_wait3A_122, %dma_wait3A_123] : memref<409600x16xf32, #tpu.memory_space<hbm>> -> memref<640x16xf32, #tpu.memory_space<hbm>>
        %dma_wait3A_125 = arith.constant 0 : i32
        %dma_wait3A_126 = arith.constant 0 : i32
        %dma_wait3A_127 = tpu.memref_slice %arg4[%dma_wait3A_125, %dma_wait3A_126] : memref<409600x16xf32, #tpu.memory_space<hbm>> -> memref<640x16xf32, #tpu.memory_space<hbm>>
        tpu.wait_dma2 semaphore(%arg11 : memref<!tpu.dma_semaphore, #tpu.memory_space<semaphore_mem>>) src(%arg7 : memref<640x16xf32, #tpu.memory_space<vmem>>) dst(%dma_wait3A_127 : memref<640x16xf32, #tpu.memory_space<hbm>>)
      } else {
      }
      %add3A_74 = arith.constant 1 : i32
      %add3A_75 = arith.addi %add3A_71, %add3A_74 : i32
      %lt3A = arith.constant 20 : i32
      %lt3A_76 = arith.cmpi slt, %add3A_75, %lt3A : i32
      %convert_element_type3A_77 = arith.extui %lt3A_76 : i1 to i32
      %cond3A_78 = arith.constant 0 : i32
      %cond3A_79 = arith.cmpi ne, %convert_element_type3A_77, %cond3A_78 : i32
      scf.if %cond3A_79 {
        %add3A_122 = arith.constant 1 : i32
        %add3A_123 = arith.addi %add3A_71, %add3A_122 : i32
        %mul3A_124 = arith.constant 5 : i32
        %mul3A_125 = arith.muli %add3A_123, %mul3A_124 : i32
        %add3A_126 = arith.constant 0 : i32
        %add3A_127 = arith.addi %mul3A_125, %add3A_126 : i32
        %dma_start3A_128 = arith.constant 0 : i32
        %dma_start3A_129 = arith.constant 0 : i32
        %dma_start3A_130 = tpu.memref_slice %arg7[%dma_start3A_128, %dma_start3A_129] : memref<640x16xf32, #tpu.memory_space<vmem>> -> memref<128x16xf32, #tpu.memory_space<vmem>>
        %dma_start3A_131 = arith.constant 0 : i32
        %dma_start3A_132 = tpu.memref_slice %arg5[%add3A_127, %dma_start3A_131] : memref<100x128xi32, #tpu.memory_space<vmem>> -> memref<1x128xi32, #tpu.memory_space<vmem>>
        %dma_start3A_133 = tpu.memref_squeeze %dma_start3A_132 : memref<1x128xi32, #tpu.memory_space<vmem>> -> memref<128xi32, #tpu.memory_space<vmem>>
        %dma_start3A_134 = arith.constant 0 : i32
        %dma_start3A_135 = arith.constant 0 : i32
        %dma_start3A_136 = tpu.memref_slice %arg2[%dma_start3A_134, %dma_start3A_135] : memref<100000x16xf32, #tpu.memory_space<hbm>> -> memref<100000x16xf32, #tpu.memory_space<hbm>>
        tpu.enqueue_indirect_dma source(%dma_start3A_136 : memref<100000x16xf32, #tpu.memory_space<hbm>>) target(%dma_start3A_130 : memref<128x16xf32, #tpu.memory_space<vmem>>) offsets(%dma_start3A_133 : memref<128xi32, #tpu.memory_space<vmem>>) semaphore(%arg9 : memref<!tpu.dma_semaphore, #tpu.memory_space<semaphore_mem>>)
        %mul3A_137 = arith.constant 5 : i32
        %mul3A_138 = arith.muli %add3A_123, %mul3A_137 : i32
        %add3A_139 = arith.constant 1 : i32
        %add3A_140 = arith.addi %mul3A_138, %add3A_139 : i32
        %dma_start3A_141 = arith.constant 128 : i32
        %dma_start3A_142 = arith.constant 0 : i32
        %dma_start3A_143 = tpu.memref_slice %arg7[%dma_start3A_141, %dma_start3A_142] : memref<640x16xf32, #tpu.memory_space<vmem>> -> memref<128x16xf32, #tpu.memory_space<vmem>>
        %dma_start3A_144 = arith.constant 0 : i32
        %dma_start3A_145 = tpu.memref_slice %arg5[%add3A_140, %dma_start3A_144] : memref<100x128xi32, #tpu.memory_space<vmem>> -> memref<1x128xi32, #tpu.memory_space<vmem>>
        %dma_start3A_146 = tpu.memref_squeeze %dma_start3A_145 : memref<1x128xi32, #tpu.memory_space<vmem>> -> memref<128xi32, #tpu.memory_space<vmem>>
        %dma_start3A_147 = arith.constant 0 : i32
        %dma_start3A_148 = arith.constant 0 : i32
        %dma_start3A_149 = tpu.memref_slice %arg2[%dma_start3A_147, %dma_start3A_148] : memref<100000x16xf32, #tpu.memory_space<hbm>> -> memref<100000x16xf32, #tpu.memory_space<hbm>>
        tpu.enqueue_indirect_dma source(%dma_start3A_149 : memref<100000x16xf32, #tpu.memory_space<hbm>>) target(%dma_start3A_143 : memref<128x16xf32, #tpu.memory_space<vmem>>) offsets(%dma_start3A_146 : memref<128xi32, #tpu.memory_space<vmem>>) semaphore(%arg9 : memref<!tpu.dma_semaphore, #tpu.memory_space<semaphore_mem>>)
        %mul3A_150 = arith.constant 5 : i32
        %mul3A_151 = arith.muli %add3A_123, %mul3A_150 : i32
        %add3A_152 = arith.constant 2 : i32
        %add3A_153 = arith.addi %mul3A_151, %add3A_152 : i32
        %dma_start3A_154 = arith.constant 256 : i32
        %dma_start3A_155 = arith.constant 0 : i32
        %dma_start3A_156 = tpu.memref_slice %arg7[%dma_start3A_154, %dma_start3A_155] : memref<640x16xf32, #tpu.memory_space<vmem>> -> memref<128x16xf32, #tpu.memory_space<vmem>>
        %dma_start3A_157 = arith.constant 0 : i32
        %dma_start3A_158 = tpu.memref_slice %arg5[%add3A_153, %dma_start3A_157] : memref<100x128xi32, #tpu.memory_space<vmem>> -> memref<1x128xi32, #tpu.memory_space<vmem>>
        %dma_start3A_159 = tpu.memref_squeeze %dma_start3A_158 : memref<1x128xi32, #tpu.memory_space<vmem>> -> memref<128xi32, #tpu.memory_space<vmem>>
        %dma_start3A_160 = arith.constant 0 : i32
        %dma_start3A_161 = arith.constant 0 : i32
        %dma_start3A_162 = tpu.memref_slice %arg2[%dma_start3A_160, %dma_start3A_161] : memref<100000x16xf32, #tpu.memory_space<hbm>> -> memref<100000x16xf32, #tpu.memory_space<hbm>>
        tpu.enqueue_indirect_dma source(%dma_start3A_162 : memref<100000x16xf32, #tpu.memory_space<hbm>>) target(%dma_start3A_156 : memref<128x16xf32, #tpu.memory_space<vmem>>) offsets(%dma_start3A_159 : memref<128xi32, #tpu.memory_space<vmem>>) semaphore(%arg9 : memref<!tpu.dma_semaphore, #tpu.memory_space<semaphore_mem>>)
        %mul3A_163 = arith.constant 5 : i32
        %mul3A_164 = arith.muli %add3A_123, %mul3A_163 : i32
        %add3A_165 = arith.constant 3 : i32
        %add3A_166 = arith.addi %mul3A_164, %add3A_165 : i32
        %dma_start3A_167 = arith.constant 384 : i32
        %dma_start3A_168 = arith.constant 0 : i32
        %dma_start3A_169 = tpu.memref_slice %arg7[%dma_start3A_167, %dma_start3A_168] : memref<640x16xf32, #tpu.memory_space<vmem>> -> memref<128x16xf32, #tpu.memory_space<vmem>>
        %dma_start3A_170 = arith.constant 0 : i32
        %dma_start3A_171 = tpu.memref_slice %arg5[%add3A_166, %dma_start3A_170] : memref<100x128xi32, #tpu.memory_space<vmem>> -> memref<1x128xi32, #tpu.memory_space<vmem>>
        %dma_start3A_172 = tpu.memref_squeeze %dma_start3A_171 : memref<1x128xi32, #tpu.memory_space<vmem>> -> memref<128xi32, #tpu.memory_space<vmem>>
        %dma_start3A_173 = arith.constant 0 : i32
        %dma_start3A_174 = arith.constant 0 : i32
        %dma_start3A_175 = tpu.memref_slice %arg2[%dma_start3A_173, %dma_start3A_174] : memref<100000x16xf32, #tpu.memory_space<hbm>> -> memref<100000x16xf32, #tpu.memory_space<hbm>>
        tpu.enqueue_indirect_dma source(%dma_start3A_175 : memref<100000x16xf32, #tpu.memory_space<hbm>>) target(%dma_start3A_169 : memref<128x16xf32, #tpu.memory_space<vmem>>) offsets(%dma_start3A_172 : memref<128xi32, #tpu.memory_space<vmem>>) semaphore(%arg9 : memref<!tpu.dma_semaphore, #tpu.memory_space<semaphore_mem>>)
        %mul3A_176 = arith.constant 5 : i32
        %mul3A_177 = arith.muli %add3A_123, %mul3A_176 : i32
        %add3A_178 = arith.constant 4 : i32
        %add3A_179 = arith.addi %mul3A_177, %add3A_178 : i32
        %dma_start3A_180 = arith.constant 512 : i32
        %dma_start3A_181 = arith.constant 0 : i32
        %dma_start3A_182 = tpu.memref_slice %arg7[%dma_start3A_180, %dma_start3A_181] : memref<640x16xf32, #tpu.memory_space<vmem>> -> memref<128x16xf32, #tpu.memory_space<vmem>>
        %dma_start3A_183 = arith.constant 0 : i32
        %dma_start3A_184 = tpu.memref_slice %arg5[%add3A_179, %dma_start3A_183] : memref<100x128xi32, #tpu.memory_space<vmem>> -> memref<1x128xi32, #tpu.memory_space<vmem>>
        %dma_start3A_185 = tpu.memref_squeeze %dma_start3A_184 : memref<1x128xi32, #tpu.memory_space<vmem>> -> memref<128xi32, #tpu.memory_space<vmem>>
        %dma_start3A_186 = arith.constant 0 : i32
        %dma_start3A_187 = arith.constant 0 : i32
        %dma_start3A_188 = tpu.memref_slice %arg2[%dma_start3A_186, %dma_start3A_187] : memref<100000x16xf32, #tpu.memory_space<hbm>> -> memref<100000x16xf32, #tpu.memory_space<hbm>>
        tpu.enqueue_indirect_dma source(%dma_start3A_188 : memref<100000x16xf32, #tpu.memory_space<hbm>>) target(%dma_start3A_182 : memref<128x16xf32, #tpu.memory_space<vmem>>) offsets(%dma_start3A_185 : memref<128xi32, #tpu.memory_space<vmem>>) semaphore(%arg9 : memref<!tpu.dma_semaphore, #tpu.memory_space<semaphore_mem>>)
      } else {
      }
      %dma_wait3A_80 = arith.constant 0 : i32
      %dma_wait3A_81 = arith.constant 0 : i32
      %dma_wait3A_82 = tpu.memref_slice %arg2[%dma_wait3A_80, %dma_wait3A_81] : memref<100000x16xf32, #tpu.memory_space<hbm>> -> memref<640x16xf32, #tpu.memory_space<hbm>>
      %dma_wait3A_83 = arith.constant 0 : i32
      %dma_wait3A_84 = arith.constant 0 : i32
      %dma_wait3A_85 = tpu.memref_slice %arg2[%dma_wait3A_83, %dma_wait3A_84] : memref<100000x16xf32, #tpu.memory_space<hbm>> -> memref<640x16xf32, #tpu.memory_space<hbm>>
      tpu.wait_dma2 semaphore(%arg8 : memref<!tpu.dma_semaphore, #tpu.memory_space<semaphore_mem>>) src(%dma_wait3A_85 : memref<640x16xf32, #tpu.memory_space<hbm>>) dst(%arg6 : memref<640x16xf32, #tpu.memory_space<vmem>>)
      %mul3A_86 = arith.constant 640 : i32
      %mul3A_87 = arith.muli %add3A_71, %mul3A_86 : i32
      %add3A_88 = arith.addi %mul3A_4, %mul3A_87 : i32
      %dma_start3A_89 = arith.constant 0 : i32
      %dma_start3A_90 = tpu.memref_slice %arg4[%add3A_88, %dma_start3A_89] : memref<409600x16xf32, #tpu.memory_space<hbm>> -> memref<640x16xf32, #tpu.memory_space<hbm>>
      %dma_start3A_91 = arith.constant 0 : i32
      %dma_start3A_92 = tpu.memref_slice %arg4[%add3A_88, %dma_start3A_91] : memref<409600x16xf32, #tpu.memory_space<hbm>> -> memref<640x16xf32, #tpu.memory_space<hbm>>
      tpu.enqueue_dma source(%arg6 : memref<640x16xf32, #tpu.memory_space<vmem>>) target(%dma_start3A_92 : memref<640x16xf32, #tpu.memory_space<hbm>>) target_semaphore(%arg10 : memref<!tpu.dma_semaphore, #tpu.memory_space<semaphore_mem>>)
      %mul3A_93 = arith.constant 2 : i32
      %mul3A_94 = arith.muli %mul3A_93, %add3A_67 : i32
      %add3A_95 = arith.constant 1 : i32
      %add3A_96 = arith.addi %mul3A_94, %add3A_95 : i32
      %ge3A_97 = arith.constant 1 : i32
      %ge3A_98 = arith.cmpi sge, %add3A_96, %ge3A_97 : i32
      %convert_element_type3A_99 = arith.extui %ge3A_98 : i1 to i32
      %cond3A_100 = arith.constant 0 : i32
      %cond3A_101 = arith.cmpi ne, %convert_element_type3A_99, %cond3A_100 : i32
      scf.if %cond3A_101 {
        %dma_wait3A_122 = arith.constant 0 : i32
        %dma_wait3A_123 = arith.constant 0 : i32
        %dma_wait3A_124 = tpu.memref_slice %arg4[%dma_wait3A_122, %dma_wait3A_123] : memref<409600x16xf32, #tpu.memory_space<hbm>> -> memref<640x16xf32, #tpu.memory_space<hbm>>
        %dma_wait3A_125 = arith.constant 0 : i32
        %dma_wait3A_126 = arith.constant 0 : i32
        %dma_wait3A_127 = tpu.memref_slice %arg4[%dma_wait3A_125, %dma_wait3A_126] : memref<409600x16xf32, #tpu.memory_space<hbm>> -> memref<640x16xf32, #tpu.memory_space<hbm>>
        tpu.wait_dma2 semaphore(%arg10 : memref<!tpu.dma_semaphore, #tpu.memory_space<semaphore_mem>>) src(%arg6 : memref<640x16xf32, #tpu.memory_space<vmem>>) dst(%dma_wait3A_127 : memref<640x16xf32, #tpu.memory_space<hbm>>)
      } else {
      }
      %add3A_102 = arith.constant 1 : i32
      %add3A_103 = arith.addi %add3A_96, %add3A_102 : i32
      %lt3A_104 = arith.constant 20 : i32
      %lt3A_105 = arith.cmpi slt, %add3A_103, %lt3A_104 : i32
      %convert_element_type3A_106 = arith.extui %lt3A_105 : i1 to i32
      %cond3A_107 = arith.constant 0 : i32
      %cond3A_108 = arith.cmpi ne, %convert_element_type3A_106, %cond3A_107 : i32
      scf.if %cond3A_108 {
        %add3A_122 = arith.constant 1 : i32
        %add3A_123 = arith.addi %add3A_96, %add3A_122 : i32
        %mul3A_124 = arith.constant 5 : i32
        %mul3A_125 = arith.muli %add3A_123, %mul3A_124 : i32
        %add3A_126 = arith.constant 0 : i32
        %add3A_127 = arith.addi %mul3A_125, %add3A_126 : i32
        %dma_start3A_128 = arith.constant 0 : i32
        %dma_start3A_129 = arith.constant 0 : i32
        %dma_start3A_130 = tpu.memref_slice %arg6[%dma_start3A_128, %dma_start3A_129] : memref<640x16xf32, #tpu.memory_space<vmem>> -> memref<128x16xf32, #tpu.memory_space<vmem>>
        %dma_start3A_131 = arith.constant 0 : i32
        %dma_start3A_132 = tpu.memref_slice %arg5[%add3A_127, %dma_start3A_131] : memref<100x128xi32, #tpu.memory_space<vmem>> -> memref<1x128xi32, #tpu.memory_space<vmem>>
        %dma_start3A_133 = tpu.memref_squeeze %dma_start3A_132 : memref<1x128xi32, #tpu.memory_space<vmem>> -> memref<128xi32, #tpu.memory_space<vmem>>
        %dma_start3A_134 = arith.constant 0 : i32
        %dma_start3A_135 = arith.constant 0 : i32
        %dma_start3A_136 = tpu.memref_slice %arg2[%dma_start3A_134, %dma_start3A_135] : memref<100000x16xf32, #tpu.memory_space<hbm>> -> memref<100000x16xf32, #tpu.memory_space<hbm>>
        tpu.enqueue_indirect_dma source(%dma_start3A_136 : memref<100000x16xf32, #tpu.memory_space<hbm>>) target(%dma_start3A_130 : memref<128x16xf32, #tpu.memory_space<vmem>>) offsets(%dma_start3A_133 : memref<128xi32, #tpu.memory_space<vmem>>) semaphore(%arg8 : memref<!tpu.dma_semaphore, #tpu.memory_space<semaphore_mem>>)
        %mul3A_137 = arith.constant 5 : i32
        %mul3A_138 = arith.muli %add3A_123, %mul3A_137 : i32
        %add3A_139 = arith.constant 1 : i32
        %add3A_140 = arith.addi %mul3A_138, %add3A_139 : i32
        %dma_start3A_141 = arith.constant 128 : i32
        %dma_start3A_142 = arith.constant 0 : i32
        %dma_start3A_143 = tpu.memref_slice %arg6[%dma_start3A_141, %dma_start3A_142] : memref<640x16xf32, #tpu.memory_space<vmem>> -> memref<128x16xf32, #tpu.memory_space<vmem>>
        %dma_start3A_144 = arith.constant 0 : i32
        %dma_start3A_145 = tpu.memref_slice %arg5[%add3A_140, %dma_start3A_144] : memref<100x128xi32, #tpu.memory_space<vmem>> -> memref<1x128xi32, #tpu.memory_space<vmem>>
        %dma_start3A_146 = tpu.memref_squeeze %dma_start3A_145 : memref<1x128xi32, #tpu.memory_space<vmem>> -> memref<128xi32, #tpu.memory_space<vmem>>
        %dma_start3A_147 = arith.constant 0 : i32
        %dma_start3A_148 = arith.constant 0 : i32
        %dma_start3A_149 = tpu.memref_slice %arg2[%dma_start3A_147, %dma_start3A_148] : memref<100000x16xf32, #tpu.memory_space<hbm>> -> memref<100000x16xf32, #tpu.memory_space<hbm>>
        tpu.enqueue_indirect_dma source(%dma_start3A_149 : memref<100000x16xf32, #tpu.memory_space<hbm>>) target(%dma_start3A_143 : memref<128x16xf32, #tpu.memory_space<vmem>>) offsets(%dma_start3A_146 : memref<128xi32, #tpu.memory_space<vmem>>) semaphore(%arg8 : memref<!tpu.dma_semaphore, #tpu.memory_space<semaphore_mem>>)
        %mul3A_150 = arith.constant 5 : i32
        %mul3A_151 = arith.muli %add3A_123, %mul3A_150 : i32
        %add3A_152 = arith.constant 2 : i32
        %add3A_153 = arith.addi %mul3A_151, %add3A_152 : i32
        %dma_start3A_154 = arith.constant 256 : i32
        %dma_start3A_155 = arith.constant 0 : i32
        %dma_start3A_156 = tpu.memref_slice %arg6[%dma_start3A_154, %dma_start3A_155] : memref<640x16xf32, #tpu.memory_space<vmem>> -> memref<128x16xf32, #tpu.memory_space<vmem>>
        %dma_start3A_157 = arith.constant 0 : i32
        %dma_start3A_158 = tpu.memref_slice %arg5[%add3A_153, %dma_start3A_157] : memref<100x128xi32, #tpu.memory_space<vmem>> -> memref<1x128xi32, #tpu.memory_space<vmem>>
        %dma_start3A_159 = tpu.memref_squeeze %dma_start3A_158 : memref<1x128xi32, #tpu.memory_space<vmem>> -> memref<128xi32, #tpu.memory_space<vmem>>
        %dma_start3A_160 = arith.constant 0 : i32
        %dma_start3A_161 = arith.constant 0 : i32
        %dma_start3A_162 = tpu.memref_slice %arg2[%dma_start3A_160, %dma_start3A_161] : memref<100000x16xf32, #tpu.memory_space<hbm>> -> memref<100000x16xf32, #tpu.memory_space<hbm>>
        tpu.enqueue_indirect_dma source(%dma_start3A_162 : memref<100000x16xf32, #tpu.memory_space<hbm>>) target(%dma_start3A_156 : memref<128x16xf32, #tpu.memory_space<vmem>>) offsets(%dma_start3A_159 : memref<128xi32, #tpu.memory_space<vmem>>) semaphore(%arg8 : memref<!tpu.dma_semaphore, #tpu.memory_space<semaphore_mem>>)
        %mul3A_163 = arith.constant 5 : i32
        %mul3A_164 = arith.muli %add3A_123, %mul3A_163 : i32
        %add3A_165 = arith.constant 3 : i32
        %add3A_166 = arith.addi %mul3A_164, %add3A_165 : i32
        %dma_start3A_167 = arith.constant 384 : i32
        %dma_start3A_168 = arith.constant 0 : i32
        %dma_start3A_169 = tpu.memref_slice %arg6[%dma_start3A_167, %dma_start3A_168] : memref<640x16xf32, #tpu.memory_space<vmem>> -> memref<128x16xf32, #tpu.memory_space<vmem>>
        %dma_start3A_170 = arith.constant 0 : i32
        %dma_start3A_171 = tpu.memref_slice %arg5[%add3A_166, %dma_start3A_170] : memref<100x128xi32, #tpu.memory_space<vmem>> -> memref<1x128xi32, #tpu.memory_space<vmem>>
        %dma_start3A_172 = tpu.memref_squeeze %dma_start3A_171 : memref<1x128xi32, #tpu.memory_space<vmem>> -> memref<128xi32, #tpu.memory_space<vmem>>
        %dma_start3A_173 = arith.constant 0 : i32
        %dma_start3A_174 = arith.constant 0 : i32
        %dma_start3A_175 = tpu.memref_slice %arg2[%dma_start3A_173, %dma_start3A_174] : memref<100000x16xf32, #tpu.memory_space<hbm>> -> memref<100000x16xf32, #tpu.memory_space<hbm>>
        tpu.enqueue_indirect_dma source(%dma_start3A_175 : memref<100000x16xf32, #tpu.memory_space<hbm>>) target(%dma_start3A_169 : memref<128x16xf32, #tpu.memory_space<vmem>>) offsets(%dma_start3A_172 : memref<128xi32, #tpu.memory_space<vmem>>) semaphore(%arg8 : memref<!tpu.dma_semaphore, #tpu.memory_space<semaphore_mem>>)
        %mul3A_176 = arith.constant 5 : i32
        %mul3A_177 = arith.muli %add3A_123, %mul3A_176 : i32
        %add3A_178 = arith.constant 4 : i32
        %add3A_179 = arith.addi %mul3A_177, %add3A_178 : i32
        %dma_start3A_180 = arith.constant 512 : i32
        %dma_start3A_181 = arith.constant 0 : i32
        %dma_start3A_182 = tpu.memref_slice %arg6[%dma_start3A_180, %dma_start3A_181] : memref<640x16xf32, #tpu.memory_space<vmem>> -> memref<128x16xf32, #tpu.memory_space<vmem>>
        %dma_start3A_183 = arith.constant 0 : i32
        %dma_start3A_184 = tpu.memref_slice %arg5[%add3A_179, %dma_start3A_183] : memref<100x128xi32, #tpu.memory_space<vmem>> -> memref<1x128xi32, #tpu.memory_space<vmem>>
        %dma_start3A_185 = tpu.memref_squeeze %dma_start3A_184 : memref<1x128xi32, #tpu.memory_space<vmem>> -> memref<128xi32, #tpu.memory_space<vmem>>
        %dma_start3A_186 = arith.constant 0 : i32
        %dma_start3A_187 = arith.constant 0 : i32
        %dma_start3A_188 = tpu.memref_slice %arg2[%dma_start3A_186, %dma_start3A_187] : memref<100000x16xf32, #tpu.memory_space<hbm>> -> memref<100000x16xf32, #tpu.memory_space<hbm>>
        tpu.enqueue_indirect_dma source(%dma_start3A_188 : memref<100000x16xf32, #tpu.memory_space<hbm>>) target(%dma_start3A_182 : memref<128x16xf32, #tpu.memory_space<vmem>>) offsets(%dma_start3A_185 : memref<128xi32, #tpu.memory_space<vmem>>) semaphore(%arg8 : memref<!tpu.dma_semaphore, #tpu.memory_space<semaphore_mem>>)
      } else {
      }
      %dma_wait3A_109 = arith.constant 0 : i32
      %dma_wait3A_110 = arith.constant 0 : i32
      %dma_wait3A_111 = tpu.memref_slice %arg2[%dma_wait3A_109, %dma_wait3A_110] : memref<100000x16xf32, #tpu.memory_space<hbm>> -> memref<640x16xf32, #tpu.memory_space<hbm>>
      %dma_wait3A_112 = arith.constant 0 : i32
      %dma_wait3A_113 = arith.constant 0 : i32
      %dma_wait3A_114 = tpu.memref_slice %arg2[%dma_wait3A_112, %dma_wait3A_113] : memref<100000x16xf32, #tpu.memory_space<hbm>> -> memref<640x16xf32, #tpu.memory_space<hbm>>
      tpu.wait_dma2 semaphore(%arg9 : memref<!tpu.dma_semaphore, #tpu.memory_space<semaphore_mem>>) src(%dma_wait3A_114 : memref<640x16xf32, #tpu.memory_space<hbm>>) dst(%arg7 : memref<640x16xf32, #tpu.memory_space<vmem>>)
      %mul3A_115 = arith.constant 640 : i32
      %mul3A_116 = arith.muli %add3A_96, %mul3A_115 : i32
      %add3A_117 = arith.addi %mul3A_4, %mul3A_116 : i32
      %dma_start3A_118 = arith.constant 0 : i32
      %dma_start3A_119 = tpu.memref_slice %arg4[%add3A_117, %dma_start3A_118] : memref<409600x16xf32, #tpu.memory_space<hbm>> -> memref<640x16xf32, #tpu.memory_space<hbm>>
      %dma_start3A_120 = arith.constant 0 : i32
      %dma_start3A_121 = tpu.memref_slice %arg4[%add3A_117, %dma_start3A_120] : memref<409600x16xf32, #tpu.memory_space<hbm>> -> memref<640x16xf32, #tpu.memory_space<hbm>>
      tpu.enqueue_dma source(%arg7 : memref<640x16xf32, #tpu.memory_space<vmem>>) target(%dma_start3A_121 : memref<640x16xf32, #tpu.memory_space<hbm>>) target_semaphore(%arg11 : memref<!tpu.dma_semaphore, #tpu.memory_space<semaphore_mem>>)
    }
    %scan3A_57 = arith.constant 10 : i32
    %dma_wait3A = arith.constant 0 : i32
    %dma_wait3A_58 = arith.constant 0 : i32
    %dma_wait3A_59 = tpu.memref_slice %arg4[%dma_wait3A, %dma_wait3A_58] : memref<409600x16xf32, #tpu.memory_space<hbm>> -> memref<640x16xf32, #tpu.memory_space<hbm>>
    %dma_wait3A_60 = arith.constant 0 : i32
    %dma_wait3A_61 = arith.constant 0 : i32
    %dma_wait3A_62 = tpu.memref_slice %arg4[%dma_wait3A_60, %dma_wait3A_61] : memref<409600x16xf32, #tpu.memory_space<hbm>> -> memref<640x16xf32, #tpu.memory_space<hbm>>
    tpu.wait_dma2 semaphore(%arg11 : memref<!tpu.dma_semaphore, #tpu.memory_space<semaphore_mem>>) src(%arg7 : memref<640x16xf32, #tpu.memory_space<vmem>>) dst(%dma_wait3A_62 : memref<640x16xf32, #tpu.memory_space<hbm>>)
    return
  }
}

#map = affine_map<(d0, d1) -> (0, 0)>
module attributes {stable_mosaic.version = 14 : i64} {
  func.func @gather_kernel(%arg0: i32, %arg1: i32, %arg2: memref<100000x16xf32, #tpu.memory_space<hbm>>, %arg3: memref<3200x128xi32, #tpu.memory_space<hbm>>, %arg4: memref<409600x16xf32, #tpu.memory_space<hbm>>, %arg5: memref<100x128xi32, #tpu.memory_space<vmem>>, %arg6: memref<640x16xf32, #tpu.memory_space<vmem>>, %arg7: memref<640x16xf32, #tpu.memory_space<vmem>>, %arg8: memref<!tpu.dma_semaphore, #tpu.memory_space<semaphore_mem>>, %arg9: memref<!tpu.dma_semaphore, #tpu.memory_space<semaphore_mem>>, %arg10: memref<!tpu.dma_semaphore, #tpu.memory_space<semaphore_mem>>, %arg11: memref<!tpu.dma_semaphore, #tpu.memory_space<semaphore_mem>>) attributes {dimension_semantics = [#tpu.dimension_semantics<core_parallel>, #tpu.dimension_semantics<subcore_parallel>], iteration_bounds = array<i64: 2, 16>, scalar_prefetch = 0 : i64, scratch_operands = 7 : i64, tpu.core_type = #tpu.core_type<sc_vector_subcore>, window_params = [{transform_indices = #map}, {transform_indices = #map}, {transform_indices = #map}]} {
    %mul3A = arith.constant 2 : i32
    %mul3A_0 = arith.muli %arg1, %mul3A : i32
    %add3A = arith.addi %mul3A_0, %arg0 : i32
    %mul3A_1 = arith.constant 100 : i32
    %mul3A_2 = arith.muli %add3A, %mul3A_1 : i32
    "tpu.region"() ({
      %run_scoped3A = tpu.sem_alloc : memref<!tpu.dma_semaphore, #tpu.memory_space<semaphore_mem>>
      %dma_start3A_63 = arith.constant 0 : i32
      %dma_start3A_64 = tpu.memref_slice %arg3[%mul3A_2, %dma_start3A_63] : memref<3200x128xi32, #tpu.memory_space<hbm>> -> memref<100x128xi32, #tpu.memory_space<hbm>>
      %dma_start3A_65 = arith.constant 0 : i32
      %dma_start3A_66 = tpu.memref_slice %arg3[%mul3A_2, %dma_start3A_65] : memref<3200x128xi32, #tpu.memory_space<hbm>> -> memref<100x128xi32, #tpu.memory_space<hbm>>
      tpu.enqueue_dma source(%dma_start3A_66 : memref<100x128xi32, #tpu.memory_space<hbm>>) target(%arg5 : memref<100x128xi32, #tpu.memory_space<vmem>>) target_semaphore(%run_scoped3A : memref<!tpu.dma_semaphore, #tpu.memory_space<semaphore_mem>>)
      %dma_wait3A_67 = arith.constant 0 : i32
      %dma_wait3A_68 = tpu.memref_slice %arg3[%mul3A_2, %dma_wait3A_67] : memref<3200x128xi32, #tpu.memory_space<hbm>> -> memref<100x128xi32, #tpu.memory_space<hbm>>
      %dma_wait3A_69 = arith.constant 0 : i32
      %dma_wait3A_70 = tpu.memref_slice %arg3[%mul3A_2, %dma_wait3A_69] : memref<3200x128xi32, #tpu.memory_space<hbm>> -> memref<100x128xi32, #tpu.memory_space<hbm>>
      tpu.wait_dma2 semaphore(%run_scoped3A : memref<!tpu.dma_semaphore, #tpu.memory_space<semaphore_mem>>) src(%dma_wait3A_70 : memref<100x128xi32, #tpu.memory_space<hbm>>) dst(%arg5 : memref<100x128xi32, #tpu.memory_space<vmem>>)
      tpu.yield
    }) : () -> ()
    %mul3A_3 = arith.constant 12800 : i32
    %mul3A_4 = arith.muli %add3A, %mul3A_3 : i32
    %dma_start3A = arith.constant 0 : i32
    %dma_start3A_5 = arith.constant 0 : i32
    %dma_start3A_6 = arith.constant 0 : i32
    %dma_start3A_7 = tpu.memref_slice %arg6[%dma_start3A_5, %dma_start3A_6] : memref<640x16xf32, #tpu.memory_space<vmem>> -> memref<128x16xf32, #tpu.memory_space<vmem>>
    %dma_start3A_8 = arith.constant 0 : i32
    %dma_start3A_9 = tpu.memref_slice %arg5[%dma_start3A, %dma_start3A_8] : memref<100x128xi32, #tpu.memory_space<vmem>> -> memref<1x128xi32, #tpu.memory_space<vmem>>
    %dma_start3A_10 = tpu.memref_squeeze %dma_start3A_9 : memref<1x128xi32, #tpu.memory_space<vmem>> -> memref<128xi32, #tpu.memory_space<vmem>>
    %dma_start3A_11 = arith.constant 0 : i32
    %dma_start3A_12 = arith.constant 0 : i32
    %dma_start3A_13 = tpu.memref_slice %arg2[%dma_start3A_11, %dma_start3A_12] : memref<100000x16xf32, #tpu.memory_space<hbm>> -> memref<100000x16xf32, #tpu.memory_space<hbm>>
    tpu.enqueue_indirect_dma source(%dma_start3A_13 : memref<100000x16xf32, #tpu.memory_space<hbm>>) target(%dma_start3A_7 : memref<128x16xf32, #tpu.memory_space<vmem>>) offsets(%dma_start3A_10 : memref<128xi32, #tpu.memory_space<vmem>>) semaphore(%arg8 : memref<!tpu.dma_semaphore, #tpu.memory_space<semaphore_mem>>)
    %dma_start3A_14 = arith.constant 1 : i32
    %dma_start3A_15 = arith.constant 128 : i32
    %dma_start3A_16 = arith.constant 0 : i32
    %dma_start3A_17 = tpu.memref_slice %arg6[%dma_start3A_15, %dma_start3A_16] : memref<640x16xf32, #tpu.memory_space<vmem>> -> memref<128x16xf32, #tpu.memory_space<vmem>>
    %dma_start3A_18 = arith.constant 0 : i32
    %dma_start3A_19 = tpu.memref_slice %arg5[%dma_start3A_14, %dma_start3A_18] : memref<100x128xi32, #tpu.memory_space<vmem>> -> memref<1x128xi32, #tpu.memory_space<vmem>>
    %dma_start3A_20 = tpu.memref_squeeze %dma_start3A_19 : memref<1x128xi32, #tpu.memory_space<vmem>> -> memref<128xi32, #tpu.memory_space<vmem>>
    %dma_start3A_21 = arith.constant 0 : i32
    %dma_start3A_22 = arith.constant 0 : i32
    %dma_start3A_23 = tpu.memref_slice %arg2[%dma_start3A_21, %dma_start3A_22] : memref<100000x16xf32, #tpu.memory_space<hbm>> -> memref<100000x16xf32, #tpu.memory_space<hbm>>
    tpu.enqueue_indirect_dma source(%dma_start3A_23 : memref<100000x16xf32, #tpu.memory_space<hbm>>) target(%dma_start3A_17 : memref<128x16xf32, #tpu.memory_space<vmem>>) offsets(%dma_start3A_20 : memref<128xi32, #tpu.memory_space<vmem>>) semaphore(%arg8 : memref<!tpu.dma_semaphore, #tpu.memory_space<semaphore_mem>>)
    %dma_start3A_24 = arith.constant 2 : i32
    %dma_start3A_25 = arith.constant 256 : i32
    %dma_start3A_26 = arith.constant 0 : i32
    %dma_start3A_27 = tpu.memref_slice %arg6[%dma_start3A_25, %dma_start3A_26] : memref<640x16xf32, #tpu.memory_space<vmem>> -> memref<128x16xf32, #tpu.memory_space<vmem>>
    %dma_start3A_28 = arith.constant 0 : i32
    %dma_start3A_29 = tpu.memref_slice %arg5[%dma_start3A_24, %dma_start3A_28] : memref<100x128xi32, #tpu.memory_space<vmem>> -> memref<1x128xi32, #tpu.memory_space<vmem>>
    %dma_start3A_30 = tpu.memref_squeeze %dma_start3A_29 : memref<1x128xi32, #tpu.memory_space<vmem>> -> memref<128xi32, #tpu.memory_space<vmem>>
    %dma_start3A_31 = arith.constant 0 : i32
    %dma_start3A_32 = arith.constant 0 : i32
    %dma_start3A_33 = tpu.memref_slice %arg2[%dma_start3A_31, %dma_start3A_32] : memref<100000x16xf32, #tpu.memory_space<hbm>> -> memref<100000x16xf32, #tpu.memory_space<hbm>>
    tpu.enqueue_indirect_dma source(%dma_start3A_33 : memref<100000x16xf32, #tpu.memory_space<hbm>>) target(%dma_start3A_27 : memref<128x16xf32, #tpu.memory_space<vmem>>) offsets(%dma_start3A_30 : memref<128xi32, #tpu.memory_space<vmem>>) semaphore(%arg8 : memref<!tpu.dma_semaphore, #tpu.memory_space<semaphore_mem>>)
    %dma_start3A_34 = arith.constant 3 : i32
    %dma_start3A_35 = arith.constant 384 : i32
    %dma_start3A_36 = arith.constant 0 : i32
    %dma_start3A_37 = tpu.memref_slice %arg6[%dma_start3A_35, %dma_start3A_36] : memref<640x16xf32, #tpu.memory_space<vmem>> -> memref<128x16xf32, #tpu.memory_space<vmem>>
    %dma_start3A_38 = arith.constant 0 : i32
    %dma_start3A_39 = tpu.memref_slice %arg5[%dma_start3A_34, %dma_start3A_38] : memref<100x128xi32, #tpu.memory_space<vmem>> -> memref<1x128xi32, #tpu.memory_space<vmem>>
    %dma_start3A_40 = tpu.memref_squeeze %dma_start3A_39 : memref<1x128xi32, #tpu.memory_space<vmem>> -> memref<128xi32, #tpu.memory_space<vmem>>
    %dma_start3A_41 = arith.constant 0 : i32
    %dma_start3A_42 = arith.constant 0 : i32
    %dma_start3A_43 = tpu.memref_slice %arg2[%dma_start3A_41, %dma_start3A_42] : memref<100000x16xf32, #tpu.memory_space<hbm>> -> memref<100000x16xf32, #tpu.memory_space<hbm>>
    tpu.enqueue_indirect_dma source(%dma_start3A_43 : memref<100000x16xf32, #tpu.memory_space<hbm>>) target(%dma_start3A_37 : memref<128x16xf32, #tpu.memory_space<vmem>>) offsets(%dma_start3A_40 : memref<128xi32, #tpu.memory_space<vmem>>) semaphore(%arg8 : memref<!tpu.dma_semaphore, #tpu.memory_space<semaphore_mem>>)
    %dma_start3A_44 = arith.constant 4 : i32
    %dma_start3A_45 = arith.constant 512 : i32
    %dma_start3A_46 = arith.constant 0 : i32
    %dma_start3A_47 = tpu.memref_slice %arg6[%dma_start3A_45, %dma_start3A_46] : memref<640x16xf32, #tpu.memory_space<vmem>> -> memref<128x16xf32, #tpu.memory_space<vmem>>
    %dma_start3A_48 = arith.constant 0 : i32
    %dma_start3A_49 = tpu.memref_slice %arg5[%dma_start3A_44, %dma_start3A_48] : memref<100x128xi32, #tpu.memory_space<vmem>> -> memref<1x128xi32, #tpu.memory_space<vmem>>
    %dma_start3A_50 = tpu.memref_squeeze %dma_start3A_49 : memref<1x128xi32, #tpu.memory_space<vmem>> -> memref<128xi32, #tpu.memory_space<vmem>>
    %dma_start3A_51 = arith.constant 0 : i32
    %dma_start3A_52 = arith.constant 0 : i32
    %dma_start3A_53 = tpu.memref_slice %arg2[%dma_start3A_51, %dma_start3A_52] : memref<100000x16xf32, #tpu.memory_space<hbm>> -> memref<100000x16xf32, #tpu.memory_space<hbm>>
    tpu.enqueue_indirect_dma source(%dma_start3A_53 : memref<100000x16xf32, #tpu.memory_space<hbm>>) target(%dma_start3A_47 : memref<128x16xf32, #tpu.memory_space<vmem>>) offsets(%dma_start3A_50 : memref<128xi32, #tpu.memory_space<vmem>>) semaphore(%arg8 : memref<!tpu.dma_semaphore, #tpu.memory_space<semaphore_mem>>)
    %scan3A = arith.constant 0 : i32
    %scan3A_54 = arith.constant 10 : i32
    %scan3A_55 = arith.addi %scan3A, %scan3A_54 : i32
    %scan3A_56 = arith.constant 1 : i32
    scf.for %scan3A_63 = %scan3A to %scan3A_55 step %scan3A_56  : i32 {
      %mul3A_64 = arith.constant 1 : i32
      %mul3A_65 = arith.muli %scan3A_63, %mul3A_64 : i32
      %add3A_66 = arith.constant 0 : i32
      %add3A_67 = arith.addi %add3A_66, %mul3A_65 : i32
      %mul3A_68 = arith.constant 2 : i32
      %mul3A_69 = arith.muli %mul3A_68, %add3A_67 : i32
      %add3A_70 = arith.constant 0 : i32
      %add3A_71 = arith.addi %mul3A_69, %add3A_70 : i32
      %ge3A = arith.constant 1 : i32
      %ge3A_72 = arith.cmpi sge, %add3A_71, %ge3A : i32
      %convert_element_type3A = arith.extui %ge3A_72 : i1 to i32
      %cond3A = arith.constant 0 : i32
      %cond3A_73 = arith.cmpi ne, %convert_element_type3A, %cond3A : i32
      scf.if %cond3A_73 {
        %dma_wait3A_122 = arith.constant 0 : i32
        %dma_wait3A_123 = arith.constant 0 : i32
        %dma_wait3A_124 = tpu.memref_slice %arg4[%dma_wait3A_122, %dma_wait3A_123] : memref<409600x16xf32, #tpu.memory_space<hbm>> -> memref<640x16xf32, #tpu.memory_space<hbm>>
        %dma_wait3A_125 = arith.constant 0 : i32
        %dma_wait3A_126 = arith.constant 0 : i32
        %dma_wait3A_127 = tpu.memref_slice %arg4[%dma_wait3A_125, %dma_wait3A_126] : memref<409600x16xf32, #tpu.memory_space<hbm>> -> memref<640x16xf32, #tpu.memory_space<hbm>>
        tpu.wait_dma2 semaphore(%arg11 : memref<!tpu.dma_semaphore, #tpu.memory_space<semaphore_mem>>) src(%arg7 : memref<640x16xf32, #tpu.memory_space<vmem>>) dst(%dma_wait3A_127 : memref<640x16xf32, #tpu.memory_space<hbm>>)
      } else {
      }
      %add3A_74 = arith.constant 1 : i32
      %add3A_75 = arith.addi %add3A_71, %add3A_74 : i32
      %lt3A = arith.constant 20 : i32
      %lt3A_76 = arith.cmpi slt, %add3A_75, %lt3A : i32
      %convert_element_type3A_77 = arith.extui %lt3A_76 : i1 to i32
      %cond3A_78 = arith.constant 0 : i32
      %cond3A_79 = arith.cmpi ne, %convert_element_type3A_77, %cond3A_78 : i32
      scf.if %cond3A_79 {
        %add3A_122 = arith.constant 1 : i32
        %add3A_123 = arith.addi %add3A_71, %add3A_122 : i32
        %mul3A_124 = arith.constant 5 : i32
        %mul3A_125 = arith.muli %add3A_123, %mul3A_124 : i32
        %add3A_126 = arith.constant 0 : i32
        %add3A_127 = arith.addi %mul3A_125, %add3A_126 : i32
        %dma_start3A_128 = arith.constant 0 : i32
        %dma_start3A_129 = arith.constant 0 : i32
        %dma_start3A_130 = tpu.memref_slice %arg7[%dma_start3A_128, %dma_start3A_129] : memref<640x16xf32, #tpu.memory_space<vmem>> -> memref<128x16xf32, #tpu.memory_space<vmem>>
        %dma_start3A_131 = arith.constant 0 : i32
        %dma_start3A_132 = tpu.memref_slice %arg5[%add3A_127, %dma_start3A_131] : memref<100x128xi32, #tpu.memory_space<vmem>> -> memref<1x128xi32, #tpu.memory_space<vmem>>
        %dma_start3A_133 = tpu.memref_squeeze %dma_start3A_132 : memref<1x128xi32, #tpu.memory_space<vmem>> -> memref<128xi32, #tpu.memory_space<vmem>>
        %dma_start3A_134 = arith.constant 0 : i32
        %dma_start3A_135 = arith.constant 0 : i32
        %dma_start3A_136 = tpu.memref_slice %arg2[%dma_start3A_134, %dma_start3A_135] : memref<100000x16xf32, #tpu.memory_space<hbm>> -> memref<100000x16xf32, #tpu.memory_space<hbm>>
        tpu.enqueue_indirect_dma source(%dma_start3A_136 : memref<100000x16xf32, #tpu.memory_space<hbm>>) target(%dma_start3A_130 : memref<128x16xf32, #tpu.memory_space<vmem>>) offsets(%dma_start3A_133 : memref<128xi32, #tpu.memory_space<vmem>>) semaphore(%arg9 : memref<!tpu.dma_semaphore, #tpu.memory_space<semaphore_mem>>)
        %mul3A_137 = arith.constant 5 : i32
        %mul3A_138 = arith.muli %add3A_123, %mul3A_137 : i32
        %add3A_139 = arith.constant 1 : i32
        %add3A_140 = arith.addi %mul3A_138, %add3A_139 : i32
        %dma_start3A_141 = arith.constant 128 : i32
        %dma_start3A_142 = arith.constant 0 : i32
        %dma_start3A_143 = tpu.memref_slice %arg7[%dma_start3A_141, %dma_start3A_142] : memref<640x16xf32, #tpu.memory_space<vmem>> -> memref<128x16xf32, #tpu.memory_space<vmem>>
        %dma_start3A_144 = arith.constant 0 : i32
        %dma_start3A_145 = tpu.memref_slice %arg5[%add3A_140, %dma_start3A_144] : memref<100x128xi32, #tpu.memory_space<vmem>> -> memref<1x128xi32, #tpu.memory_space<vmem>>
        %dma_start3A_146 = tpu.memref_squeeze %dma_start3A_145 : memref<1x128xi32, #tpu.memory_space<vmem>> -> memref<128xi32, #tpu.memory_space<vmem>>
        %dma_start3A_147 = arith.constant 0 : i32
        %dma_start3A_148 = arith.constant 0 : i32
        %dma_start3A_149 = tpu.memref_slice %arg2[%dma_start3A_147, %dma_start3A_148] : memref<100000x16xf32, #tpu.memory_space<hbm>> -> memref<100000x16xf32, #tpu.memory_space<hbm>>
        tpu.enqueue_indirect_dma source(%dma_start3A_149 : memref<100000x16xf32, #tpu.memory_space<hbm>>) target(%dma_start3A_143 : memref<128x16xf32, #tpu.memory_space<vmem>>) offsets(%dma_start3A_146 : memref<128xi32, #tpu.memory_space<vmem>>) semaphore(%arg9 : memref<!tpu.dma_semaphore, #tpu.memory_space<semaphore_mem>>)
        %mul3A_150 = arith.constant 5 : i32
        %mul3A_151 = arith.muli %add3A_123, %mul3A_150 : i32
        %add3A_152 = arith.constant 2 : i32
        %add3A_153 = arith.addi %mul3A_151, %add3A_152 : i32
        %dma_start3A_154 = arith.constant 256 : i32
        %dma_start3A_155 = arith.constant 0 : i32
        %dma_start3A_156 = tpu.memref_slice %arg7[%dma_start3A_154, %dma_start3A_155] : memref<640x16xf32, #tpu.memory_space<vmem>> -> memref<128x16xf32, #tpu.memory_space<vmem>>
        %dma_start3A_157 = arith.constant 0 : i32
        %dma_start3A_158 = tpu.memref_slice %arg5[%add3A_153, %dma_start3A_157] : memref<100x128xi32, #tpu.memory_space<vmem>> -> memref<1x128xi32, #tpu.memory_space<vmem>>
        %dma_start3A_159 = tpu.memref_squeeze %dma_start3A_158 : memref<1x128xi32, #tpu.memory_space<vmem>> -> memref<128xi32, #tpu.memory_space<vmem>>
        %dma_start3A_160 = arith.constant 0 : i32
        %dma_start3A_161 = arith.constant 0 : i32
        %dma_start3A_162 = tpu.memref_slice %arg2[%dma_start3A_160, %dma_start3A_161] : memref<100000x16xf32, #tpu.memory_space<hbm>> -> memref<100000x16xf32, #tpu.memory_space<hbm>>
        tpu.enqueue_indirect_dma source(%dma_start3A_162 : memref<100000x16xf32, #tpu.memory_space<hbm>>) target(%dma_start3A_156 : memref<128x16xf32, #tpu.memory_space<vmem>>) offsets(%dma_start3A_159 : memref<128xi32, #tpu.memory_space<vmem>>) semaphore(%arg9 : memref<!tpu.dma_semaphore, #tpu.memory_space<semaphore_mem>>)
        %mul3A_163 = arith.constant 5 : i32
        %mul3A_164 = arith.muli %add3A_123, %mul3A_163 : i32
        %add3A_165 = arith.constant 3 : i32
        %add3A_166 = arith.addi %mul3A_164, %add3A_165 : i32
        %dma_start3A_167 = arith.constant 384 : i32
        %dma_start3A_168 = arith.constant 0 : i32
        %dma_start3A_169 = tpu.memref_slice %arg7[%dma_start3A_167, %dma_start3A_168] : memref<640x16xf32, #tpu.memory_space<vmem>> -> memref<128x16xf32, #tpu.memory_space<vmem>>
        %dma_start3A_170 = arith.constant 0 : i32
        %dma_start3A_171 = tpu.memref_slice %arg5[%add3A_166, %dma_start3A_170] : memref<100x128xi32, #tpu.memory_space<vmem>> -> memref<1x128xi32, #tpu.memory_space<vmem>>
        %dma_start3A_172 = tpu.memref_squeeze %dma_start3A_171 : memref<1x128xi32, #tpu.memory_space<vmem>> -> memref<128xi32, #tpu.memory_space<vmem>>
        %dma_start3A_173 = arith.constant 0 : i32
        %dma_start3A_174 = arith.constant 0 : i32
        %dma_start3A_175 = tpu.memref_slice %arg2[%dma_start3A_173, %dma_start3A_174] : memref<100000x16xf32, #tpu.memory_space<hbm>> -> memref<100000x16xf32, #tpu.memory_space<hbm>>
        tpu.enqueue_indirect_dma source(%dma_start3A_175 : memref<100000x16xf32, #tpu.memory_space<hbm>>) target(%dma_start3A_169 : memref<128x16xf32, #tpu.memory_space<vmem>>) offsets(%dma_start3A_172 : memref<128xi32, #tpu.memory_space<vmem>>) semaphore(%arg9 : memref<!tpu.dma_semaphore, #tpu.memory_space<semaphore_mem>>)
        %mul3A_176 = arith.constant 5 : i32
        %mul3A_177 = arith.muli %add3A_123, %mul3A_176 : i32
        %add3A_178 = arith.constant 4 : i32
        %add3A_179 = arith.addi %mul3A_177, %add3A_178 : i32
        %dma_start3A_180 = arith.constant 512 : i32
        %dma_start3A_181 = arith.constant 0 : i32
        %dma_start3A_182 = tpu.memref_slice %arg7[%dma_start3A_180, %dma_start3A_181] : memref<640x16xf32, #tpu.memory_space<vmem>> -> memref<128x16xf32, #tpu.memory_space<vmem>>
        %dma_start3A_183 = arith.constant 0 : i32
        %dma_start3A_184 = tpu.memref_slice %arg5[%add3A_179, %dma_start3A_183] : memref<100x128xi32, #tpu.memory_space<vmem>> -> memref<1x128xi32, #tpu.memory_space<vmem>>
        %dma_start3A_185 = tpu.memref_squeeze %dma_start3A_184 : memref<1x128xi32, #tpu.memory_space<vmem>> -> memref<128xi32, #tpu.memory_space<vmem>>
        %dma_start3A_186 = arith.constant 0 : i32
        %dma_start3A_187 = arith.constant 0 : i32
        %dma_start3A_188 = tpu.memref_slice %arg2[%dma_start3A_186, %dma_start3A_187] : memref<100000x16xf32, #tpu.memory_space<hbm>> -> memref<100000x16xf32, #tpu.memory_space<hbm>>
        tpu.enqueue_indirect_dma source(%dma_start3A_188 : memref<100000x16xf32, #tpu.memory_space<hbm>>) target(%dma_start3A_182 : memref<128x16xf32, #tpu.memory_space<vmem>>) offsets(%dma_start3A_185 : memref<128xi32, #tpu.memory_space<vmem>>) semaphore(%arg9 : memref<!tpu.dma_semaphore, #tpu.memory_space<semaphore_mem>>)
      } else {
      }
      %dma_wait3A_80 = arith.constant 0 : i32
      %dma_wait3A_81 = arith.constant 0 : i32
      %dma_wait3A_82 = tpu.memref_slice %arg2[%dma_wait3A_80, %dma_wait3A_81] : memref<100000x16xf32, #tpu.memory_space<hbm>> -> memref<640x16xf32, #tpu.memory_space<hbm>>
      %dma_wait3A_83 = arith.constant 0 : i32
      %dma_wait3A_84 = arith.constant 0 : i32
      %dma_wait3A_85 = tpu.memref_slice %arg2[%dma_wait3A_83, %dma_wait3A_84] : memref<100000x16xf32, #tpu.memory_space<hbm>> -> memref<640x16xf32, #tpu.memory_space<hbm>>
      tpu.wait_dma2 semaphore(%arg8 : memref<!tpu.dma_semaphore, #tpu.memory_space<semaphore_mem>>) src(%dma_wait3A_85 : memref<640x16xf32, #tpu.memory_space<hbm>>) dst(%arg6 : memref<640x16xf32, #tpu.memory_space<vmem>>)
      %mul3A_86 = arith.constant 640 : i32
      %mul3A_87 = arith.muli %add3A_71, %mul3A_86 : i32
      %add3A_88 = arith.addi %mul3A_4, %mul3A_87 : i32
      %dma_start3A_89 = arith.constant 0 : i32
      %dma_start3A_90 = tpu.memref_slice %arg4[%add3A_88, %dma_start3A_89] : memref<409600x16xf32, #tpu.memory_space<hbm>> -> memref<640x16xf32, #tpu.memory_space<hbm>>
      %dma_start3A_91 = arith.constant 0 : i32
      %dma_start3A_92 = tpu.memref_slice %arg4[%add3A_88, %dma_start3A_91] : memref<409600x16xf32, #tpu.memory_space<hbm>> -> memref<640x16xf32, #tpu.memory_space<hbm>>
      tpu.enqueue_dma source(%arg6 : memref<640x16xf32, #tpu.memory_space<vmem>>) target(%dma_start3A_92 : memref<640x16xf32, #tpu.memory_space<hbm>>) target_semaphore(%arg10 : memref<!tpu.dma_semaphore, #tpu.memory_space<semaphore_mem>>)
      %mul3A_93 = arith.constant 2 : i32
      %mul3A_94 = arith.muli %mul3A_93, %add3A_67 : i32
      %add3A_95 = arith.constant 1 : i32
      %add3A_96 = arith.addi %mul3A_94, %add3A_95 : i32
      %ge3A_97 = arith.constant 1 : i32
      %ge3A_98 = arith.cmpi sge, %add3A_96, %ge3A_97 : i32
      %convert_element_type3A_99 = arith.extui %ge3A_98 : i1 to i32
      %cond3A_100 = arith.constant 0 : i32
      %cond3A_101 = arith.cmpi ne, %convert_element_type3A_99, %cond3A_100 : i32
      scf.if %cond3A_101 {
        %dma_wait3A_122 = arith.constant 0 : i32
        %dma_wait3A_123 = arith.constant 0 : i32
        %dma_wait3A_124 = tpu.memref_slice %arg4[%dma_wait3A_122, %dma_wait3A_123] : memref<409600x16xf32, #tpu.memory_space<hbm>> -> memref<640x16xf32, #tpu.memory_space<hbm>>
        %dma_wait3A_125 = arith.constant 0 : i32
        %dma_wait3A_126 = arith.constant 0 : i32
        %dma_wait3A_127 = tpu.memref_slice %arg4[%dma_wait3A_125, %dma_wait3A_126] : memref<409600x16xf32, #tpu.memory_space<hbm>> -> memref<640x16xf32, #tpu.memory_space<hbm>>
        tpu.wait_dma2 semaphore(%arg10 : memref<!tpu.dma_semaphore, #tpu.memory_space<semaphore_mem>>) src(%arg6 : memref<640x16xf32, #tpu.memory_space<vmem>>) dst(%dma_wait3A_127 : memref<640x16xf32, #tpu.memory_space<hbm>>)
      } else {
      }
      %add3A_102 = arith.constant 1 : i32
      %add3A_103 = arith.addi %add3A_96, %add3A_102 : i32
      %lt3A_104 = arith.constant 20 : i32
      %lt3A_105 = arith.cmpi slt, %add3A_103, %lt3A_104 : i32
      %convert_element_type3A_106 = arith.extui %lt3A_105 : i1 to i32
      %cond3A_107 = arith.constant 0 : i32
      %cond3A_108 = arith.cmpi ne, %convert_element_type3A_106, %cond3A_107 : i32
      scf.if %cond3A_108 {
        %add3A_122 = arith.constant 1 : i32
        %add3A_123 = arith.addi %add3A_96, %add3A_122 : i32
        %mul3A_124 = arith.constant 5 : i32
        %mul3A_125 = arith.muli %add3A_123, %mul3A_124 : i32
        %add3A_126 = arith.constant 0 : i32
        %add3A_127 = arith.addi %mul3A_125, %add3A_126 : i32
        %dma_start3A_128 = arith.constant 0 : i32
        %dma_start3A_129 = arith.constant 0 : i32
        %dma_start3A_130 = tpu.memref_slice %arg6[%dma_start3A_128, %dma_start3A_129] : memref<640x16xf32, #tpu.memory_space<vmem>> -> memref<128x16xf32, #tpu.memory_space<vmem>>
        %dma_start3A_131 = arith.constant 0 : i32
        %dma_start3A_132 = tpu.memref_slice %arg5[%add3A_127, %dma_start3A_131] : memref<100x128xi32, #tpu.memory_space<vmem>> -> memref<1x128xi32, #tpu.memory_space<vmem>>
        %dma_start3A_133 = tpu.memref_squeeze %dma_start3A_132 : memref<1x128xi32, #tpu.memory_space<vmem>> -> memref<128xi32, #tpu.memory_space<vmem>>
        %dma_start3A_134 = arith.constant 0 : i32
        %dma_start3A_135 = arith.constant 0 : i32
        %dma_start3A_136 = tpu.memref_slice %arg2[%dma_start3A_134, %dma_start3A_135] : memref<100000x16xf32, #tpu.memory_space<hbm>> -> memref<100000x16xf32, #tpu.memory_space<hbm>>
        tpu.enqueue_indirect_dma source(%dma_start3A_136 : memref<100000x16xf32, #tpu.memory_space<hbm>>) target(%dma_start3A_130 : memref<128x16xf32, #tpu.memory_space<vmem>>) offsets(%dma_start3A_133 : memref<128xi32, #tpu.memory_space<vmem>>) semaphore(%arg8 : memref<!tpu.dma_semaphore, #tpu.memory_space<semaphore_mem>>)
        %mul3A_137 = arith.constant 5 : i32
        %mul3A_138 = arith.muli %add3A_123, %mul3A_137 : i32
        %add3A_139 = arith.constant 1 : i32
        %add3A_140 = arith.addi %mul3A_138, %add3A_139 : i32
        %dma_start3A_141 = arith.constant 128 : i32
        %dma_start3A_142 = arith.constant 0 : i32
        %dma_start3A_143 = tpu.memref_slice %arg6[%dma_start3A_141, %dma_start3A_142] : memref<640x16xf32, #tpu.memory_space<vmem>> -> memref<128x16xf32, #tpu.memory_space<vmem>>
        %dma_start3A_144 = arith.constant 0 : i32
        %dma_start3A_145 = tpu.memref_slice %arg5[%add3A_140, %dma_start3A_144] : memref<100x128xi32, #tpu.memory_space<vmem>> -> memref<1x128xi32, #tpu.memory_space<vmem>>
        %dma_start3A_146 = tpu.memref_squeeze %dma_start3A_145 : memref<1x128xi32, #tpu.memory_space<vmem>> -> memref<128xi32, #tpu.memory_space<vmem>>
        %dma_start3A_147 = arith.constant 0 : i32
        %dma_start3A_148 = arith.constant 0 : i32
        %dma_start3A_149 = tpu.memref_slice %arg2[%dma_start3A_147, %dma_start3A_148] : memref<100000x16xf32, #tpu.memory_space<hbm>> -> memref<100000x16xf32, #tpu.memory_space<hbm>>
        tpu.enqueue_indirect_dma source(%dma_start3A_149 : memref<100000x16xf32, #tpu.memory_space<hbm>>) target(%dma_start3A_143 : memref<128x16xf32, #tpu.memory_space<vmem>>) offsets(%dma_start3A_146 : memref<128xi32, #tpu.memory_space<vmem>>) semaphore(%arg8 : memref<!tpu.dma_semaphore, #tpu.memory_space<semaphore_mem>>)
        %mul3A_150 = arith.constant 5 : i32
        %mul3A_151 = arith.muli %add3A_123, %mul3A_150 : i32
        %add3A_152 = arith.constant 2 : i32
        %add3A_153 = arith.addi %mul3A_151, %add3A_152 : i32
        %dma_start3A_154 = arith.constant 256 : i32
        %dma_start3A_155 = arith.constant 0 : i32
        %dma_start3A_156 = tpu.memref_slice %arg6[%dma_start3A_154, %dma_start3A_155] : memref<640x16xf32, #tpu.memory_space<vmem>> -> memref<128x16xf32, #tpu.memory_space<vmem>>
        %dma_start3A_157 = arith.constant 0 : i32
        %dma_start3A_158 = tpu.memref_slice %arg5[%add3A_153, %dma_start3A_157] : memref<100x128xi32, #tpu.memory_space<vmem>> -> memref<1x128xi32, #tpu.memory_space<vmem>>
        %dma_start3A_159 = tpu.memref_squeeze %dma_start3A_158 : memref<1x128xi32, #tpu.memory_space<vmem>> -> memref<128xi32, #tpu.memory_space<vmem>>
        %dma_start3A_160 = arith.constant 0 : i32
        %dma_start3A_161 = arith.constant 0 : i32
        %dma_start3A_162 = tpu.memref_slice %arg2[%dma_start3A_160, %dma_start3A_161] : memref<100000x16xf32, #tpu.memory_space<hbm>> -> memref<100000x16xf32, #tpu.memory_space<hbm>>
        tpu.enqueue_indirect_dma source(%dma_start3A_162 : memref<100000x16xf32, #tpu.memory_space<hbm>>) target(%dma_start3A_156 : memref<128x16xf32, #tpu.memory_space<vmem>>) offsets(%dma_start3A_159 : memref<128xi32, #tpu.memory_space<vmem>>) semaphore(%arg8 : memref<!tpu.dma_semaphore, #tpu.memory_space<semaphore_mem>>)
        %mul3A_163 = arith.constant 5 : i32
        %mul3A_164 = arith.muli %add3A_123, %mul3A_163 : i32
        %add3A_165 = arith.constant 3 : i32
        %add3A_166 = arith.addi %mul3A_164, %add3A_165 : i32
        %dma_start3A_167 = arith.constant 384 : i32
        %dma_start3A_168 = arith.constant 0 : i32
        %dma_start3A_169 = tpu.memref_slice %arg6[%dma_start3A_167, %dma_start3A_168] : memref<640x16xf32, #tpu.memory_space<vmem>> -> memref<128x16xf32, #tpu.memory_space<vmem>>
        %dma_start3A_170 = arith.constant 0 : i32
        %dma_start3A_171 = tpu.memref_slice %arg5[%add3A_166, %dma_start3A_170] : memref<100x128xi32, #tpu.memory_space<vmem>> -> memref<1x128xi32, #tpu.memory_space<vmem>>
        %dma_start3A_172 = tpu.memref_squeeze %dma_start3A_171 : memref<1x128xi32, #tpu.memory_space<vmem>> -> memref<128xi32, #tpu.memory_space<vmem>>
        %dma_start3A_173 = arith.constant 0 : i32
        %dma_start3A_174 = arith.constant 0 : i32
        %dma_start3A_175 = tpu.memref_slice %arg2[%dma_start3A_173, %dma_start3A_174] : memref<100000x16xf32, #tpu.memory_space<hbm>> -> memref<100000x16xf32, #tpu.memory_space<hbm>>
        tpu.enqueue_indirect_dma source(%dma_start3A_175 : memref<100000x16xf32, #tpu.memory_space<hbm>>) target(%dma_start3A_169 : memref<128x16xf32, #tpu.memory_space<vmem>>) offsets(%dma_start3A_172 : memref<128xi32, #tpu.memory_space<vmem>>) semaphore(%arg8 : memref<!tpu.dma_semaphore, #tpu.memory_space<semaphore_mem>>)
        %mul3A_176 = arith.constant 5 : i32
        %mul3A_177 = arith.muli %add3A_123, %mul3A_176 : i32
        %add3A_178 = arith.constant 4 : i32
        %add3A_179 = arith.addi %mul3A_177, %add3A_178 : i32
        %dma_start3A_180 = arith.constant 512 : i32
        %dma_start3A_181 = arith.constant 0 : i32
        %dma_start3A_182 = tpu.memref_slice %arg6[%dma_start3A_180, %dma_start3A_181] : memref<640x16xf32, #tpu.memory_space<vmem>> -> memref<128x16xf32, #tpu.memory_space<vmem>>
        %dma_start3A_183 = arith.constant 0 : i32
        %dma_start3A_184 = tpu.memref_slice %arg5[%add3A_179, %dma_start3A_183] : memref<100x128xi32, #tpu.memory_space<vmem>> -> memref<1x128xi32, #tpu.memory_space<vmem>>
        %dma_start3A_185 = tpu.memref_squeeze %dma_start3A_184 : memref<1x128xi32, #tpu.memory_space<vmem>> -> memref<128xi32, #tpu.memory_space<vmem>>
        %dma_start3A_186 = arith.constant 0 : i32
        %dma_start3A_187 = arith.constant 0 : i32
        %dma_start3A_188 = tpu.memref_slice %arg2[%dma_start3A_186, %dma_start3A_187] : memref<100000x16xf32, #tpu.memory_space<hbm>> -> memref<100000x16xf32, #tpu.memory_space<hbm>>
        tpu.enqueue_indirect_dma source(%dma_start3A_188 : memref<100000x16xf32, #tpu.memory_space<hbm>>) target(%dma_start3A_182 : memref<128x16xf32, #tpu.memory_space<vmem>>) offsets(%dma_start3A_185 : memref<128xi32, #tpu.memory_space<vmem>>) semaphore(%arg8 : memref<!tpu.dma_semaphore, #tpu.memory_space<semaphore_mem>>)
      } else {
      }
      %dma_wait3A_109 = arith.constant 0 : i32
      %dma_wait3A_110 = arith.constant 0 : i32
      %dma_wait3A_111 = tpu.memref_slice %arg2[%dma_wait3A_109, %dma_wait3A_110] : memref<100000x16xf32, #tpu.memory_space<hbm>> -> memref<640x16xf32, #tpu.memory_space<hbm>>
      %dma_wait3A_112 = arith.constant 0 : i32
      %dma_wait3A_113 = arith.constant 0 : i32
      %dma_wait3A_114 = tpu.memref_slice %arg2[%dma_wait3A_112, %dma_wait3A_113] : memref<100000x16xf32, #tpu.memory_space<hbm>> -> memref<640x16xf32, #tpu.memory_space<hbm>>
      tpu.wait_dma2 semaphore(%arg9 : memref<!tpu.dma_semaphore, #tpu.memory_space<semaphore_mem>>) src(%dma_wait3A_114 : memref<640x16xf32, #tpu.memory_space<hbm>>) dst(%arg7 : memref<640x16xf32, #tpu.memory_space<vmem>>)
      %mul3A_115 = arith.constant 640 : i32
      %mul3A_116 = arith.muli %add3A_96, %mul3A_115 : i32
      %add3A_117 = arith.addi %mul3A_4, %mul3A_116 : i32
      %dma_start3A_118 = arith.constant 0 : i32
      %dma_start3A_119 = tpu.memref_slice %arg4[%add3A_117, %dma_start3A_118] : memref<409600x16xf32, #tpu.memory_space<hbm>> -> memref<640x16xf32, #tpu.memory_space<hbm>>
      %dma_start3A_120 = arith.constant 0 : i32
      %dma_start3A_121 = tpu.memref_slice %arg4[%add3A_117, %dma_start3A_120] : memref<409600x16xf32, #tpu.memory_space<hbm>> -> memref<640x16xf32, #tpu.memory_space<hbm>>
      tpu.enqueue_dma source(%arg7 : memref<640x16xf32, #tpu.memory_space<vmem>>) target(%dma_start3A_121 : memref<640x16xf32, #tpu.memory_space<hbm>>) target_semaphore(%arg11 : memref<!tpu.dma_semaphore, #tpu.memory_space<semaphore_mem>>)
    }
    %scan3A_57 = arith.constant 10 : i32
    %dma_wait3A = arith.constant 0 : i32
    %dma_wait3A_58 = arith.constant 0 : i32
    %dma_wait3A_59 = tpu.memref_slice %arg4[%dma_wait3A, %dma_wait3A_58] : memref<409600x16xf32, #tpu.memory_space<hbm>> -> memref<640x16xf32, #tpu.memory_space<hbm>>
    %dma_wait3A_60 = arith.constant 0 : i32
    %dma_wait3A_61 = arith.constant 0 : i32
    %dma_wait3A_62 = tpu.memref_slice %arg4[%dma_wait3A_60, %dma_wait3A_61] : memref<409600x16xf32, #tpu.memory_space<hbm>> -> memref<640x16xf32, #tpu.memory_space<hbm>>
    tpu.wait_dma2 semaphore(%arg11 : memref<!tpu.dma_semaphore, #tpu.memory_space<semaphore_mem>>) src(%arg7 : memref<640x16xf32, #tpu.memory_space<vmem>>) dst(%dma_wait3A_62 : memref<640x16xf32, #tpu.memory_space<hbm>>)
    return
  }
}

module attributes {stable_mosaic.version = 14 : i64} {
  func.func @_mlp_body(%arg0: i32, %arg1: memref<1024x1600xf32, #tpu.memory_space<vmem>>, %arg2: memref<1x1600xf32, #tpu.memory_space<vmem>>, %arg3: memref<1x1600xf32, #tpu.memory_space<vmem>>, %arg4: memref<1600x1024xbf16, #tpu.memory_space<vmem>>, %arg5: memref<1x1024xf32, #tpu.memory_space<vmem>>, %arg6: memref<1024x512xbf16, #tpu.memory_space<vmem>>, %arg7: memref<1x512xf32, #tpu.memory_space<vmem>>, %arg8: memref<512x128xbf16, #tpu.memory_space<vmem>>, %arg9: memref<1x1xf32, #tpu.memory_space<vmem>>, %arg10: memref<1024x1xf32, #tpu.memory_space<vmem>>) attributes {dimension_semantics = [#tpu.dimension_semantics<arbitrary>], iteration_bounds = array<i64: 4>, scalar_prefetch = 0 : i64, scratch_operands = 0 : i64, tpu.core_type = #tpu.core_type<tc>, window_params = [{transform_indices = @transform_0, window_bounds = array<i64: 1024, 1600>}, {pipeline_mode = #tpu.pipeline_mode<synchronous>, transform_indices = @transform_1, window_bounds = array<i64: 1, 1600>}, {pipeline_mode = #tpu.pipeline_mode<synchronous>, transform_indices = @transform_2, window_bounds = array<i64: 1, 1600>}, {pipeline_mode = #tpu.pipeline_mode<synchronous>, transform_indices = @transform_3, window_bounds = array<i64: 1600, 1024>}, {pipeline_mode = #tpu.pipeline_mode<synchronous>, transform_indices = @transform_4, window_bounds = array<i64: 1, 1024>}, {pipeline_mode = #tpu.pipeline_mode<synchronous>, transform_indices = @transform_5, window_bounds = array<i64: 1024, 512>}, {pipeline_mode = #tpu.pipeline_mode<synchronous>, transform_indices = @transform_6, window_bounds = array<i64: 1, 512>}, {pipeline_mode = #tpu.pipeline_mode<synchronous>, transform_indices = @transform_7, window_bounds = array<i64: 512, 128>}, {pipeline_mode = #tpu.pipeline_mode<synchronous>, transform_indices = @transform_8, window_bounds = array<i64: 1, 1>}, {transform_indices = @transform_9, window_bounds = array<i64: 1024, 1>}]} {
    %get3A = arith.constant 0 : index
    %get3A_0 = arith.constant 0 : index
    %get3A_1 = vector.load %arg1[%get3A, %get3A_0] : memref<1024x1600xf32, #tpu.memory_space<vmem>>, vector<1024x1600xf32>
    %get3A_2 = arith.constant 0 : index
    %get3A_3 = arith.constant 0 : index
    %get3A_4 = vector.load %arg2[%get3A_2, %get3A_3] : memref<1x1600xf32, #tpu.memory_space<vmem>>, vector<1x1600xf32>
    %mul3A = vector.broadcast %get3A_4 : vector<1x1600xf32> to vector<1024x1600xf32>
    %mul3A_5 = arith.mulf %get3A_1, %mul3A : vector<1024x1600xf32>
    %get3A_6 = arith.constant 0 : index
    %get3A_7 = arith.constant 0 : index
    %get3A_8 = vector.load %arg3[%get3A_6, %get3A_7] : memref<1x1600xf32, #tpu.memory_space<vmem>>, vector<1x1600xf32>
    %add3A = vector.broadcast %get3A_8 : vector<1x1600xf32> to vector<1024x1600xf32>
    %add3A_9 = arith.addf %mul3A_5, %add3A : vector<1024x1600xf32>
    %convert_element_type3A = arith.truncf %add3A_9 : vector<1024x1600xf32> to vector<1024x1600xbf16>
    %get3A_10 = arith.constant 0 : index
    %get3A_11 = arith.constant 0 : index
    %get3A_12 = vector.load %arg4[%get3A_10, %get3A_11] : memref<1600x1024xbf16, #tpu.memory_space<vmem>>, vector<1600x1024xbf16>
    %dot_general3A = arith.constant dense<0.000000e+00> : vector<1024x1024xf32>
    %dot_general3A_13 = tpu.matmul %convert_element_type3A, %get3A_12, %dot_general3A {dimension_numbers = #tpu.dot_dimension_numbers<[1], [0], [0], [1], [0, 0, 1, 1], [], []>, transpose_lhs_hint = false} : vector<1024x1600xbf16>, vector<1600x1024xbf16>, vector<1024x1024xf32> -> vector<1024x1024xf32>
    %get3A_14 = arith.constant 0 : index
    %get3A_15 = arith.constant 0 : index
    %get3A_16 = vector.load %arg5[%get3A_14, %get3A_15] : memref<1x1024xf32, #tpu.memory_space<vmem>>, vector<1x1024xf32>
    %add3A_17 = vector.broadcast %get3A_16 : vector<1x1024xf32> to vector<1024x1024xf32>
    %add3A_18 = arith.addf %dot_general3A_13, %add3A_17 : vector<1024x1024xf32>
    %max3A = arith.constant 0.000000e+00 : f32
    %max3A_19 = vector.broadcast %max3A : f32 to vector<1024x1024xf32>
    %max3A_20 = arith.maximumf %add3A_18, %max3A_19 : vector<1024x1024xf32>
    %convert_element_type3A_21 = arith.truncf %max3A_20 : vector<1024x1024xf32> to vector<1024x1024xbf16>
    %get3A_22 = arith.constant 0 : index
    %get3A_23 = arith.constant 0 : index
    %get3A_24 = vector.load %arg6[%get3A_22, %get3A_23] : memref<1024x512xbf16, #tpu.memory_space<vmem>>, vector<1024x512xbf16>
    %dot_general3A_25 = arith.constant dense<0.000000e+00> : vector<1024x512xf32>
    %dot_general3A_26 = tpu.matmul %convert_element_type3A_21, %get3A_24, %dot_general3A_25 {dimension_numbers = #tpu.dot_dimension_numbers<[1], [0], [0], [1], [0, 0, 1, 1], [], []>, transpose_lhs_hint = false} : vector<1024x1024xbf16>, vector<1024x512xbf16>, vector<1024x512xf32> -> vector<1024x512xf32>
    %get3A_27 = arith.constant 0 : index
    %get3A_28 = arith.constant 0 : index
    %get3A_29 = vector.load %arg7[%get3A_27, %get3A_28] : memref<1x512xf32, #tpu.memory_space<vmem>>, vector<1x512xf32>
    %add3A_30 = vector.broadcast %get3A_29 : vector<1x512xf32> to vector<1024x512xf32>
    %add3A_31 = arith.addf %dot_general3A_26, %add3A_30 : vector<1024x512xf32>
    %max3A_32 = arith.constant 0.000000e+00 : f32
    %max3A_33 = vector.broadcast %max3A_32 : f32 to vector<1024x512xf32>
    %max3A_34 = arith.maximumf %add3A_31, %max3A_33 : vector<1024x512xf32>
    %convert_element_type3A_35 = arith.truncf %max3A_34 : vector<1024x512xf32> to vector<1024x512xbf16>
    %get3A_36 = arith.constant 0 : index
    %get3A_37 = arith.constant 0 : index
    %get3A_38 = vector.load %arg8[%get3A_36, %get3A_37] : memref<512x128xbf16, #tpu.memory_space<vmem>>, vector<512x128xbf16>
    %dot_general3A_39 = arith.constant dense<0.000000e+00> : vector<1024x128xf32>
    %dot_general3A_40 = tpu.matmul %convert_element_type3A_35, %get3A_38, %dot_general3A_39 {dimension_numbers = #tpu.dot_dimension_numbers<[1], [0], [0], [1], [0, 0, 1, 1], [], []>, transpose_lhs_hint = false} : vector<1024x512xbf16>, vector<512x128xbf16>, vector<1024x128xf32> -> vector<1024x128xf32>
    %slice3A = vector.extract_strided_slice %dot_general3A_40 {offsets = [0, 0], sizes = [1024, 1], strides = [1, 1]} : vector<1024x128xf32> to vector<1024x1xf32>
    %get3A_41 = arith.constant 0 : index
    %get3A_42 = arith.constant 0 : index
    %get3A_43 = vector.load %arg9[%get3A_41, %get3A_42] : memref<1x1xf32, #tpu.memory_space<vmem>>, vector<1x1xf32>
    %add3A_44 = vector.broadcast %get3A_43 : vector<1x1xf32> to vector<1024x1xf32>
    %add3A_45 = arith.addf %slice3A, %add3A_44 : vector<1024x1xf32>
    %logistic3A = arith.negf %add3A_45 : vector<1024x1xf32>
    %logistic3A_46 = math.exp %logistic3A : vector<1024x1xf32>
    %logistic3A_47 = arith.constant 1.000000e+00 : f32
    %logistic3A_48 = vector.broadcast %logistic3A_47 : f32 to vector<1024x1xf32>
    %logistic3A_49 = arith.addf %logistic3A_48, %logistic3A_46 : vector<1024x1xf32>
    %logistic3A_50 = arith.divf %logistic3A_48, %logistic3A_49 : vector<1024x1xf32>
    %swap3A = arith.constant 0 : index
    %swap3A_51 = arith.constant 0 : index
    %swap3A_52 = vector.load %arg10[%swap3A, %swap3A_51] : memref<1024x1xf32, #tpu.memory_space<vmem>>, vector<1024x1xf32>
    tpu.vector_store %arg10[%swap3A, %swap3A_51], %logistic3A_50 {strides = array<i32>} : memref<1024x1xf32, #tpu.memory_space<vmem>>, vector<1024x1xf32>,
    return
  }
  func.func @transform_0(%arg0: i32) -> (i32, i32) {
    %c0_i32 = arith.constant 0 : i32
    %c0_i32_0 = arith.constant 0 : i32
    return %arg0, %c0_i32 : i32, i32
  }
  func.func @transform_1(%arg0: i32) -> (i32, i32) {
    %c0_i32 = arith.constant 0 : i32
    %c0_i32_0 = arith.constant 0 : i32
    %c0_i32_1 = arith.constant 0 : i32
    return %c0_i32, %c0_i32_0 : i32, i32
  }
  func.func @transform_2(%arg0: i32) -> (i32, i32) {
    %c0_i32 = arith.constant 0 : i32
    %c0_i32_0 = arith.constant 0 : i32
    %c0_i32_1 = arith.constant 0 : i32
    return %c0_i32, %c0_i32_0 : i32, i32
  }
  func.func @transform_3(%arg0: i32) -> (i32, i32) {
    %c0_i32 = arith.constant 0 : i32
    %c0_i32_0 = arith.constant 0 : i32
    %c0_i32_1 = arith.constant 0 : i32
    return %c0_i32, %c0_i32_0 : i32, i32
  }
  func.func @transform_4(%arg0: i32) -> (i32, i32) {
    %c0_i32 = arith.constant 0 : i32
    %c0_i32_0 = arith.constant 0 : i32
    %c0_i32_1 = arith.constant 0 : i32
    return %c0_i32, %c0_i32_0 : i32, i32
  }
  func.func @transform_5(%arg0: i32) -> (i32, i32) {
    %c0_i32 = arith.constant 0 : i32
    %c0_i32_0 = arith.constant 0 : i32
    %c0_i32_1 = arith.constant 0 : i32
    return %c0_i32, %c0_i32_0 : i32, i32
  }
  func.func @transform_6(%arg0: i32) -> (i32, i32) {
    %c0_i32 = arith.constant 0 : i32
    %c0_i32_0 = arith.constant 0 : i32
    %c0_i32_1 = arith.constant 0 : i32
    return %c0_i32, %c0_i32_0 : i32, i32
  }
  func.func @transform_7(%arg0: i32) -> (i32, i32) {
    %c0_i32 = arith.constant 0 : i32
    %c0_i32_0 = arith.constant 0 : i32
    %c0_i32_1 = arith.constant 0 : i32
    return %c0_i32, %c0_i32_0 : i32, i32
  }
  func.func @transform_8(%arg0: i32) -> (i32, i32) {
    %c0_i32 = arith.constant 0 : i32
    %c0_i32_0 = arith.constant 0 : i32
    %c0_i32_1 = arith.constant 0 : i32
    return %c0_i32, %c0_i32_0 : i32, i32
  }
  func.func @transform_9(%arg0: i32) -> (i32, i32) {
    %c0_i32 = arith.constant 0 : i32
    %c0_i32_0 = arith.constant 0 : i32
    return %arg0, %c0_i32 : i32, i32
  }
}

</mosaic_0001>

<sc_bundles>
// kernel: kernel.10.cloned.1.call-start
scs
__scs_entry_jumppad:
0x0: {  	(pc) =	sbr.rel $0x88, $3  }
0x1: {  	(tag) =	ssettag $0x0;
	lr =	simm.s32 $0x1  }
0x2: {  	[smem:$0x3F95] =	sst lr;
	_ =	strace $0xD0000000  }
0x3: {  	_ = 	snop  }
0x4: {  	_ = 	snop  }
0x5: {  	_ = 	snop  }
0x6: {  	_ = 	snop  }
0x7: {  	_ = 	snop  }
__scs_overlays_trampoline_lowered:
0x8: {  	[smem:$0x3FA4] =	sst s0  }
0x9: {  	[smem:$0x3FA5] =	sst s1  }
0xa: {  	[smem:$0x3FA6] =	sst s2  }
0xb: {  	[smem:$0x3FA7] =	sst s3  }
0xc: {  	[smem:$0x3FA8] =	sst s4  }
0xd: {  	[smem:$0x3FA9] =	sst s5  }
0xe: {  	[smem:$0x3FAA] =	sst s6  }
0xf: {  	[smem:$0x3FAB] =	sst s7  }
0x10: {  	[smem:$0x3FAC] =	sst s8  }
0x11: {  	[smem:$0x3FAD] =	sst s9;
	s0 =	simm.s32 @!p0 $0x0  }
0x12: {  	s1 =	sld [smem:$0x3F93];
	s0 =	simm.s32 @p0 $0x1  }
0x13: {  	[smem:$0x3FAE] =	sst s0;
	s0 =	simm.s32 @!p1 $0x0  }
0x14: {  	s2 =	sld [smem:$0x3F92];
	s0 =	simm.s32 @p1 $0x1  }
0x15: {  	[smem:$0x3FAF] =	sst s0;
	s0 =	simm.s32 @!p2 $0x0  }
0x16: {  	s3 =	sld [smem:$0x3FDB];
	s0 =	simm.s32 @p2 $0x1  }
0x17: {  	s4 =	simm.s32 $0x1BF5;
	[smem:$0x3FB1] =	sst s0  }
0x18: {  	s0 =	sld [smem:$0x3F94];
	_ =	swait.ge [sflag:s4], $0x0  }
0x19: {  	s7 =	sld [smem:$0x3F95]  }
0x1a: {  	s8 =	sadd.s32 $0xFFFFE003, lr  }
0x1b: {  	s9 =	sadd.s32 $0xFFFFFEF7, lr;
	s5 =	simm.s32 $0xFFFFFFFF;
	p2 =	slt.u32 s8, $0xFFFFF086  }
0x1c: {  	p1 =	slt.u32 s9, $0xF7A;
	s5 =	simm.s32 @!p2 $0x0  }
0x1d: {  	s5 =	simm.s32 @p1 $0x1;
	p0 =	seq.s32 s7, s2  }
0x1e: {  	s7 =	smul.u32 @!p0 $0xF7A, s2;
	p2 =	seq.s32 @!p0 s5, $0x0  }
0x1f: {  	s9 =	smul.u32 $0xF7A, s1;
	s8 =	simm.s32 @!p0 $0x1BF5;
	p2 =	por !p2, p0  }
0x20: {  	[sflag:s8] =	ssyncset.s32 @!p0 $0xFFFFF086;
	s6 =	sadd.s32 @!p0 s3, s7;
	s7 =	simm.s32 @!p0 $0x108  }
0x21: {  	s3 =	sadd.s32 s3, s9;
	s6 =	sadd.s32 @!p0 $0x88, s6;
	s7 =	simm.s32 @p2 $0x1082  }
0x22: {  	[simem:s7], [sflag:s8] =	dma.local @!p0 [hbm:s6], $0xF7A  }
0x23: {  	s9 =	sor.u32 $0xD0000000, s2;
	s6 =	simm.s32 $0x108;
	_ =	swait.ge @!p0 [sflag:s8], $0x0  }
0x24: {  	s3 =	sadd.s32 $0x88, s3;
	s6 =	simm.s32 @!p1 $0x1082;
	[sflag:s4] =	ssyncset.s32 $0xFFFFF086  }
0x25: {  	[simem:s6], [sflag:s4] =	dma.local [hbm:s3], $0xF7A  }
0x26: {  	[smem:$0x3F95] =	sst s1;
	(tag) =	ssettag s2;
	_ =	strace s9  }
0x27: {  	s1 =	sld [smem:$0x3FA5]  }
0x28: {  	s2 =	sld [smem:$0x3FA6]  }
0x29: {  	s4 =	sld [smem:$0x3FA8]  }
0x2a: {  	p0 =	seq.s32 s5, $0x0;
	s5 =	sld [smem:$0x3FA9]  }
0x2b: {  	s6 =	sld [smem:$0x3FAA]  }
0x2c: {  	s7 =	sld [smem:$0x3FAB]  }
0x2d: {  	s3 =	simm.s32 $0x108;
	s8 =	sld [smem:$0x3FAC]  }
0x2e: {  	s3 =	simm.s32 @!p0 $0x1082;
	s9 =	sld [smem:$0x3FAD]  }
0x2f: {  	lr =	sadd.s32 s0, s3;
	s0 =	sld [smem:$0x3FA4]  }
0x30: {  	s3 =	sld [smem:$0x3FA7]  }
0x31: {  	[smem:$0x3FB0] =	sst s10  }
0x32: {  	s10 =	sld [smem:$0x3FAE];
	_ =	sdelay $0x3  }
0x33: {  	p0 =	seq.s32 s10, $0x1;
	s10 =	sld [smem:$0x3FB0];
	_ =	sdelay $0x3  }
0x34: {  	[smem:$0x3FB0] =	sst s10  }
0x35: {  	s10 =	sld [smem:$0x3FAF];
	_ =	sdelay $0x3  }
0x36: {  	p1 =	seq.s32 s10, $0x1;
	s10 =	sld [smem:$0x3FB0];
	_ =	sdelay $0x3  }
0x37: {  	[smem:$0x3FB0] =	sst s10  }
0x38: {  	s10 =	sld [smem:$0x3FB1]  }
0x39: {  	_ = 	snop;
	(pc) =	sbr.ind lr, $3  }
0x3a: {  	_ = 	snop  }
0x3b: {  	_ = 	snop  }
0x3c: {  	p2 =	seq.s32 s10, $0x1;
	s10 =	sld [smem:$0x3FB0]  }
0x3d: {  	_ =	shalt  }
0x3e: {  	_ =	shalt  }
0x3f: {  	_ =	shalt  }
0x40: {  	_ =	shalt  }
0x41: {  	_ =	shalt  }
0x42: {  	_ =	shalt  }
0x43: {  	_ =	shalt  }
0x44: {  	_ =	shalt  }
0x45: {  	_ =	shalt  }
0x46: {  	_ =	shalt  }
0x47: {  	_ =	shalt  }
0x48: {  	_ =	shalt  }
0x49: {  	_ =	shalt  }
0x4a: {  	_ =	shalt  }
0x4b: {  	_ =	shalt  }
0x4c: {  	_ =	shalt  }
0x4d: {  	_ =	shalt  }
0x4e: {  	_ =	shalt  }
0x4f: {  	_ =	shalt  }
0x50: {  	_ =	shalt  }
0x51: {  	_ =	shalt  }
0x52: {  	_ =	shalt  }
0x53: {  	_ =	shalt  }
0x54: {  	_ =	shalt  }
0x55: {  	_ =	shalt  }
0x56: {  	_ =	shalt  }
0x57: {  	_ =	shalt  }
0x58: {  	_ =	shalt  }
0x59: {  	_ =	shalt  }
0x5a: {  	_ =	shalt  }
0x5b: {  	_ =	shalt  }
0x5c: {  	_ =	shalt  }
0x5d: {  	_ =	shalt  }
0x5e: {  	_ =	shalt  }
0x5f: {  	_ =	shalt  }
0x60: {  	_ =	shalt  }
0x61: {  	_ =	shalt  }
0x62: {  	_ =	shalt  }
0x63: {  	_ =	shalt  }
0x64: {  	_ =	shalt  }
0x65: {  	_ =	shalt  }
0x66: {  	_ =	shalt  }
0x67: {  	_ =	shalt  }
0x68: {  	_ =	shalt  }
0x69: {  	_ =	shalt  }
0x6a: {  	_ =	shalt  }
0x6b: {  	_ =	shalt  }
0x6c: {  	_ =	shalt  }
0x6d: {  	_ =	shalt  }
0x6e: {  	_ =	shalt  }
0x6f: {  	_ =	shalt  }
0x70: {  	_ =	shalt  }
0x71: {  	_ =	shalt  }
0x72: {  	_ =	shalt  }
0x73: {  	_ =	shalt  }
0x74: {  	_ =	shalt  }
0x75: {  	_ =	shalt  }
0x76: {  	_ =	shalt  }
0x77: {  	_ =	shalt  }
0x78: {  	_ =	shalt  }
0x79: {  	_ =	shalt  }
0x7a: {  	_ =	shalt  }
0x7b: {  	_ =	shalt  }
0x7c: {  	_ =	shalt  }
0x7d: {  	_ =	shalt  }
0x7e: {  	_ =	shalt  }
0x7f: {  	_ =	shalt  }
0x80: {  	_ =	shalt  }
0x81: {  	_ =	shalt  }
0x82: {  	_ =	shalt  }
0x83: {  	_ =	shalt  }
0x84: {  	_ =	shalt  }
0x85: {  	_ =	shalt  }
0x86: {  	_ =	shalt  }
0x87: {  	_ =	shalt  }
.Lfunc_end0:
.L_simem_size_0:
called_computation_lowered:
.L_overlay_start_0:
0x88: {  	s2 =	sld [smem:$0x3FD9]  }
0x89: {  	s3 =	sld [smem:$0x3FFE];
	_ =	sdelay $0x1  }
0x8a: {  	s1 =	srdreg.scid  }
0x8b: {  	s0 =	sand.u32 $0x1, s1  }
0x8c: {  	s17 =	sshll.u32 s0, $0xA;
	s2 =	sadd.s32 s3, s2  }
0x8d: {  	s2 =	sadd.s32 s2, s17  }
0x8e: {  	[smem:$0x3FBC] =	sst s2  }
0x8f: {  	_ = 	snop  }
0x90: {  	(tm) =	ssettm $0x1  }
0x91: {  	s18 =	sld [smem:$0x3FFB];
	_ =	sdelay $0x3  }
0x92: {  	_ =	strace s18  }
0x93: {  	s2 =	sld [smem:$0x3FFC];
	_ =	sdelay $0x3  }
0x94: {  	_ =	strace s2  }
0x95: {  	s2 =	sld [smem:$0x3FFD];
	_ =	sdelay $0x3  }
0x96: {  	_ =	strace s2  }
0x97: {  	_ =	strace $0x8FFFFFFF  }
0x98: {  	s19 =	sld [smem:$0x3FDB];
	_ =	sdelay $0x1  }
0x99: {  	s20 =	simm.s32 $_scs_section_size  }
0x9a: {  	s4 =	simm.s32 $_size__tile_overlayer_lowered;
	s5 =	simm.s32 $_tile_overlayer_lowered  }
0x9b: {  	s6 =	simm.s32 $0x1BFF;
	s21 =	sshll.u32 s5, $0x1;
	s3 =	sadd.s32 s20, s19  }
0x9c: {  	s22 =	simm.s32 $0x0;
	s4 =	sshll.u32 s4, $0x1;
	s5 =	sadd.s32 s21, s3  }
0x9d: {  	[timem:s22], [sflag:s6] =	dma.local [hbm:s5], s4  }
0x9e: {  	_ =	swait.ge [sflag:s6], s4  }
0x9f: {  	s4 =	ssub.s32 $0x0, s4;
	[sflag:s6] =	ssyncset.done $0x0  }
0xa0: {  	[sflag:s6] =	ssyncadd.s32 s4;
	_ =	sdelay $0x1  }
0xa1: {  	s23 =	simm.s32 $0x1B8B  }
0xa2: {  	_ =	swait.ge [sflag:s23], $0x1  }
0xa3: {  	[sflag:s23] =	ssyncset.done $0x0  }
0xa4: {  	[sflag:s23] =	ssyncadd.s32 $0xFFFFFFFF  }
0xa5: {  	s4 =	sld [smem:$0x0]  }
0xa6: {  	s5 =	sand.u32 $0xFFFFFFFE, s1  }
0xa7: {  	p0 =	sne.s32 s1, s5  }
0xa8: {  	s5 =	sshll.u32 @p0 s5, $0xE  }
0xa9: {  	s5 =	sadd.s32 @p0 $0x11B8D, s5;
	s6 =	sshll.u32 @p0 s4, $0x11  }
0xaa: {  	s5 =	sor.u32 @p0 s6, s5  }
0xab: {  	[sflag:s5] =	ssyncadd.remote.s32 @p0 $0x1;
	_ =	sdelay $0x1  }
0xac: {  	s5 =	simm.s32 @p0 $0x1B8D  }
0xad: {  	_ =	swait.eq @p0 [sflag:s5], $0x1  }
0xae: {  	[sflag:s5] =	ssyncadd.s32 @p0 $0xFFFFFFFF  }
0xaf: {  	s6 =	sshll.u32 @!p0 s1, $0xE  }
0xb0: {  	s6 =	sor.u32 @!p0 $0x4000, s6;
	s5 =	simm.s32 @!p0 $0x1B8D  }
0xb1: {  	s4 =	sshll.u32 @!p0 s4, $0x11;
	s6 =	sadd.s32 @!p0 $0x11B8D, s6;
	_ =	swait.eq @!p0 [sflag:s5], $0x1  }
0xb2: {  	s4 =	sor.u32 @!p0 s4, s6;
	[sflag:s5] =	ssyncadd.s32 @!p0 $0xFFFFFFFF  }
0xb3: {  	s25 =	simm.s32 $0x1B8E;
	s24 =	sld [smem:$0x3FFE];
	[sflag:s4] =	ssyncadd.remote.s32 @!p0 $0x1  }
0xb4: {  	s26 =	simm.s32 $execute0_lowered;
	[smem:$0x3FD2] =	sst s25  }
0xb5: {  	s5 =	sshll.u32 s26, $0x1;
	_ =	strace $0x8000004F;
	[dreg:$0x1] =	wrdreg $0xFFFFFFFF  }
0xb6: {  	s28 =	simm.s32 $_size_execute0_lowered;
	s3 =	sadd.s32 s3, s5;
	[dreg:$0x0] =	wrdreg $0x0  }
0xb7: {  	s5 =	sshll.u32 s28, $0x1;
	[dreg:$0x2] =	wrdreg s3  }
0xb8: {  	[dreg:$0x3] =	wrdreg s5  }
0xb9: {  	[dreg:$0x4] =	wrdreg $0xC0  }
0xba: {  	_ =	task [dreg:s22], $0x5FFFF  }
0xbb: {  	[dreg:$0x1] =	wrdreg $0xFFFFFFFF  }
0xbc: {  	[dreg:$0x0] =	wrdreg $0x60  }
0xbd: {  	[dreg:$0x2] =	wrdreg s24  }
0xbe: {  	[dreg:$0x3] =	wrdreg $0x9  }
0xbf: {  	_ =	task.clear_ibuf [dreg:s22], $0x4FFFF;
	_ =	strace $0x9000004F  }
0xc0: {  	s29 =	simm.s32 $0x9;
	_ =	strace $0x80000051  }
0xc1: {  	_ =	swait.ge [sflag:s29], $0x1  }
0xc2: {  	[sflag:s29] =	ssyncadd.s32 $0xFFFFFFFF  }
0xc3: {  	_ =	strace $0x90000051  }
0xc4: {  	_ =	sfence  }
0xc5: {  	s30 =	sld [smem:$0x0];
	_ =	sdelay $0x2  }
0xc6: {  	s31 =	sshll.u32 s1, $0xD;
	s1 =	sshrl.u32 s1, $0x2  }
0xc7: {  	s4 =	sand.u32 $0x4000, s31;
	s1 =	sadd.s32 s1, s30  }
0xc8: {  	s0 =	sor.u32 s4, s0;
	s1 =	sshll.u32 s1, $0x11  }
0xc9: {  	s0 =	sor.u32 s1, s0  }
0xca: {  	s0 =	sadd.s32 $0x8F2B, s0  }
0xcb: {  	[sflag:s0] =	ssyncadd.remote.s32 $0x1  }
0xcc: {  	_ =	sfence.sel $0xFFFF  }
0xcd: {  	[dreg:$0x0] =	wrdreg $0xFFFFFFFF;
	(pc) =	sbr.abs _section_cstart, $3  }
0xce: {  	[dreg:$0x1] =	wrdreg $0xFFFFFFFF  }
0xcf: {  	_ =	task.clear_ibuf [dreg:s22], $0x2FFFF;
	_ =	strace $0x9FFFFFFF  }
0xd0: {  	(tm) =	ssettm $0x7FFFFFFF  }
0xd1: {  	_ =	shalt  }
tec
execute0_lowered:
.L_overlay_start_1:
0x0: {  	(tag) =	ssettag $0x1  }
0x1: {  	s0 =	rddreg [dreg:$0x0];
	s1 =	srdreg.scid  }
0x2: {  	s9 =	stileid.u32;
	s2 =	simm.s32 $0x0;
	s12 =	simm.s32 $0x5  }
0x3: {  	s13 =	simm.s32 $0x80;
	s14 =	simm.s32 $0x3200;
	s15 =	simm.s32 $0x3A00  }
0x4: {  	s17 =	simm.s32 $0x4200;
	s19 =	simm.s32 $0x4A00;
	s21 =	simm.s32 $0x5200  }
0x5: {  	s28 =	simm.s32 $0x6A00;
	s30 =	simm.s32 $0x7200;
	s16 =	simm.s32 $0x3  }
0x6: {  	s29 =	simm.s32 $0x2;
	s31 =	simm.s32 $0x4;
	s8 =	smul.u32 $0xC800, s9  }
0x7: {  	s1 =	sand.u32 $0x1, s1;
	s3 =	sshll.u32 s9, $0x1;
	s9 =	smul.u32 $0x6400, s9  }
0x8: {  	[smem:$0x7FF] =	sst s2;
	s4 =	sor.u32 s1, s3;
	s10 =	smul.u32 $0x3200, s1  }
0x9: {  	_ =	strace $0x80000050;
	s24 =	ssub.s32 $0x2, s1;
	s1 =	smul.u32 $0x6400, s1  }
0xa: {  	s18 =	simm.s32 $0x0;
	s3 =	sadd.s32 $0x189C00, s0;
	s5 =	smul.u32 $0x640, s4  }
0xb: {  	s6 =	smul.u32 $0x6400, s4;
	s7 =	sshrl.u32 s24, $0x1;
	s9 =	sadd.s32 s10, s9  }
0xc: {  	s23 =	sadd.s32 s5, s0;
	s0 =	sadd.s32 $0x34AA00, s0;
	s5 =	ssub.s32 s24, s7  }
0xd: {  	s26 =	sshll.u32 s9, $0x1;
	s4 =	sadd.s32 $0xF0A00, s23;
	s25 =	smax.u32 s5, $0x1  }
0xe: {  	s6 =	sadd.s32 s0, s6;
	s11 =	sadd.s32 s8, s0;
	[dreg:$0x2] =	wrdreg s4  }
0xf: {  	s0 =	sadd.s32 s0, s26;
	s23 =	simm.s32 $0x5A00;
	[dreg:$0x3] =	wrdreg s25  }
0x10: {  	s7 =	sadd.s32 $0x500, s6;
	s8 =	sadd.s32 $0x5A00, s6;
	s1 =	sadd.s32 s1, s11  }
0x11: {  	s9 =	sadd.s32 $0x5F00, s6;
	s26 =	sadd.s32 $0xF00, s0;
	s25 =	simm.s32 $0x6200  }
0x12: {  	s0 =	simm.s32 $0x7A00;
	s10 =	sadd.s32 $0xA00, s1;
	s1 =	simm.s32 $0x1  }
.LBB2_1:
0x13: {  	s4 =	rddreg [dreg:$0x2]  }
0x14: {  	[tilespmem:s2], [sflag:$0x5] =	stream.linear.gather [hbm4b:s4+s2], $0x3200, $0x38;
	[tilespmem:$0x8200] =	vst v63  }
0x15: {  	_ =	swait.ge [sflag:s12], $0x3200  }
0x16: {  	[sflag:s12] =	ssyncset.done $0x0  }
0x17: {  	[sflag:s12] =	ssyncadd.s32 $0xFFFFCE00  }
0x18: {  	[tilespmem:s14], [sflag:$0x1] =	stream.indirect.gather [hbm4b:s3+s13], $0x10, s2, s13, $0xb8;
	[tilespmem:$0x8200] =	vst v63  }
0x19: {  	_ = 	snop  }
0x1a: {  	[tilespmem:s15], [sflag:$0x1] =	stream.indirect.gather [hbm4b:s3+s13], $0x10, s13, s13, $0xb8;
	[tilespmem:$0x8200] =	vst v63  }
0x1b: {  	s20 =	simm.s32 $0x100  }
0x1c: {  	[tilespmem:s17], [sflag:$0x1] =	stream.indirect.gather [hbm4b:s3+s13], $0x10, s20, s13, $0xb8;
	[tilespmem:$0x8200] =	vst v63  }
0x1d: {  	s22 =	simm.s32 $0x180  }
0x1e: {  	[tilespmem:s19], [sflag:$0x1] =	stream.indirect.gather [hbm4b:s3+s13], $0x10, s22, s13, $0xb8;
	[tilespmem:$0x8200] =	vst v63  }
0x1f: {  	s24 =	simm.s32 $0x200  }
0x20: {  	[tilespmem:s21], [sflag:$0x1] =	stream.indirect.gather [hbm4b:s3+s13], $0x10, s24, s13, $0xb8;
	[tilespmem:$0x8200] =	vst v63  }
0x21: {  	s5 =	simm.s32 $0x280  }
0x22: {  	[tilespmem:s23], [sflag:$0x2] =	stream.indirect.gather [hbm4b:s3+s13], $0x10, s5, s13, $0xb8;
	[tilespmem:$0x8200] =	vst v63  }
0x23: {  	s11 =	simm.s32 $0x300  }
0x24: {  	[tilespmem:s25], [sflag:$0x2] =	stream.indirect.gather [hbm4b:s3+s13], $0x10, s11, s13, $0xb8;
	[tilespmem:$0x8200] =	vst v63  }
0x25: {  	s20 =	simm.s32 $0x380  }
0x26: {  	[tilespmem:s28], [sflag:$0x2] =	stream.indirect.gather [hbm4b:s3+s13], $0x10, s20, s13, $0xb8;
	[tilespmem:$0x8200] =	vst v63  }
0x27: {  	s22 =	simm.s32 $0x400  }
0x28: {  	[tilespmem:s30], [sflag:$0x2] =	stream.indirect.gather [hbm4b:s3+s13], $0x10, s22, s13, $0xb8;
	[tilespmem:$0x8200] =	vst v63  }
0x29: {  	s24 =	simm.s32 $0x480  }
0x2a: {  	[tilespmem:s0], [sflag:$0x2] =	stream.indirect.gather [hbm4b:s3+s13], $0x10, s24, s13, $0xb8;
	[tilespmem:$0x8200] =	vst v63  }
0x2b: {  	_ =	swait.ge [sflag:s1], $0x2800  }
0x2c: {  	[sflag:s1] =	ssyncset.done $0x0  }
0x2d: {  	[sflag:s1] =	ssyncadd.s32 $0xFFFFD800  }
0x2e: {  	[hbm4b:s6+s2] =	stream.linear.scatter [tilespmem:s14], [sflag:$0x3], $0x2800, $0x38;
	[tilespmem:$0x8200] =	vst v63  }
0x2f: {  	_ =	swait.ge [sflag:s16], $0x2800  }
0x30: {  	[sflag:s16] =	ssyncset.done $0x0  }
0x31: {  	s5 =	simm.s32 $0x500;
	[sflag:s16] =	ssyncadd.s32 $0xFFFFD800  }
0x32: {  	[tilespmem:s14], [sflag:$0x1] =	stream.indirect.gather [hbm4b:s3+s13], $0x10, s5, s13, $0xb8;
	[tilespmem:$0x8200] =	vst v63  }
0x33: {  	s11 =	simm.s32 $0x580  }
0x34: {  	[tilespmem:s15], [sflag:$0x1] =	stream.indirect.gather [hbm4b:s3+s13], $0x10, s11, s13, $0xb8;
	[tilespmem:$0x8200] =	vst v63  }
0x35: {  	s20 =	simm.s32 $0x600  }
0x36: {  	[tilespmem:s17], [sflag:$0x1] =	stream.indirect.gather [hbm4b:s3+s13], $0x10, s20, s13, $0xb8;
	[tilespmem:$0x8200] =	vst v63  }
0x37: {  	s22 =	simm.s32 $0x680  }
0x38: {  	[tilespmem:s19], [sflag:$0x1] =	stream.indirect.gather [hbm4b:s3+s13], $0x10, s22, s13, $0xb8;
	[tilespmem:$0x8200] =	vst v63  }
0x39: {  	s24 =	simm.s32 $0x700  }
0x3a: {  	[tilespmem:s21], [sflag:$0x1] =	stream.indirect.gather [hbm4b:s3+s13], $0x10, s24, s13, $0xb8;
	[tilespmem:$0x8200] =	vst v63  }
0x3b: {  	_ =	swait.ge [sflag:s29], $0x2800  }
0x3c: {  	[sflag:s29] =	ssyncset.done $0x0  }
0x3d: {  	[sflag:s29] =	ssyncadd.s32 $0xFFFFD800  }
0x3e: {  	[hbm4b:s7+s2] =	stream.linear.scatter [tilespmem:s23], [sflag:$0x4], $0x2800, $0x38;
	[tilespmem:$0x8200] =	vst v63  }
0x3f: {  	_ =	swait.ge [sflag:s31], $0x2800  }
0x40: {  	[sflag:s31] =	ssyncset.done $0x0  }
0x41: {  	s11 =	simm.s32 $0x780;
	[sflag:s31] =	ssyncadd.s32 $0xFFFFD800  }
0x42: {  	[tilespmem:s23], [sflag:$0x2] =	stream.indirect.gather [hbm4b:s3+s13], $0x10, s11, s13, $0xb8;
	[tilespmem:$0x8200] =	vst v63  }
0x43: {  	s5 =	simm.s32 $0x800  }
0x44: {  	[tilespmem:s25], [sflag:$0x2] =	stream.indirect.gather [hbm4b:s3+s13], $0x10, s5, s13, $0xb8;
	[tilespmem:$0x8200] =	vst v63  }
0x45: {  	s20 =	simm.s32 $0x880  }
0x46: {  	[tilespmem:s28], [sflag:$0x2] =	stream.indirect.gather [hbm4b:s3+s13], $0x10, s20, s13, $0xb8;
	[tilespmem:$0x8200] =	vst v63  }
0x47: {  	s22 =	simm.s32 $0x900  }
0x48: {  	[tilespmem:s30], [sflag:$0x2] =	stream.indirect.gather [hbm4b:s3+s13], $0x10, s22, s13, $0xb8;
	[tilespmem:$0x8200] =	vst v63  }
0x49: {  	s24 =	simm.s32 $0x980  }
0x4a: {  	[tilespmem:s0], [sflag:$0x2] =	stream.indirect.gather [hbm4b:s3+s13], $0x10, s24, s13, $0xb8;
	[tilespmem:$0x8200] =	vst v63  }
0x4b: {  	_ =	swait.ge [sflag:s1], $0x2800  }
0x4c: {  	[sflag:s1] =	ssyncset.done $0x0  }
0x4d: {  	[sflag:s1] =	ssyncadd.s32 $0xFFFFD800  }
0x4e: {  	[hbm4b:s10+s2] =	stream.linear.scatter [tilespmem:s14], [sflag:$0x3], $0x2800, $0x38;
	[tilespmem:$0x8200] =	vst v63  }
0x4f: {  	_ =	swait.ge [sflag:s16], $0x2800  }
0x50: {  	[sflag:s16] =	ssyncset.done $0x0  }
0x51: {  	s4 =	simm.s32 $0xA00;
	[sflag:s16] =	ssyncadd.s32 $0xFFFFD800  }
0x52: {  	[tilespmem:s14], [sflag:$0x1] =	stream.indirect.gather [hbm4b:s3+s13], $0x10, s4, s13, $0xb8;
	[tilespmem:$0x8200] =	vst v63  }
0x53: {  	s5 =	simm.s32 $0xA80  }
0x54: {  	[tilespmem:s15], [sflag:$0x1] =	stream.indirect.gather [hbm4b:s3+s13], $0x10, s5, s13, $0xb8;
	[tilespmem:$0x8200] =	vst v63  }
0x55: {  	s20 =	simm.s32 $0xB00  }
0x56: {  	[tilespmem:s17], [sflag:$0x1] =	stream.indirect.gather [hbm4b:s3+s13], $0x10, s20, s13, $0xb8;
	[tilespmem:$0x8200] =	vst v63  }
0x57: {  	s22 =	simm.s32 $0xB80  }
0x58: {  	[tilespmem:s19], [sflag:$0x1] =	stream.indirect.gather [hbm4b:s3+s13], $0x10, s22, s13, $0xb8;
	[tilespmem:$0x8200] =	vst v63  }
0x59: {  	s24 =	simm.s32 $0xC00  }
0x5a: {  	[tilespmem:s21], [sflag:$0x1] =	stream.indirect.gather [hbm4b:s3+s13], $0x10, s24, s13, $0xb8;
	[tilespmem:$0x8200] =	vst v63  }
0x5b: {  	_ =	swait.ge [sflag:s29], $0x2800  }
0x5c: {  	s11 =	smov.u32 s26;
	s20 =	simm.s32 $0x1400;
	[sflag:s29] =	ssyncset.done $0x0  }
0x5d: {  	s22 =	sadd.s32 $0xA00, s10;
	s24 =	sadd.s32 $0xA00, s26;
	[sflag:s29] =	ssyncadd.s32 $0xFFFFD800  }
.LBB2_2:
0x5e: {  	[hbm4b:s11+s2] =	stream.linear.scatter [tilespmem:s23], [sflag:$0x4], $0x2800, $0x38;
	[tilespmem:$0x8200] =	vst v63  }
0x5f: {  	s4 =	smov.u32 s20;
	s11 =	smov.u32 s24  }
0x60: {  	p0 =	sne.s32 s20, $0x8C00;
	s20 =	sadd.s32 $0x1400, s20;
	_ =	swait.ge [sflag:s31], $0x2800  }
0x61: {  	s4 =	sshra.s32 s4, $0x2;
	[sflag:s31] =	ssyncset.done $0x0  }
0x62: {  	s5 =	sadd.s32 $0x780, s4;
	[sflag:s31] =	ssyncadd.s32 $0xFFFFD800  }
0x63: {  	[tilespmem:s23], [sflag:$0x2] =	stream.indirect.gather [hbm4b:s3+s13], $0x10, s5, s13, $0xb8;
	[tilespmem:$0x8200] =	vst v63  }
0x64: {  	s5 =	sadd.s32 $0x800, s4  }
0x65: {  	[tilespmem:s25], [sflag:$0x2] =	stream.indirect.gather [hbm4b:s3+s13], $0x10, s5, s13, $0xb8;
	[tilespmem:$0x8200] =	vst v63  }
0x66: {  	s5 =	sadd.s32 $0x880, s4  }
0x67: {  	[tilespmem:s28], [sflag:$0x2] =	stream.indirect.gather [hbm4b:s3+s13], $0x10, s5, s13, $0xb8;
	[tilespmem:$0x8200] =	vst v63  }
0x68: {  	s5 =	sadd.s32 $0x900, s4  }
0x69: {  	[tilespmem:s30], [sflag:$0x2] =	stream.indirect.gather [hbm4b:s3+s13], $0x10, s5, s13, $0xb8;
	[tilespmem:$0x8200] =	vst v63  }
0x6a: {  	s5 =	sadd.s32 $0x980, s4  }
0x6b: {  	[tilespmem:s0], [sflag:$0x2] =	stream.indirect.gather [hbm4b:s3+s13], $0x10, s5, s13, $0xb8;
	[tilespmem:$0x8200] =	vst v63  }
0x6c: {  	_ =	swait.ge [sflag:s1], $0x2800  }
0x6d: {  	[sflag:s1] =	ssyncset.done $0x0  }
0x6e: {  	[sflag:s1] =	ssyncadd.s32 $0xFFFFD800  }
0x6f: {  	[hbm4b:s22+s2] =	stream.linear.scatter [tilespmem:s14], [sflag:$0x3], $0x2800, $0x38;
	[tilespmem:$0x8200] =	vst v63  }
0x70: {  	_ =	swait.ge [sflag:s16], $0x2800  }
0x71: {  	[sflag:s16] =	ssyncset.done $0x0  }
0x72: {  	s5 =	sadd.s32 $0xA00, s4;
	[sflag:s16] =	ssyncadd.s32 $0xFFFFD800  }
0x73: {  	[tilespmem:s14], [sflag:$0x1] =	stream.indirect.gather [hbm4b:s3+s13], $0x10, s5, s13, $0xb8;
	[tilespmem:$0x8200] =	vst v63  }
0x74: {  	s5 =	sadd.s32 $0xA80, s4  }
0x75: {  	[tilespmem:s15], [sflag:$0x1] =	stream.indirect.gather [hbm4b:s3+s13], $0x10, s5, s13, $0xb8;
	[tilespmem:$0x8200] =	vst v63  }
0x76: {  	s5 =	sadd.s32 $0xB00, s4  }
0x77: {  	[tilespmem:s17], [sflag:$0x1] =	stream.indirect.gather [hbm4b:s3+s13], $0x10, s5, s13, $0xb8;
	[tilespmem:$0x8200] =	vst v63  }
0x78: {  	s5 =	sadd.s32 $0xB80, s4  }
0x79: {  	[tilespmem:s19], [sflag:$0x1] =	stream.indirect.gather [hbm4b:s3+s13], $0x10, s5, s13, $0xb8;
	[tilespmem:$0x8200] =	vst v63  }
.Ltmp0:
0x7a: {  	s4 =	sadd.s32 $0xC00, s4;
	(pc) =	sbr.rel @p0 .LBB2_2-.Ltmp0, $4  }
0x7b: {  	[tilespmem:s21], [sflag:$0x1] =	stream.indirect.gather [hbm4b:s3+s13], $0x10, s4, s13, $0xb8;
	[tilespmem:$0x8200] =	vst v63  }
0x7c: {  	_ =	swait.ge [sflag:s29], $0x2800  }
0x7d: {  	[sflag:s29] =	ssyncset.done $0x0  }
0x7e: {  	s24 =	sadd.s32 $0xA00, s24;
	s22 =	sadd.s32 $0xA00, s22;
	[sflag:s29] =	ssyncadd.s32 $0xFFFFD800  }
0x7f: {  	[hbm4b:s11+s2] =	stream.linear.scatter [tilespmem:s23], [sflag:$0x4], $0x2800, $0x38;
	[tilespmem:$0x8200] =	vst v63  }
0x80: {  	_ =	swait.ge [sflag:s31], $0x2800  }
0x81: {  	[sflag:s31] =	ssyncset.done $0x0  }
0x82: {  	s4 =	simm.s32 $0x2F80;
	[sflag:s31] =	ssyncadd.s32 $0xFFFFD800  }
0x83: {  	[tilespmem:s23], [sflag:$0x2] =	stream.indirect.gather [hbm4b:s3+s13], $0x10, s4, s13, $0xb8;
	[tilespmem:$0x8200] =	vst v63  }
0x84: {  	s5 =	simm.s32 $0x3000  }
0x85: {  	[tilespmem:s25], [sflag:$0x2] =	stream.indirect.gather [hbm4b:s3+s13], $0x10, s5, s13, $0xb8;
	[tilespmem:$0x8200] =	vst v63  }
0x86: {  	s11 =	simm.s32 $0x3080  }
0x87: {  	[tilespmem:s28], [sflag:$0x2] =	stream.indirect.gather [hbm4b:s3+s13], $0x10, s11, s13, $0xb8;
	[tilespmem:$0x8200] =	vst v63  }
0x88: {  	s20 =	simm.s32 $0x3100  }
0x89: {  	[tilespmem:s30], [sflag:$0x2] =	stream.indirect.gather [hbm4b:s3+s13], $0x10, s20, s13, $0xb8;
	[tilespmem:$0x8200] =	vst v63  }
0x8a: {  	s22 =	simm.s32 $0x3180  }
0x8b: {  	[tilespmem:s0], [sflag:$0x2] =	stream.indirect.gather [hbm4b:s3+s13], $0x10, s22, s13, $0xb8;
	[tilespmem:$0x8200] =	vst v63  }
0x8c: {  	_ =	swait.ge [sflag:s1], $0x2800  }
0x8d: {  	[sflag:s1] =	ssyncset.done $0x0  }
0x8e: {  	[sflag:s1] =	ssyncadd.s32 $0xFFFFD800  }
0x8f: {  	[hbm4b:s8+s2] =	stream.linear.scatter [tilespmem:s14], [sflag:$0x3], $0x2800, $0x38;
	[tilespmem:$0x8200] =	vst v63  }
0x90: {  	_ =	swait.ge [sflag:s16], $0x2800  }
0x91: {  	[sflag:s16] =	ssyncset.done $0x0  }
0x92: {  	[sflag:s16] =	ssyncadd.s32 $0xFFFFD800  }
0x93: {  	_ =	swait.ge [sflag:s29], $0x2800  }
0x94: {  	[sflag:s29] =	ssyncset.done $0x0  }
0x95: {  	[sflag:s29] =	ssyncadd.s32 $0xFFFFD800  }
0x96: {  	[hbm4b:s9+s2] =	stream.linear.scatter [tilespmem:s23], [sflag:$0x4], $0x2800, $0x38;
	[tilespmem:$0x8200] =	vst v63  }
0x97: {  	_ =	swait.ge [sflag:s31], $0x2800  }
0x98: {  	s18 =	sadd.s32 $0x1, s18;
	s24 =	rddreg [dreg:$0x3]  }
0x99: {  	p0 =	sne.s32 s18, s24  }
.Ltmp1:
0x9a: {  	_ = 	snop;
	(pc) =	sbr.rel @p0 .LBB2_1-.Ltmp1, $3  }
0x9b: {  	_ =	sdelay $0x1  }
0x9c: {  	[sflag:s31] =	ssyncset.done $0x0  }
0x9d: {  	[sflag:s31] =	ssyncadd.s32 $0xFFFFD800  }
0x9e: {  	_ =	sfence.sel $0x180000  }
0x9f: {  	[bflag:$0x0] =	sbarrier.arrive $0xFFFF  }
0xa0: {  	_ =	strace $0x90000050  }
0xa1: {  	s0 =	stileid.u32;
	[bflag:$0x2] =	sbarrier.arrive $0xFFFF  }
0xa2: {  	p0 =	sne.s32 s0, $0x0;
	s0 =	rddreg [dreg:$0x1]  }
0xa3: {  	s0 =	sadd.s32 @!p0 $0x100000, s0  }
0xa4: {  	[sflag:s0] =	ssyncadd.tile.s32 @!p0 $0x1;
	_ =	shalt  }
.Lfunc_end2:
_tile_overlayer_lowered:
.L_overlay_start_2:
0xa5: {  	(tag) =	ssettag $0x2  }
0xa6: {  	s0 =	rddreg [dreg:$0x0];
	s2 =	stileid.u32  }
0xa7: {  	s1 =	rddreg [dreg:$0x1];
	p0 =	sne.s32 s2, $0x0  }
0xa8: {  	s3 =	rddreg [dreg:$0x2];
	[bflag:$0x3] =	sbarrier.arrive $0xFFFF;
	s2 =	simm.s32 @!p0 $0x1C05  }
0xa9: {  	[timem:s3], [sflag:s2] =	dma.local @!p0 [hbm:s0], s1  }
0xaa: {  	s0 =	simm.s32 @!p0 $0x5  }
0xab: {  	_ =	swait.ge @!p0 [sflag:s0], s1  }
0xac: {  	s1 =	ssub.s32 @!p0 $0x0, s1;
	[sflag:s0] =	ssyncset.done @!p0 $0x0  }
0xad: {  	[sflag:s0] =	ssyncadd.s32 @!p0 s1  }
0xae: {  	[bflag:$0x3] =	sbarrier.arrive $0xFFFF  }
0xaf: {  	_ =	shalt  }

// kernel: kernel.13.cloned.1.call-start
scs
__scs_entry_jumppad:
0x0: {  	(pc) =	sbr.rel $0x88, $3  }
0x1: {  	(tag) =	ssettag $0x0;
	lr =	simm.s32 $0x1  }
0x2: {  	[smem:$0x3F95] =	sst lr;
	_ =	strace $0xD0000000  }
0x3: {  	_ = 	snop  }
0x4: {  	_ = 	snop  }
0x5: {  	_ = 	snop  }
0x6: {  	_ = 	snop  }
0x7: {  	_ = 	snop  }
__scs_overlays_trampoline_lowered:
0x8: {  	[smem:$0x3FA4] =	sst s0  }
0x9: {  	[smem:$0x3FA5] =	sst s1  }
0xa: {  	[smem:$0x3FA6] =	sst s2  }
0xb: {  	[smem:$0x3FA7] =	sst s3  }
0xc: {  	[smem:$0x3FA8] =	sst s4  }
0xd: {  	[smem:$0x3FA9] =	sst s5  }
0xe: {  	[smem:$0x3FAA] =	sst s6  }
0xf: {  	[smem:$0x3FAB] =	sst s7  }
0x10: {  	[smem:$0x3FAC] =	sst s8  }
0x11: {  	[smem:$0x3FAD] =	sst s9;
	s0 =	simm.s32 @!p0 $0x0  }
0x12: {  	s1 =	sld [smem:$0x3F93];
	s0 =	simm.s32 @p0 $0x1  }
0x13: {  	[smem:$0x3FAE] =	sst s0;
	s0 =	simm.s32 @!p1 $0x0  }
0x14: {  	s2 =	sld [smem:$0x3F92];
	s0 =	simm.s32 @p1 $0x1  }
0x15: {  	[smem:$0x3FAF] =	sst s0;
	s0 =	simm.s32 @!p2 $0x0  }
0x16: {  	s3 =	sld [smem:$0x3FDB];
	s0 =	simm.s32 @p2 $0x1  }
0x17: {  	s4 =	simm.s32 $0x1BF5;
	[smem:$0x3FB1] =	sst s0  }
0x18: {  	s0 =	sld [smem:$0x3F94];
	_ =	swait.ge [sflag:s4], $0x0  }
0x19: {  	s7 =	sld [smem:$0x3F95]  }
0x1a: {  	s8 =	sadd.s32 $0xFFFFE003, lr  }
0x1b: {  	s9 =	sadd.s32 $0xFFFFFEF7, lr;
	s5 =	simm.s32 $0xFFFFFFFF;
	p2 =	slt.u32 s8, $0xFFFFF086  }
0x1c: {  	p1 =	slt.u32 s9, $0xF7A;
	s5 =	simm.s32 @!p2 $0x0  }
0x1d: {  	s5 =	simm.s32 @p1 $0x1;
	p0 =	seq.s32 s7, s2  }
0x1e: {  	s7 =	smul.u32 @!p0 $0xF7A, s2;
	p2 =	seq.s32 @!p0 s5, $0x0  }
0x1f: {  	s9 =	smul.u32 $0xF7A, s1;
	s8 =	simm.s32 @!p0 $0x1BF5;
	p2 =	por !p2, p0  }
0x20: {  	[sflag:s8] =	ssyncset.s32 @!p0 $0xFFFFF086;
	s6 =	sadd.s32 @!p0 s3, s7;
	s7 =	simm.s32 @!p0 $0x108  }
0x21: {  	s3 =	sadd.s32 s3, s9;
	s6 =	sadd.s32 @!p0 $0x88, s6;
	s7 =	simm.s32 @p2 $0x1082  }
0x22: {  	[simem:s7], [sflag:s8] =	dma.local @!p0 [hbm:s6], $0xF7A  }
0x23: {  	s9 =	sor.u32 $0xD0000000, s2;
	s6 =	simm.s32 $0x108;
	_ =	swait.ge @!p0 [sflag:s8], $0x0  }
0x24: {  	s3 =	sadd.s32 $0x88, s3;
	s6 =	simm.s32 @!p1 $0x1082;
	[sflag:s4] =	ssyncset.s32 $0xFFFFF086  }
0x25: {  	[simem:s6], [sflag:s4] =	dma.local [hbm:s3], $0xF7A  }
0x26: {  	[smem:$0x3F95] =	sst s1;
	(tag) =	ssettag s2;
	_ =	strace s9  }
0x27: {  	s1 =	sld [smem:$0x3FA5]  }
0x28: {  	s2 =	sld [smem:$0x3FA6]  }
0x29: {  	s4 =	sld [smem:$0x3FA8]  }
0x2a: {  	p0 =	seq.s32 s5, $0x0;
	s5 =	sld [smem:$0x3FA9]  }
0x2b: {  	s6 =	sld [smem:$0x3FAA]  }
0x2c: {  	s7 =	sld [smem:$0x3FAB]  }
0x2d: {  	s3 =	simm.s32 $0x108;
	s8 =	sld [smem:$0x3FAC]  }
0x2e: {  	s3 =	simm.s32 @!p0 $0x1082;
	s9 =	sld [smem:$0x3FAD]  }
0x2f: {  	lr =	sadd.s32 s0, s3;
	s0 =	sld [smem:$0x3FA4]  }
0x30: {  	s3 =	sld [smem:$0x3FA7]  }
0x31: {  	[smem:$0x3FB0] =	sst s10  }
0x32: {  	s10 =	sld [smem:$0x3FAE];
	_ =	sdelay $0x3  }
0x33: {  	p0 =	seq.s32 s10, $0x1;
	s10 =	sld [smem:$0x3FB0];
	_ =	sdelay $0x3  }
0x34: {  	[smem:$0x3FB0] =	sst s10  }
0x35: {  	s10 =	sld [smem:$0x3FAF];
	_ =	sdelay $0x3  }
0x36: {  	p1 =	seq.s32 s10, $0x1;
	s10 =	sld [smem:$0x3FB0];
	_ =	sdelay $0x3  }
0x37: {  	[smem:$0x3FB0] =	sst s10  }
0x38: {  	s10 =	sld [smem:$0x3FB1]  }
0x39: {  	_ = 	snop;
	(pc) =	sbr.ind lr, $3  }
0x3a: {  	_ = 	snop  }
0x3b: {  	_ = 	snop  }
0x3c: {  	p2 =	seq.s32 s10, $0x1;
	s10 =	sld [smem:$0x3FB0]  }
0x3d: {  	_ =	shalt  }
0x3e: {  	_ =	shalt  }
0x3f: {  	_ =	shalt  }
0x40: {  	_ =	shalt  }
0x41: {  	_ =	shalt  }
0x42: {  	_ =	shalt  }
0x43: {  	_ =	shalt  }
0x44: {  	_ =	shalt  }
0x45: {  	_ =	shalt  }
0x46: {  	_ =	shalt  }
0x47: {  	_ =	shalt  }
0x48: {  	_ =	shalt  }
0x49: {  	_ =	shalt  }
0x4a: {  	_ =	shalt  }
0x4b: {  	_ =	shalt  }
0x4c: {  	_ =	shalt  }
0x4d: {  	_ =	shalt  }
0x4e: {  	_ =	shalt  }
0x4f: {  	_ =	shalt  }
0x50: {  	_ =	shalt  }
0x51: {  	_ =	shalt  }
0x52: {  	_ =	shalt  }
0x53: {  	_ =	shalt  }
0x54: {  	_ =	shalt  }
0x55: {  	_ =	shalt  }
0x56: {  	_ =	shalt  }
0x57: {  	_ =	shalt  }
0x58: {  	_ =	shalt  }
0x59: {  	_ =	shalt  }
0x5a: {  	_ =	shalt  }
0x5b: {  	_ =	shalt  }
0x5c: {  	_ =	shalt  }
0x5d: {  	_ =	shalt  }
0x5e: {  	_ =	shalt  }
0x5f: {  	_ =	shalt  }
0x60: {  	_ =	shalt  }
0x61: {  	_ =	shalt  }
0x62: {  	_ =	shalt  }
0x63: {  	_ =	shalt  }
0x64: {  	_ =	shalt  }
0x65: {  	_ =	shalt  }
0x66: {  	_ =	shalt  }
0x67: {  	_ =	shalt  }
0x68: {  	_ =	shalt  }
0x69: {  	_ =	shalt  }
0x6a: {  	_ =	shalt  }
0x6b: {  	_ =	shalt  }
0x6c: {  	_ =	shalt  }
0x6d: {  	_ =	shalt  }
0x6e: {  	_ =	shalt  }
0x6f: {  	_ =	shalt  }
0x70: {  	_ =	shalt  }
0x71: {  	_ =	shalt  }
0x72: {  	_ =	shalt  }
0x73: {  	_ =	shalt  }
0x74: {  	_ =	shalt  }
0x75: {  	_ =	shalt  }
0x76: {  	_ =	shalt  }
0x77: {  	_ =	shalt  }
0x78: {  	_ =	shalt  }
0x79: {  	_ =	shalt  }
0x7a: {  	_ =	shalt  }
0x7b: {  	_ =	shalt  }
0x7c: {  	_ =	shalt  }
0x7d: {  	_ =	shalt  }
0x7e: {  	_ =	shalt  }
0x7f: {  	_ =	shalt  }
0x80: {  	_ =	shalt  }
0x81: {  	_ =	shalt  }
0x82: {  	_ =	shalt  }
0x83: {  	_ =	shalt  }
0x84: {  	_ =	shalt  }
0x85: {  	_ =	shalt  }
0x86: {  	_ =	shalt  }
0x87: {  	_ =	shalt  }
.Lfunc_end0:
.L_simem_size_0:
called_computation.1_lowered:
.L_overlay_start_0:
0x88: {  	s2 =	sld [smem:$0x3FD9]  }
0x89: {  	s3 =	sld [smem:$0x3FFE];
	_ =	sdelay $0x1  }
0x8a: {  	s1 =	srdreg.scid  }
0x8b: {  	s0 =	sand.u32 $0x1, s1  }
0x8c: {  	s16 =	sshll.u32 s0, $0xA;
	s2 =	sadd.s32 s3, s2  }
0x8d: {  	s2 =	sadd.s32 s2, s16  }
0x8e: {  	[smem:$0x3FBC] =	sst s2  }
0x8f: {  	_ = 	snop  }
0x90: {  	(tm) =	ssettm $0x1  }
0x91: {  	s17 =	sld [smem:$0x3FFB];
	_ =	sdelay $0x3  }
0x92: {  	_ =	strace s17  }
0x93: {  	s2 =	sld [smem:$0x3FFC];
	_ =	sdelay $0x3  }
0x94: {  	_ =	strace s2  }
0x95: {  	s2 =	sld [smem:$0x3FFD];
	_ =	sdelay $0x3  }
0x96: {  	_ =	strace s2  }
0x97: {  	_ =	strace $0x8FFFFFFF  }
0x98: {  	s18 =	sld [smem:$0x3FDB];
	_ =	sdelay $0x1  }
0x99: {  	s19 =	simm.s32 $_scs_section_size  }
0x9a: {  	s4 =	simm.s32 $_size__tile_overlayer_lowered;
	s5 =	simm.s32 $_tile_overlayer_lowered  }
0x9b: {  	s22 =	simm.s32 $0x1BFF;
	s21 =	sshll.u32 s5, $0x1;
	s2 =	sadd.s32 s19, s18  }
0x9c: {  	s6 =	simm.s32 $0x0;
	s20 =	sshll.u32 s4, $0x1;
	s4 =	sadd.s32 s21, s2  }
0x9d: {  	[timem:s6], [sflag:s22] =	dma.local [hbm:s4], s20  }
0x9e: {  	_ =	swait.ge [sflag:s22], s20  }
0x9f: {  	s3 =	ssub.s32 $0x0, s20;
	[sflag:s22] =	ssyncset.done $0x0  }
0xa0: {  	[sflag:s22] =	ssyncadd.s32 s3;
	_ =	sdelay $0x1  }
0xa1: {  	s23 =	simm.s32 $0x1B8B  }
0xa2: {  	_ =	swait.ge [sflag:s23], $0x1  }
0xa3: {  	[sflag:s23] =	ssyncset.done $0x0  }
0xa4: {  	s25 =	simm.s32 $0x1B8E;
	s24 =	sld [smem:$0x3FFE];
	[sflag:s23] =	ssyncadd.s32 $0xFFFFFFFF  }
0xa5: {  	s26 =	simm.s32 $execute0_lowered;
	[smem:$0x3FD2] =	sst s25  }
0xa6: {  	s4 =	sshll.u32 s26, $0x1;
	_ =	strace $0x80000046;
	[dreg:$0x1] =	wrdreg $0xFFFFFFFF  }
0xa7: {  	s28 =	simm.s32 $_size_execute0_lowered;
	s2 =	sadd.s32 s2, s4;
	[dreg:$0x0] =	wrdreg $0x0  }
0xa8: {  	s4 =	sshll.u32 s28, $0x1;
	[dreg:$0x2] =	wrdreg s2  }
0xa9: {  	[dreg:$0x3] =	wrdreg s4  }
0xaa: {  	[dreg:$0x4] =	wrdreg $0xC0  }
0xab: {  	_ =	task [dreg:s6], $0x5FFFF  }
0xac: {  	[dreg:$0x1] =	wrdreg $0xFFFFFFFF  }
0xad: {  	[dreg:$0x0] =	wrdreg $0x60  }
0xae: {  	[dreg:$0x2] =	wrdreg s24  }
0xaf: {  	[dreg:$0x3] =	wrdreg $0xA  }
0xb0: {  	_ =	task.clear_ibuf [dreg:s6], $0x4FFFF;
	_ =	strace $0x90000046  }
0xb1: {  	s29 =	simm.s32 $0xA;
	_ =	strace $0x80000048  }
0xb2: {  	_ =	swait.ge [sflag:s29], $0x1  }
0xb3: {  	[sflag:s29] =	ssyncadd.s32 $0xFFFFFFFF  }
0xb4: {  	_ =	strace $0x90000048  }
0xb5: {  	_ =	sfence  }
0xb6: {  	s30 =	sld [smem:$0x0];
	_ =	sdelay $0x2  }
0xb7: {  	s31 =	sshll.u32 s1, $0xD;
	s1 =	sshrl.u32 s1, $0x2  }
0xb8: {  	s3 =	sand.u32 $0x4000, s31;
	s1 =	sadd.s32 s1, s30  }
0xb9: {  	s0 =	sor.u32 s3, s0;
	s1 =	sshll.u32 s1, $0x11  }
0xba: {  	s0 =	sor.u32 s1, s0  }
0xbb: {  	s0 =	sadd.s32 $0x8F2B, s0  }
0xbc: {  	[sflag:s0] =	ssyncadd.remote.s32 $0x1  }
0xbd: {  	_ =	sfence.sel $0xFFFF  }
0xbe: {  	[dreg:$0x0] =	wrdreg $0xFFFFFFFF;
	(pc) =	sbr.abs _section_cstart, $3  }
0xbf: {  	[dreg:$0x1] =	wrdreg $0xFFFFFFFF  }
0xc0: {  	_ =	task.clear_ibuf [dreg:s6], $0x2FFFF;
	_ =	strace $0x9FFFFFFF  }
0xc1: {  	(tm) =	ssettm $0x7FFFFFFF  }
tec
execute0_lowered:
.L_overlay_start_1:
0x0: {  	(tag) =	ssettag $0x1  }
0x1: {  	s0 =	rddreg [dreg:$0x0];
	s1 =	srdreg.scid  }
0x2: {  	s9 =	stileid.u32;
	s2 =	simm.s32 $0x0;
	s12 =	simm.s32 $0x5  }
0x3: {  	s13 =	simm.s32 $0x80;
	s14 =	simm.s32 $0x3200;
	s15 =	simm.s32 $0x3A00  }
0x4: {  	s17 =	simm.s32 $0x4200;
	s19 =	simm.s32 $0x4A00;
	s21 =	simm.s32 $0x5200  }
0x5: {  	s28 =	simm.s32 $0x6A00;
	s30 =	simm.s32 $0x7200;
	s16 =	simm.s32 $0x3  }
0x6: {  	s29 =	simm.s32 $0x2;
	s31 =	simm.s32 $0x4;
	s8 =	smul.u32 $0xC800, s9  }
0x7: {  	s1 =	sand.u32 $0x1, s1;
	s3 =	sshll.u32 s9, $0x1;
	s9 =	smul.u32 $0x6400, s9  }
0x8: {  	[smem:$0x7FF] =	sst s2;
	s4 =	sor.u32 s1, s3;
	s10 =	smul.u32 $0x3200, s1  }
0x9: {  	_ =	strace $0x80000047;
	s24 =	ssub.s32 $0x2, s1;
	s1 =	smul.u32 $0x6400, s1  }
0xa: {  	s18 =	simm.s32 $0x0;
	s3 =	sadd.s32 $0x189C00, s0;
	s5 =	smul.u32 $0x640, s4  }
0xb: {  	s6 =	smul.u32 $0x6400, s4;
	s7 =	sshrl.u32 s24, $0x1;
	s9 =	sadd.s32 s10, s9  }
0xc: {  	s23 =	sadd.s32 s5, s0;
	s0 =	sadd.s32 $0x28A00, s0;
	s5 =	ssub.s32 s24, s7  }
0xd: {  	s26 =	sshll.u32 s9, $0x1;
	s4 =	sadd.s32 $0x3200, s23;
	s25 =	smax.u32 s5, $0x1  }
0xe: {  	s6 =	sadd.s32 s0, s6;
	s11 =	sadd.s32 s8, s0;
	[dreg:$0x2] =	wrdreg s4  }
0xf: {  	s0 =	sadd.s32 s0, s26;
	s23 =	simm.s32 $0x5A00;
	[dreg:$0x3] =	wrdreg s25  }
0x10: {  	s7 =	sadd.s32 $0x500, s6;
	s8 =	sadd.s32 $0x5A00, s6;
	s1 =	sadd.s32 s1, s11  }
0x11: {  	s9 =	sadd.s32 $0x5F00, s6;
	s26 =	sadd.s32 $0xF00, s0;
	s25 =	simm.s32 $0x6200  }
0x12: {  	s0 =	simm.s32 $0x7A00;
	s10 =	sadd.s32 $0xA00, s1;
	s1 =	simm.s32 $0x1  }
.LBB2_1:
0x13: {  	s4 =	rddreg [dreg:$0x2]  }
0x14: {  	[tilespmem:s2], [sflag:$0x5] =	stream.linear.gather [hbm4b:s4+s2], $0x3200, $0x38;
	[tilespmem:$0x8200] =	vst v63  }
0x15: {  	_ =	swait.ge [sflag:s12], $0x3200  }
0x16: {  	[sflag:s12] =	ssyncset.done $0x0  }
0x17: {  	[sflag:s12] =	ssyncadd.s32 $0xFFFFCE00  }
0x18: {  	[tilespmem:s14], [sflag:$0x1] =	stream.indirect.gather [hbm4b:s3+s13], $0x10, s2, s13, $0xb8;
	[tilespmem:$0x8200] =	vst v63  }
0x19: {  	_ = 	snop  }
0x1a: {  	[tilespmem:s15], [sflag:$0x1] =	stream.indirect.gather [hbm4b:s3+s13], $0x10, s13, s13, $0xb8;
	[tilespmem:$0x8200] =	vst v63  }
0x1b: {  	s20 =	simm.s32 $0x100  }
0x1c: {  	[tilespmem:s17], [sflag:$0x1] =	stream.indirect.gather [hbm4b:s3+s13], $0x10, s20, s13, $0xb8;
	[tilespmem:$0x8200] =	vst v63  }
0x1d: {  	s22 =	simm.s32 $0x180  }
0x1e: {  	[tilespmem:s19], [sflag:$0x1] =	stream.indirect.gather [hbm4b:s3+s13], $0x10, s22, s13, $0xb8;
	[tilespmem:$0x8200] =	vst v63  }
0x1f: {  	s24 =	simm.s32 $0x200  }
0x20: {  	[tilespmem:s21], [sflag:$0x1] =	stream.indirect.gather [hbm4b:s3+s13], $0x10, s24, s13, $0xb8;
	[tilespmem:$0x8200] =	vst v63  }
0x21: {  	s5 =	simm.s32 $0x280  }
0x22: {  	[tilespmem:s23], [sflag:$0x2] =	stream.indirect.gather [hbm4b:s3+s13], $0x10, s5, s13, $0xb8;
	[tilespmem:$0x8200] =	vst v63  }
0x23: {  	s11 =	simm.s32 $0x300  }
0x24: {  	[tilespmem:s25], [sflag:$0x2] =	stream.indirect.gather [hbm4b:s3+s13], $0x10, s11, s13, $0xb8;
	[tilespmem:$0x8200] =	vst v63  }
0x25: {  	s20 =	simm.s32 $0x380  }
0x26: {  	[tilespmem:s28], [sflag:$0x2] =	stream.indirect.gather [hbm4b:s3+s13], $0x10, s20, s13, $0xb8;
	[tilespmem:$0x8200] =	vst v63  }
0x27: {  	s22 =	simm.s32 $0x400  }
0x28: {  	[tilespmem:s30], [sflag:$0x2] =	stream.indirect.gather [hbm4b:s3+s13], $0x10, s22, s13, $0xb8;
	[tilespmem:$0x8200] =	vst v63  }
0x29: {  	s24 =	simm.s32 $0x480  }
0x2a: {  	[tilespmem:s0], [sflag:$0x2] =	stream.indirect.gather [hbm4b:s3+s13], $0x10, s24, s13, $0xb8;
	[tilespmem:$0x8200] =	vst v63  }
0x2b: {  	_ =	swait.ge [sflag:s1], $0x2800  }
0x2c: {  	[sflag:s1] =	ssyncset.done $0x0  }
0x2d: {  	[sflag:s1] =	ssyncadd.s32 $0xFFFFD800  }
0x2e: {  	[hbm4b:s6+s2] =	stream.linear.scatter [tilespmem:s14], [sflag:$0x3], $0x2800, $0x38;
	[tilespmem:$0x8200] =	vst v63  }
0x2f: {  	_ =	swait.ge [sflag:s16], $0x2800  }
0x30: {  	[sflag:s16] =	ssyncset.done $0x0  }
0x31: {  	s5 =	simm.s32 $0x500;
	[sflag:s16] =	ssyncadd.s32 $0xFFFFD800  }
0x32: {  	[tilespmem:s14], [sflag:$0x1] =	stream.indirect.gather [hbm4b:s3+s13], $0x10, s5, s13, $0xb8;
	[tilespmem:$0x8200] =	vst v63  }
0x33: {  	s11 =	simm.s32 $0x580  }
0x34: {  	[tilespmem:s15], [sflag:$0x1] =	stream.indirect.gather [hbm4b:s3+s13], $0x10, s11, s13, $0xb8;
	[tilespmem:$0x8200] =	vst v63  }
0x35: {  	s20 =	simm.s32 $0x600  }
0x36: {  	[tilespmem:s17], [sflag:$0x1] =	stream.indirect.gather [hbm4b:s3+s13], $0x10, s20, s13, $0xb8;
	[tilespmem:$0x8200] =	vst v63  }
0x37: {  	s22 =	simm.s32 $0x680  }
0x38: {  	[tilespmem:s19], [sflag:$0x1] =	stream.indirect.gather [hbm4b:s3+s13], $0x10, s22, s13, $0xb8;
	[tilespmem:$0x8200] =	vst v63  }
0x39: {  	s24 =	simm.s32 $0x700  }
0x3a: {  	[tilespmem:s21], [sflag:$0x1] =	stream.indirect.gather [hbm4b:s3+s13], $0x10, s24, s13, $0xb8;
	[tilespmem:$0x8200] =	vst v63  }
0x3b: {  	_ =	swait.ge [sflag:s29], $0x2800  }
0x3c: {  	[sflag:s29] =	ssyncset.done $0x0  }
0x3d: {  	[sflag:s29] =	ssyncadd.s32 $0xFFFFD800  }
0x3e: {  	[hbm4b:s7+s2] =	stream.linear.scatter [tilespmem:s23], [sflag:$0x4], $0x2800, $0x38;
	[tilespmem:$0x8200] =	vst v63  }
0x3f: {  	_ =	swait.ge [sflag:s31], $0x2800  }
0x40: {  	[sflag:s31] =	ssyncset.done $0x0  }
0x41: {  	s11 =	simm.s32 $0x780;
	[sflag:s31] =	ssyncadd.s32 $0xFFFFD800  }
0x42: {  	[tilespmem:s23], [sflag:$0x2] =	stream.indirect.gather [hbm4b:s3+s13], $0x10, s11, s13, $0xb8;
	[tilespmem:$0x8200] =	vst v63  }
0x43: {  	s5 =	simm.s32 $0x800  }
0x44: {  	[tilespmem:s25], [sflag:$0x2] =	stream.indirect.gather [hbm4b:s3+s13], $0x10, s5, s13, $0xb8;
	[tilespmem:$0x8200] =	vst v63  }
0x45: {  	s20 =	simm.s32 $0x880  }
0x46: {  	[tilespmem:s28], [sflag:$0x2] =	stream.indirect.gather [hbm4b:s3+s13], $0x10, s20, s13, $0xb8;
	[tilespmem:$0x8200] =	vst v63  }
0x47: {  	s22 =	simm.s32 $0x900  }
0x48: {  	[tilespmem:s30], [sflag:$0x2] =	stream.indirect.gather [hbm4b:s3+s13], $0x10, s22, s13, $0xb8;
	[tilespmem:$0x8200] =	vst v63  }
0x49: {  	s24 =	simm.s32 $0x980  }
0x4a: {  	[tilespmem:s0], [sflag:$0x2] =	stream.indirect.gather [hbm4b:s3+s13], $0x10, s24, s13, $0xb8;
	[tilespmem:$0x8200] =	vst v63  }
0x4b: {  	_ =	swait.ge [sflag:s1], $0x2800  }
0x4c: {  	[sflag:s1] =	ssyncset.done $0x0  }
0x4d: {  	[sflag:s1] =	ssyncadd.s32 $0xFFFFD800  }
0x4e: {  	[hbm4b:s10+s2] =	stream.linear.scatter [tilespmem:s14], [sflag:$0x3], $0x2800, $0x38;
	[tilespmem:$0x8200] =	vst v63  }
0x4f: {  	_ =	swait.ge [sflag:s16], $0x2800  }
0x50: {  	[sflag:s16] =	ssyncset.done $0x0  }
0x51: {  	s4 =	simm.s32 $0xA00;
	[sflag:s16] =	ssyncadd.s32 $0xFFFFD800  }
0x52: {  	[tilespmem:s14], [sflag:$0x1] =	stream.indirect.gather [hbm4b:s3+s13], $0x10, s4, s13, $0xb8;
	[tilespmem:$0x8200] =	vst v63  }
0x53: {  	s5 =	simm.s32 $0xA80  }
0x54: {  	[tilespmem:s15], [sflag:$0x1] =	stream.indirect.gather [hbm4b:s3+s13], $0x10, s5, s13, $0xb8;
	[tilespmem:$0x8200] =	vst v63  }
0x55: {  	s20 =	simm.s32 $0xB00  }
0x56: {  	[tilespmem:s17], [sflag:$0x1] =	stream.indirect.gather [hbm4b:s3+s13], $0x10, s20, s13, $0xb8;
	[tilespmem:$0x8200] =	vst v63  }
0x57: {  	s22 =	simm.s32 $0xB80  }
0x58: {  	[tilespmem:s19], [sflag:$0x1] =	stream.indirect.gather [hbm4b:s3+s13], $0x10, s22, s13, $0xb8;
	[tilespmem:$0x8200] =	vst v63  }
0x59: {  	s24 =	simm.s32 $0xC00  }
0x5a: {  	[tilespmem:s21], [sflag:$0x1] =	stream.indirect.gather [hbm4b:s3+s13], $0x10, s24, s13, $0xb8;
	[tilespmem:$0x8200] =	vst v63  }
0x5b: {  	_ =	swait.ge [sflag:s29], $0x2800  }
0x5c: {  	s11 =	smov.u32 s26;
	s20 =	simm.s32 $0x1400;
	[sflag:s29] =	ssyncset.done $0x0  }
0x5d: {  	s22 =	sadd.s32 $0xA00, s10;
	s24 =	sadd.s32 $0xA00, s26;
	[sflag:s29] =	ssyncadd.s32 $0xFFFFD800  }
.LBB2_2:
0x5e: {  	[hbm4b:s11+s2] =	stream.linear.scatter [tilespmem:s23], [sflag:$0x4], $0x2800, $0x38;
	[tilespmem:$0x8200] =	vst v63  }
0x5f: {  	s4 =	smov.u32 s20;
	s11 =	smov.u32 s24  }
0x60: {  	p0 =	sne.s32 s20, $0x8C00;
	s20 =	sadd.s32 $0x1400, s20;
	_ =	swait.ge [sflag:s31], $0x2800  }
0x61: {  	s4 =	sshra.s32 s4, $0x2;
	[sflag:s31] =	ssyncset.done $0x0  }
0x62: {  	s5 =	sadd.s32 $0x780, s4;
	[sflag:s31] =	ssyncadd.s32 $0xFFFFD800  }
0x63: {  	[tilespmem:s23], [sflag:$0x2] =	stream.indirect.gather [hbm4b:s3+s13], $0x10, s5, s13, $0xb8;
	[tilespmem:$0x8200] =	vst v63  }
0x64: {  	s5 =	sadd.s32 $0x800, s4  }
0x65: {  	[tilespmem:s25], [sflag:$0x2] =	stream.indirect.gather [hbm4b:s3+s13], $0x10, s5, s13, $0xb8;
	[tilespmem:$0x8200] =	vst v63  }
0x66: {  	s5 =	sadd.s32 $0x880, s4  }
0x67: {  	[tilespmem:s28], [sflag:$0x2] =	stream.indirect.gather [hbm4b:s3+s13], $0x10, s5, s13, $0xb8;
	[tilespmem:$0x8200] =	vst v63  }
0x68: {  	s5 =	sadd.s32 $0x900, s4  }
0x69: {  	[tilespmem:s30], [sflag:$0x2] =	stream.indirect.gather [hbm4b:s3+s13], $0x10, s5, s13, $0xb8;
	[tilespmem:$0x8200] =	vst v63  }
0x6a: {  	s5 =	sadd.s32 $0x980, s4  }
0x6b: {  	[tilespmem:s0], [sflag:$0x2] =	stream.indirect.gather [hbm4b:s3+s13], $0x10, s5, s13, $0xb8;
	[tilespmem:$0x8200] =	vst v63  }
0x6c: {  	_ =	swait.ge [sflag:s1], $0x2800  }
0x6d: {  	[sflag:s1] =	ssyncset.done $0x0  }
0x6e: {  	[sflag:s1] =	ssyncadd.s32 $0xFFFFD800  }
0x6f: {  	[hbm4b:s22+s2] =	stream.linear.scatter [tilespmem:s14], [sflag:$0x3], $0x2800, $0x38;
	[tilespmem:$0x8200] =	vst v63  }
0x70: {  	_ =	swait.ge [sflag:s16], $0x2800  }
0x71: {  	[sflag:s16] =	ssyncset.done $0x0  }
0x72: {  	s5 =	sadd.s32 $0xA00, s4;
	[sflag:s16] =	ssyncadd.s32 $0xFFFFD800  }
0x73: {  	[tilespmem:s14], [sflag:$0x1] =	stream.indirect.gather [hbm4b:s3+s13], $0x10, s5, s13, $0xb8;
	[tilespmem:$0x8200] =	vst v63  }
0x74: {  	s5 =	sadd.s32 $0xA80, s4  }
0x75: {  	[tilespmem:s15], [sflag:$0x1] =	stream.indirect.gather [hbm4b:s3+s13], $0x10, s5, s13, $0xb8;
	[tilespmem:$0x8200] =	vst v63  }
0x76: {  	s5 =	sadd.s32 $0xB00, s4  }
0x77: {  	[tilespmem:s17], [sflag:$0x1] =	stream.indirect.gather [hbm4b:s3+s13], $0x10, s5, s13, $0xb8;
	[tilespmem:$0x8200] =	vst v63  }
0x78: {  	s5 =	sadd.s32 $0xB80, s4  }
0x79: {  	[tilespmem:s19], [sflag:$0x1] =	stream.indirect.gather [hbm4b:s3+s13], $0x10, s5, s13, $0xb8;
	[tilespmem:$0x8200] =	vst v63  }
.Ltmp0:
0x7a: {  	s4 =	sadd.s32 $0xC00, s4;
	(pc) =	sbr.rel @p0 .LBB2_2-.Ltmp0, $4  }
0x7b: {  	[tilespmem:s21], [sflag:$0x1] =	stream.indirect.gather [hbm4b:s3+s13], $0x10, s4, s13, $0xb8;
	[tilespmem:$0x8200] =	vst v63  }
0x7c: {  	_ =	swait.ge [sflag:s29], $0x2800  }
0x7d: {  	[sflag:s29] =	ssyncset.done $0x0  }
0x7e: {  	s24 =	sadd.s32 $0xA00, s24;
	s22 =	sadd.s32 $0xA00, s22;
	[sflag:s29] =	ssyncadd.s32 $0xFFFFD800  }
0x7f: {  	[hbm4b:s11+s2] =	stream.linear.scatter [tilespmem:s23], [sflag:$0x4], $0x2800, $0x38;
	[tilespmem:$0x8200] =	vst v63  }
0x80: {  	_ =	swait.ge [sflag:s31], $0x2800  }
0x81: {  	[sflag:s31] =	ssyncset.done $0x0  }
0x82: {  	s4 =	simm.s32 $0x2F80;
	[sflag:s31] =	ssyncadd.s32 $0xFFFFD800  }
0x83: {  	[tilespmem:s23], [sflag:$0x2] =	stream.indirect.gather [hbm4b:s3+s13], $0x10, s4, s13, $0xb8;
	[tilespmem:$0x8200] =	vst v63  }
0x84: {  	s5 =	simm.s32 $0x3000  }
0x85: {  	[tilespmem:s25], [sflag:$0x2] =	stream.indirect.gather [hbm4b:s3+s13], $0x10, s5, s13, $0xb8;
	[tilespmem:$0x8200] =	vst v63  }
0x86: {  	s11 =	simm.s32 $0x3080  }
0x87: {  	[tilespmem:s28], [sflag:$0x2] =	stream.indirect.gather [hbm4b:s3+s13], $0x10, s11, s13, $0xb8;
	[tilespmem:$0x8200] =	vst v63  }
0x88: {  	s20 =	simm.s32 $0x3100  }
0x89: {  	[tilespmem:s30], [sflag:$0x2] =	stream.indirect.gather [hbm4b:s3+s13], $0x10, s20, s13, $0xb8;
	[tilespmem:$0x8200] =	vst v63  }
0x8a: {  	s22 =	simm.s32 $0x3180  }
0x8b: {  	[tilespmem:s0], [sflag:$0x2] =	stream.indirect.gather [hbm4b:s3+s13], $0x10, s22, s13, $0xb8;
	[tilespmem:$0x8200] =	vst v63  }
0x8c: {  	_ =	swait.ge [sflag:s1], $0x2800  }
0x8d: {  	[sflag:s1] =	ssyncset.done $0x0  }
0x8e: {  	[sflag:s1] =	ssyncadd.s32 $0xFFFFD800  }
0x8f: {  	[hbm4b:s8+s2] =	stream.linear.scatter [tilespmem:s14], [sflag:$0x3], $0x2800, $0x38;
	[tilespmem:$0x8200] =	vst v63  }
0x90: {  	_ =	swait.ge [sflag:s16], $0x2800  }
0x91: {  	[sflag:s16] =	ssyncset.done $0x0  }
0x92: {  	[sflag:s16] =	ssyncadd.s32 $0xFFFFD800  }
0x93: {  	_ =	swait.ge [sflag:s29], $0x2800  }
0x94: {  	[sflag:s29] =	ssyncset.done $0x0  }
0x95: {  	[sflag:s29] =	ssyncadd.s32 $0xFFFFD800  }
0x96: {  	[hbm4b:s9+s2] =	stream.linear.scatter [tilespmem:s23], [sflag:$0x4], $0x2800, $0x38;
	[tilespmem:$0x8200] =	vst v63  }
0x97: {  	_ =	swait.ge [sflag:s31], $0x2800  }
0x98: {  	s18 =	sadd.s32 $0x1, s18;
	s24 =	rddreg [dreg:$0x3]  }
0x99: {  	p0 =	sne.s32 s18, s24  }
.Ltmp1:
0x9a: {  	_ = 	snop;
	(pc) =	sbr.rel @p0 .LBB2_1-.Ltmp1, $3  }
0x9b: {  	_ =	sdelay $0x1  }
0x9c: {  	[sflag:s31] =	ssyncset.done $0x0  }
0x9d: {  	[sflag:s31] =	ssyncadd.s32 $0xFFFFD800  }
0x9e: {  	_ =	sfence.sel $0x180000  }
0x9f: {  	[bflag:$0x0] =	sbarrier.arrive $0xFFFF  }
0xa0: {  	_ =	strace $0x90000047  }
0xa1: {  	s0 =	stileid.u32;
	[bflag:$0x2] =	sbarrier.arrive $0xFFFF  }
0xa2: {  	p0 =	sne.s32 s0, $0x0;
	s0 =	rddreg [dreg:$0x1]  }
0xa3: {  	s0 =	sadd.s32 @!p0 $0x100000, s0  }
0xa4: {  	[sflag:s0] =	ssyncadd.tile.s32 @!p0 $0x1;
	_ =	shalt  }
.Lfunc_end2:
_tile_overlayer_lowered:
.L_overlay_start_2:
0xa5: {  	(tag) =	ssettag $0x2  }
0xa6: {  	s0 =	rddreg [dreg:$0x0];
	s2 =	stileid.u32  }
0xa7: {  	s1 =	rddreg [dreg:$0x1];
	p0 =	sne.s32 s2, $0x0  }
0xa8: {  	s3 =	rddreg [dreg:$0x2];
	[bflag:$0x3] =	sbarrier.arrive $0xFFFF;
	s2 =	simm.s32 @!p0 $0x1C05  }
0xa9: {  	[timem:s3], [sflag:s2] =	dma.local @!p0 [hbm:s0], s1  }
0xaa: {  	s0 =	simm.s32 @!p0 $0x5  }
0xab: {  	_ =	swait.ge @!p0 [sflag:s0], s1  }
0xac: {  	s1 =	ssub.s32 @!p0 $0x0, s1;
	[sflag:s0] =	ssyncset.done @!p0 $0x0  }
0xad: {  	[sflag:s0] =	ssyncadd.s32 @!p0 s1  }
0xae: {  	[bflag:$0x3] =	sbarrier.arrive $0xFFFF  }
0xaf: {  	_ =	shalt  }

// kernel: kernel.16.cloned.1.call-start
scs
__scs_entry_jumppad:
0x0: {  	(pc) =	sbr.rel $0x88, $3  }
0x1: {  	(tag) =	ssettag $0x0;
	lr =	simm.s32 $0x1  }
0x2: {  	[smem:$0x3F95] =	sst lr;
	_ =	strace $0xD0000000  }
0x3: {  	_ = 	snop  }
0x4: {  	_ = 	snop  }
0x5: {  	_ = 	snop  }
0x6: {  	_ = 	snop  }
0x7: {  	_ = 	snop  }
__scs_overlays_trampoline_lowered:
0x8: {  	[smem:$0x3FA4] =	sst s0  }
0x9: {  	[smem:$0x3FA5] =	sst s1  }
0xa: {  	[smem:$0x3FA6] =	sst s2  }
0xb: {  	[smem:$0x3FA7] =	sst s3  }
0xc: {  	[smem:$0x3FA8] =	sst s4  }
0xd: {  	[smem:$0x3FA9] =	sst s5  }
0xe: {  	[smem:$0x3FAA] =	sst s6  }
0xf: {  	[smem:$0x3FAB] =	sst s7  }
0x10: {  	[smem:$0x3FAC] =	sst s8  }
0x11: {  	[smem:$0x3FAD] =	sst s9;
	s0 =	simm.s32 @!p0 $0x0  }
0x12: {  	s1 =	sld [smem:$0x3F93];
	s0 =	simm.s32 @p0 $0x1  }
0x13: {  	[smem:$0x3FAE] =	sst s0;
	s0 =	simm.s32 @!p1 $0x0  }
0x14: {  	s2 =	sld [smem:$0x3F92];
	s0 =	simm.s32 @p1 $0x1  }
0x15: {  	[smem:$0x3FAF] =	sst s0;
	s0 =	simm.s32 @!p2 $0x0  }
0x16: {  	s3 =	sld [smem:$0x3FDB];
	s0 =	simm.s32 @p2 $0x1  }
0x17: {  	s4 =	simm.s32 $0x1BF5;
	[smem:$0x3FB1] =	sst s0  }
0x18: {  	s0 =	sld [smem:$0x3F94];
	_ =	swait.ge [sflag:s4], $0x0  }
0x19: {  	s7 =	sld [smem:$0x3F95]  }
0x1a: {  	s8 =	sadd.s32 $0xFFFFE003, lr  }
0x1b: {  	s9 =	sadd.s32 $0xFFFFFEF7, lr;
	s5 =	simm.s32 $0xFFFFFFFF;
	p2 =	slt.u32 s8, $0xFFFFF086  }
0x1c: {  	p1 =	slt.u32 s9, $0xF7A;
	s5 =	simm.s32 @!p2 $0x0  }
0x1d: {  	s5 =	simm.s32 @p1 $0x1;
	p0 =	seq.s32 s7, s2  }
0x1e: {  	s7 =	smul.u32 @!p0 $0xF7A, s2;
	p2 =	seq.s32 @!p0 s5, $0x0  }
0x1f: {  	s9 =	smul.u32 $0xF7A, s1;
	s8 =	simm.s32 @!p0 $0x1BF5;
	p2 =	por !p2, p0  }
0x20: {  	[sflag:s8] =	ssyncset.s32 @!p0 $0xFFFFF086;
	s6 =	sadd.s32 @!p0 s3, s7;
	s7 =	simm.s32 @!p0 $0x108  }
0x21: {  	s3 =	sadd.s32 s3, s9;
	s6 =	sadd.s32 @!p0 $0x88, s6;
	s7 =	simm.s32 @p2 $0x1082  }
0x22: {  	[simem:s7], [sflag:s8] =	dma.local @!p0 [hbm:s6], $0xF7A  }
0x23: {  	s9 =	sor.u32 $0xD0000000, s2;
	s6 =	simm.s32 $0x108;
	_ =	swait.ge @!p0 [sflag:s8], $0x0  }
0x24: {  	s3 =	sadd.s32 $0x88, s3;
	s6 =	simm.s32 @!p1 $0x1082;
	[sflag:s4] =	ssyncset.s32 $0xFFFFF086  }
0x25: {  	[simem:s6], [sflag:s4] =	dma.local [hbm:s3], $0xF7A  }
0x26: {  	[smem:$0x3F95] =	sst s1;
	(tag) =	ssettag s2;
	_ =	strace s9  }
0x27: {  	s1 =	sld [smem:$0x3FA5]  }
0x28: {  	s2 =	sld [smem:$0x3FA6]  }
0x29: {  	s4 =	sld [smem:$0x3FA8]  }
0x2a: {  	p0 =	seq.s32 s5, $0x0;
	s5 =	sld [smem:$0x3FA9]  }
0x2b: {  	s6 =	sld [smem:$0x3FAA]  }
0x2c: {  	s7 =	sld [smem:$0x3FAB]  }
0x2d: {  	s3 =	simm.s32 $0x108;
	s8 =	sld [smem:$0x3FAC]  }
0x2e: {  	s3 =	simm.s32 @!p0 $0x1082;
	s9 =	sld [smem:$0x3FAD]  }
0x2f: {  	lr =	sadd.s32 s0, s3;
	s0 =	sld [smem:$0x3FA4]  }
0x30: {  	s3 =	sld [smem:$0x3FA7]  }
0x31: {  	[smem:$0x3FB0] =	sst s10  }
0x32: {  	s10 =	sld [smem:$0x3FAE];
	_ =	sdelay $0x3  }
0x33: {  	p0 =	seq.s32 s10, $0x1;
	s10 =	sld [smem:$0x3FB0];
	_ =	sdelay $0x3  }
0x34: {  	[smem:$0x3FB0] =	sst s10  }
0x35: {  	s10 =	sld [smem:$0x3FAF];
	_ =	sdelay $0x3  }
0x36: {  	p1 =	seq.s32 s10, $0x1;
	s10 =	sld [smem:$0x3FB0];
	_ =	sdelay $0x3  }
0x37: {  	[smem:$0x3FB0] =	sst s10  }
0x38: {  	s10 =	sld [smem:$0x3FB1]  }
0x39: {  	_ = 	snop;
	(pc) =	sbr.ind lr, $3  }
0x3a: {  	_ = 	snop  }
0x3b: {  	_ = 	snop  }
0x3c: {  	p2 =	seq.s32 s10, $0x1;
	s10 =	sld [smem:$0x3FB0]  }
0x3d: {  	_ =	shalt  }
0x3e: {  	_ =	shalt  }
0x3f: {  	_ =	shalt  }
0x40: {  	_ =	shalt  }
0x41: {  	_ =	shalt  }
0x42: {  	_ =	shalt  }
0x43: {  	_ =	shalt  }
0x44: {  	_ =	shalt  }
0x45: {  	_ =	shalt  }
0x46: {  	_ =	shalt  }
0x47: {  	_ =	shalt  }
0x48: {  	_ =	shalt  }
0x49: {  	_ =	shalt  }
0x4a: {  	_ =	shalt  }
0x4b: {  	_ =	shalt  }
0x4c: {  	_ =	shalt  }
0x4d: {  	_ =	shalt  }
0x4e: {  	_ =	shalt  }
0x4f: {  	_ =	shalt  }
0x50: {  	_ =	shalt  }
0x51: {  	_ =	shalt  }
0x52: {  	_ =	shalt  }
0x53: {  	_ =	shalt  }
0x54: {  	_ =	shalt  }
0x55: {  	_ =	shalt  }
0x56: {  	_ =	shalt  }
0x57: {  	_ =	shalt  }
0x58: {  	_ =	shalt  }
0x59: {  	_ =	shalt  }
0x5a: {  	_ =	shalt  }
0x5b: {  	_ =	shalt  }
0x5c: {  	_ =	shalt  }
0x5d: {  	_ =	shalt  }
0x5e: {  	_ =	shalt  }
0x5f: {  	_ =	shalt  }
0x60: {  	_ =	shalt  }
0x61: {  	_ =	shalt  }
0x62: {  	_ =	shalt  }
0x63: {  	_ =	shalt  }
0x64: {  	_ =	shalt  }
0x65: {  	_ =	shalt  }
0x66: {  	_ =	shalt  }
0x67: {  	_ =	shalt  }
0x68: {  	_ =	shalt  }
0x69: {  	_ =	shalt  }
0x6a: {  	_ =	shalt  }
0x6b: {  	_ =	shalt  }
0x6c: {  	_ =	shalt  }
0x6d: {  	_ =	shalt  }
0x6e: {  	_ =	shalt  }
0x6f: {  	_ =	shalt  }
0x70: {  	_ =	shalt  }
0x71: {  	_ =	shalt  }
0x72: {  	_ =	shalt  }
0x73: {  	_ =	shalt  }
0x74: {  	_ =	shalt  }
0x75: {  	_ =	shalt  }
0x76: {  	_ =	shalt  }
0x77: {  	_ =	shalt  }
0x78: {  	_ =	shalt  }
0x79: {  	_ =	shalt  }
0x7a: {  	_ =	shalt  }
0x7b: {  	_ =	shalt  }
0x7c: {  	_ =	shalt  }
0x7d: {  	_ =	shalt  }
0x7e: {  	_ =	shalt  }
0x7f: {  	_ =	shalt  }
0x80: {  	_ =	shalt  }
0x81: {  	_ =	shalt  }
0x82: {  	_ =	shalt  }
0x83: {  	_ =	shalt  }
0x84: {  	_ =	shalt  }
0x85: {  	_ =	shalt  }
0x86: {  	_ =	shalt  }
0x87: {  	_ =	shalt  }
.Lfunc_end0:
.L_simem_size_0:
called_computation.2_lowered:
.L_overlay_start_0:
0x88: {  	s2 =	sld [smem:$0x3FD9]  }
0x89: {  	s3 =	sld [smem:$0x3FFE];
	_ =	sdelay $0x1  }
0x8a: {  	s1 =	srdreg.scid  }
0x8b: {  	s0 =	sand.u32 $0x1, s1  }
0x8c: {  	s17 =	sshll.u32 s0, $0xA;
	s2 =	sadd.s32 s3, s2  }
0x8d: {  	s2 =	sadd.s32 s2, s17  }
0x8e: {  	[smem:$0x3FBC] =	sst s2  }
0x8f: {  	_ = 	snop  }
0x90: {  	(tm) =	ssettm $0x1  }
0x91: {  	s18 =	sld [smem:$0x3FFB];
	_ =	sdelay $0x3  }
0x92: {  	_ =	strace s18  }
0x93: {  	s2 =	sld [smem:$0x3FFC];
	_ =	sdelay $0x3  }
0x94: {  	_ =	strace s2  }
0x95: {  	s2 =	sld [smem:$0x3FFD];
	_ =	sdelay $0x3  }
0x96: {  	_ =	strace s2  }
0x97: {  	_ =	strace $0x8FFFFFFF  }
0x98: {  	s19 =	sld [smem:$0x3FDB];
	_ =	sdelay $0x1  }
0x99: {  	s20 =	simm.s32 $_scs_section_size  }
0x9a: {  	s4 =	simm.s32 $_size__tile_overlayer_lowered;
	s5 =	simm.s32 $_tile_overlayer_lowered  }
0x9b: {  	s6 =	simm.s32 $0x1BFF;
	s21 =	sshll.u32 s5, $0x1;
	s3 =	sadd.s32 s20, s19  }
0x9c: {  	s22 =	simm.s32 $0x0;
	s4 =	sshll.u32 s4, $0x1;
	s5 =	sadd.s32 s21, s3  }
0x9d: {  	[timem:s22], [sflag:s6] =	dma.local [hbm:s5], s4  }
0x9e: {  	_ =	swait.ge [sflag:s6], s4  }
0x9f: {  	s4 =	ssub.s32 $0x0, s4;
	[sflag:s6] =	ssyncset.done $0x0  }
0xa0: {  	[sflag:s6] =	ssyncadd.s32 s4;
	_ =	sdelay $0x1  }
0xa1: {  	s23 =	simm.s32 $0x1B8B  }
0xa2: {  	_ =	swait.ge [sflag:s23], $0x1  }
0xa3: {  	[sflag:s23] =	ssyncset.done $0x0  }
0xa4: {  	[sflag:s23] =	ssyncadd.s32 $0xFFFFFFFF  }
0xa5: {  	s4 =	sld [smem:$0x0]  }
0xa6: {  	s5 =	sand.u32 $0xFFFFFFFE, s1  }
0xa7: {  	p0 =	sne.s32 s1, s5  }
0xa8: {  	s5 =	sshll.u32 @p0 s5, $0xE  }
0xa9: {  	s5 =	sadd.s32 @p0 $0x11B8D, s5;
	s6 =	sshll.u32 @p0 s4, $0x11  }
0xaa: {  	s5 =	sor.u32 @p0 s6, s5  }
0xab: {  	[sflag:s5] =	ssyncadd.remote.s32 @p0 $0x1;
	_ =	sdelay $0x1  }
0xac: {  	s5 =	simm.s32 @p0 $0x1B8D  }
0xad: {  	_ =	swait.eq @p0 [sflag:s5], $0x1  }
0xae: {  	[sflag:s5] =	ssyncadd.s32 @p0 $0xFFFFFFFF  }
0xaf: {  	s6 =	sshll.u32 @!p0 s1, $0xE  }
0xb0: {  	s6 =	sor.u32 @!p0 $0x4000, s6;
	s5 =	simm.s32 @!p0 $0x1B8D  }
0xb1: {  	s4 =	sshll.u32 @!p0 s4, $0x11;
	s6 =	sadd.s32 @!p0 $0x11B8D, s6;
	_ =	swait.eq @!p0 [sflag:s5], $0x1  }
0xb2: {  	s4 =	sor.u32 @!p0 s4, s6;
	[sflag:s5] =	ssyncadd.s32 @!p0 $0xFFFFFFFF  }
0xb3: {  	s25 =	simm.s32 $0x1B8E;
	s24 =	sld [smem:$0x3FFE];
	[sflag:s4] =	ssyncadd.remote.s32 @!p0 $0x1  }
0xb4: {  	s26 =	simm.s32 $execute0_lowered;
	[smem:$0x3FD2] =	sst s25  }
0xb5: {  	s5 =	sshll.u32 s26, $0x1;
	_ =	strace $0x80000049;
	[dreg:$0x1] =	wrdreg $0xFFFFFFFF  }
0xb6: {  	s28 =	simm.s32 $_size_execute0_lowered;
	s3 =	sadd.s32 s3, s5;
	[dreg:$0x0] =	wrdreg $0x0  }
0xb7: {  	s5 =	sshll.u32 s28, $0x1;
	[dreg:$0x2] =	wrdreg s3  }
0xb8: {  	[dreg:$0x3] =	wrdreg s5  }
0xb9: {  	[dreg:$0x4] =	wrdreg $0xC0  }
0xba: {  	_ =	task [dreg:s22], $0x5FFFF  }
0xbb: {  	[dreg:$0x1] =	wrdreg $0xFFFFFFFF  }
0xbc: {  	[dreg:$0x0] =	wrdreg $0x60  }
0xbd: {  	[dreg:$0x2] =	wrdreg s24  }
0xbe: {  	[dreg:$0x3] =	wrdreg $0xB  }
0xbf: {  	_ =	task.clear_ibuf [dreg:s22], $0x4FFFF;
	_ =	strace $0x90000049  }
0xc0: {  	s29 =	simm.s32 $0xB;
	_ =	strace $0x8000004B  }
0xc1: {  	_ =	swait.ge [sflag:s29], $0x1  }
0xc2: {  	[sflag:s29] =	ssyncadd.s32 $0xFFFFFFFF  }
0xc3: {  	_ =	strace $0x9000004B  }
0xc4: {  	_ =	sfence  }
0xc5: {  	s30 =	sld [smem:$0x0];
	_ =	sdelay $0x2  }
0xc6: {  	s31 =	sshll.u32 s1, $0xD;
	s1 =	sshrl.u32 s1, $0x2  }
0xc7: {  	s4 =	sand.u32 $0x4000, s31;
	s1 =	sadd.s32 s1, s30  }
0xc8: {  	s0 =	sor.u32 s4, s0;
	s1 =	sshll.u32 s1, $0x11  }
0xc9: {  	s0 =	sor.u32 s1, s0  }
0xca: {  	s0 =	sadd.s32 $0x8F2B, s0  }
0xcb: {  	[sflag:s0] =	ssyncadd.remote.s32 $0x1  }
0xcc: {  	_ =	sfence.sel $0xFFFF  }
0xcd: {  	[dreg:$0x0] =	wrdreg $0xFFFFFFFF;
	(pc) =	sbr.abs _section_cstart, $3  }
0xce: {  	[dreg:$0x1] =	wrdreg $0xFFFFFFFF  }
0xcf: {  	_ =	task.clear_ibuf [dreg:s22], $0x2FFFF;
	_ =	strace $0x9FFFFFFF  }
0xd0: {  	(tm) =	ssettm $0x7FFFFFFF  }
0xd1: {  	_ =	shalt  }
tec
execute0_lowered:
.L_overlay_start_1:
0x0: {  	(tag) =	ssettag $0x1  }
0x1: {  	s0 =	rddreg [dreg:$0x0];
	s1 =	srdreg.scid  }
0x2: {  	s9 =	stileid.u32;
	s2 =	simm.s32 $0x0;
	s12 =	simm.s32 $0x5  }
0x3: {  	s13 =	simm.s32 $0x80;
	s14 =	simm.s32 $0x3200;
	s15 =	simm.s32 $0x3A00  }
0x4: {  	s17 =	simm.s32 $0x4200;
	s19 =	simm.s32 $0x4A00;
	s21 =	simm.s32 $0x5200  }
0x5: {  	s28 =	simm.s32 $0x6A00;
	s30 =	simm.s32 $0x7200;
	s16 =	simm.s32 $0x3  }
0x6: {  	s29 =	simm.s32 $0x2;
	s31 =	simm.s32 $0x4;
	s8 =	smul.u32 $0xC800, s9  }
0x7: {  	s1 =	sand.u32 $0x1, s1;
	s3 =	sshll.u32 s9, $0x1;
	s9 =	smul.u32 $0x6400, s9  }
0x8: {  	[smem:$0x7FF] =	sst s2;
	s4 =	sor.u32 s1, s3;
	s10 =	smul.u32 $0x3200, s1  }
0x9: {  	_ =	strace $0x8000004A;
	s24 =	ssub.s32 $0x2, s1;
	s1 =	smul.u32 $0x6400, s1  }
0xa: {  	s18 =	simm.s32 $0x0;
	s3 =	sadd.s32 $0x189C00, s0;
	s5 =	smul.u32 $0x640, s4  }
0xb: {  	s6 =	smul.u32 $0x6400, s4;
	s7 =	sshrl.u32 s24, $0x1;
	s9 =	sadd.s32 s10, s9  }
0xc: {  	s23 =	sadd.s32 s5, s0;
	s0 =	sadd.s32 $0x1BAA00, s0;
	s5 =	ssub.s32 s24, s7  }
0xd: {  	s26 =	sshll.u32 s9, $0x1;
	s4 =	sadd.s32 $0xFA00, s23;
	s25 =	smax.u32 s5, $0x1  }
0xe: {  	s6 =	sadd.s32 s0, s6;
	s11 =	sadd.s32 s8, s0;
	[dreg:$0x2] =	wrdreg s4  }
0xf: {  	s0 =	sadd.s32 s0, s26;
	s23 =	simm.s32 $0x5A00;
	[dreg:$0x3] =	wrdreg s25  }
0x10: {  	s7 =	sadd.s32 $0x500, s6;
	s8 =	sadd.s32 $0x5A00, s6;
	s1 =	sadd.s32 s1, s11  }
0x11: {  	s9 =	sadd.s32 $0x5F00, s6;
	s26 =	sadd.s32 $0xF00, s0;
	s25 =	simm.s32 $0x6200  }
0x12: {  	s0 =	simm.s32 $0x7A00;
	s10 =	sadd.s32 $0xA00, s1;
	s1 =	simm.s32 $0x1  }
.LBB2_1:
0x13: {  	s4 =	rddreg [dreg:$0x2]  }
0x14: {  	[tilespmem:s2], [sflag:$0x5] =	stream.linear.gather [hbm4b:s4+s2], $0x3200, $0x38;
	[tilespmem:$0x8200] =	vst v63  }
0x15: {  	_ =	swait.ge [sflag:s12], $0x3200  }
0x16: {  	[sflag:s12] =	ssyncset.done $0x0  }
0x17: {  	[sflag:s12] =	ssyncadd.s32 $0xFFFFCE00  }
0x18: {  	[tilespmem:s14], [sflag:$0x1] =	stream.indirect.gather [hbm4b:s3+s13], $0x10, s2, s13, $0xb8;
	[tilespmem:$0x8200] =	vst v63  }
0x19: {  	_ = 	snop  }
0x1a: {  	[tilespmem:s15], [sflag:$0x1] =	stream.indirect.gather [hbm4b:s3+s13], $0x10, s13, s13, $0xb8;
	[tilespmem:$0x8200] =	vst v63  }
0x1b: {  	s20 =	simm.s32 $0x100  }
0x1c: {  	[tilespmem:s17], [sflag:$0x1] =	stream.indirect.gather [hbm4b:s3+s13], $0x10, s20, s13, $0xb8;
	[tilespmem:$0x8200] =	vst v63  }
0x1d: {  	s22 =	simm.s32 $0x180  }
0x1e: {  	[tilespmem:s19], [sflag:$0x1] =	stream.indirect.gather [hbm4b:s3+s13], $0x10, s22, s13, $0xb8;
	[tilespmem:$0x8200] =	vst v63  }
0x1f: {  	s24 =	simm.s32 $0x200  }
0x20: {  	[tilespmem:s21], [sflag:$0x1] =	stream.indirect.gather [hbm4b:s3+s13], $0x10, s24, s13, $0xb8;
	[tilespmem:$0x8200] =	vst v63  }
0x21: {  	s5 =	simm.s32 $0x280  }
0x22: {  	[tilespmem:s23], [sflag:$0x2] =	stream.indirect.gather [hbm4b:s3+s13], $0x10, s5, s13, $0xb8;
	[tilespmem:$0x8200] =	vst v63  }
0x23: {  	s11 =	simm.s32 $0x300  }
0x24: {  	[tilespmem:s25], [sflag:$0x2] =	stream.indirect.gather [hbm4b:s3+s13], $0x10, s11, s13, $0xb8;
	[tilespmem:$0x8200] =	vst v63  }
0x25: {  	s20 =	simm.s32 $0x380  }
0x26: {  	[tilespmem:s28], [sflag:$0x2] =	stream.indirect.gather [hbm4b:s3+s13], $0x10, s20, s13, $0xb8;
	[tilespmem:$0x8200] =	vst v63  }
0x27: {  	s22 =	simm.s32 $0x400  }
0x28: {  	[tilespmem:s30], [sflag:$0x2] =	stream.indirect.gather [hbm4b:s3+s13], $0x10, s22, s13, $0xb8;
	[tilespmem:$0x8200] =	vst v63  }
0x29: {  	s24 =	simm.s32 $0x480  }
0x2a: {  	[tilespmem:s0], [sflag:$0x2] =	stream.indirect.gather [hbm4b:s3+s13], $0x10, s24, s13, $0xb8;
	[tilespmem:$0x8200] =	vst v63  }
0x2b: {  	_ =	swait.ge [sflag:s1], $0x2800  }
0x2c: {  	[sflag:s1] =	ssyncset.done $0x0  }
0x2d: {  	[sflag:s1] =	ssyncadd.s32 $0xFFFFD800  }
0x2e: {  	[hbm4b:s6+s2] =	stream.linear.scatter [tilespmem:s14], [sflag:$0x3], $0x2800, $0x38;
	[tilespmem:$0x8200] =	vst v63  }
0x2f: {  	_ =	swait.ge [sflag:s16], $0x2800  }
0x30: {  	[sflag:s16] =	ssyncset.done $0x0  }
0x31: {  	s5 =	simm.s32 $0x500;
	[sflag:s16] =	ssyncadd.s32 $0xFFFFD800  }
0x32: {  	[tilespmem:s14], [sflag:$0x1] =	stream.indirect.gather [hbm4b:s3+s13], $0x10, s5, s13, $0xb8;
	[tilespmem:$0x8200] =	vst v63  }
0x33: {  	s11 =	simm.s32 $0x580  }
0x34: {  	[tilespmem:s15], [sflag:$0x1] =	stream.indirect.gather [hbm4b:s3+s13], $0x10, s11, s13, $0xb8;
	[tilespmem:$0x8200] =	vst v63  }
0x35: {  	s20 =	simm.s32 $0x600  }
0x36: {  	[tilespmem:s17], [sflag:$0x1] =	stream.indirect.gather [hbm4b:s3+s13], $0x10, s20, s13, $0xb8;
	[tilespmem:$0x8200] =	vst v63  }
0x37: {  	s22 =	simm.s32 $0x680  }
0x38: {  	[tilespmem:s19], [sflag:$0x1] =	stream.indirect.gather [hbm4b:s3+s13], $0x10, s22, s13, $0xb8;
	[tilespmem:$0x8200] =	vst v63  }
0x39: {  	s24 =	simm.s32 $0x700  }
0x3a: {  	[tilespmem:s21], [sflag:$0x1] =	stream.indirect.gather [hbm4b:s3+s13], $0x10, s24, s13, $0xb8;
	[tilespmem:$0x8200] =	vst v63  }
0x3b: {  	_ =	swait.ge [sflag:s29], $0x2800  }
0x3c: {  	[sflag:s29] =	ssyncset.done $0x0  }
0x3d: {  	[sflag:s29] =	ssyncadd.s32 $0xFFFFD800  }
0x3e: {  	[hbm4b:s7+s2] =	stream.linear.scatter [tilespmem:s23], [sflag:$0x4], $0x2800, $0x38;
	[tilespmem:$0x8200] =	vst v63  }
0x3f: {  	_ =	swait.ge [sflag:s31], $0x2800  }
0x40: {  	[sflag:s31] =	ssyncset.done $0x0  }
0x41: {  	s11 =	simm.s32 $0x780;
	[sflag:s31] =	ssyncadd.s32 $0xFFFFD800  }
0x42: {  	[tilespmem:s23], [sflag:$0x2] =	stream.indirect.gather [hbm4b:s3+s13], $0x10, s11, s13, $0xb8;
	[tilespmem:$0x8200] =	vst v63  }
0x43: {  	s5 =	simm.s32 $0x800  }
0x44: {  	[tilespmem:s25], [sflag:$0x2] =	stream.indirect.gather [hbm4b:s3+s13], $0x10, s5, s13, $0xb8;
	[tilespmem:$0x8200] =	vst v63  }
0x45: {  	s20 =	simm.s32 $0x880  }
0x46: {  	[tilespmem:s28], [sflag:$0x2] =	stream.indirect.gather [hbm4b:s3+s13], $0x10, s20, s13, $0xb8;
	[tilespmem:$0x8200] =	vst v63  }
0x47: {  	s22 =	simm.s32 $0x900  }
0x48: {  	[tilespmem:s30], [sflag:$0x2] =	stream.indirect.gather [hbm4b:s3+s13], $0x10, s22, s13, $0xb8;
	[tilespmem:$0x8200] =	vst v63  }
0x49: {  	s24 =	simm.s32 $0x980  }
0x4a: {  	[tilespmem:s0], [sflag:$0x2] =	stream.indirect.gather [hbm4b:s3+s13], $0x10, s24, s13, $0xb8;
	[tilespmem:$0x8200] =	vst v63  }
0x4b: {  	_ =	swait.ge [sflag:s1], $0x2800  }
0x4c: {  	[sflag:s1] =	ssyncset.done $0x0  }
0x4d: {  	[sflag:s1] =	ssyncadd.s32 $0xFFFFD800  }
0x4e: {  	[hbm4b:s10+s2] =	stream.linear.scatter [tilespmem:s14], [sflag:$0x3], $0x2800, $0x38;
	[tilespmem:$0x8200] =	vst v63  }
0x4f: {  	_ =	swait.ge [sflag:s16], $0x2800  }
0x50: {  	[sflag:s16] =	ssyncset.done $0x0  }
0x51: {  	s4 =	simm.s32 $0xA00;
	[sflag:s16] =	ssyncadd.s32 $0xFFFFD800  }
0x52: {  	[tilespmem:s14], [sflag:$0x1] =	stream.indirect.gather [hbm4b:s3+s13], $0x10, s4, s13, $0xb8;
	[tilespmem:$0x8200] =	vst v63  }
0x53: {  	s5 =	simm.s32 $0xA80  }
0x54: {  	[tilespmem:s15], [sflag:$0x1] =	stream.indirect.gather [hbm4b:s3+s13], $0x10, s5, s13, $0xb8;
	[tilespmem:$0x8200] =	vst v63  }
0x55: {  	s20 =	simm.s32 $0xB00  }
0x56: {  	[tilespmem:s17], [sflag:$0x1] =	stream.indirect.gather [hbm4b:s3+s13], $0x10, s20, s13, $0xb8;
	[tilespmem:$0x8200] =	vst v63  }
0x57: {  	s22 =	simm.s32 $0xB80  }
0x58: {  	[tilespmem:s19], [sflag:$0x1] =	stream.indirect.gather [hbm4b:s3+s13], $0x10, s22, s13, $0xb8;
	[tilespmem:$0x8200] =	vst v63  }
0x59: {  	s24 =	simm.s32 $0xC00  }
0x5a: {  	[tilespmem:s21], [sflag:$0x1] =	stream.indirect.gather [hbm4b:s3+s13], $0x10, s24, s13, $0xb8;
	[tilespmem:$0x8200] =	vst v63  }
0x5b: {  	_ =	swait.ge [sflag:s29], $0x2800  }
0x5c: {  	s11 =	smov.u32 s26;
	s20 =	simm.s32 $0x1400;
	[sflag:s29] =	ssyncset.done $0x0  }
0x5d: {  	s22 =	sadd.s32 $0xA00, s10;
	s24 =	sadd.s32 $0xA00, s26;
	[sflag:s29] =	ssyncadd.s32 $0xFFFFD800  }
.LBB2_2:
0x5e: {  	[hbm4b:s11+s2] =	stream.linear.scatter [tilespmem:s23], [sflag:$0x4], $0x2800, $0x38;
	[tilespmem:$0x8200] =	vst v63  }
0x5f: {  	s4 =	smov.u32 s20;
	s11 =	smov.u32 s24  }
0x60: {  	p0 =	sne.s32 s20, $0x8C00;
	s20 =	sadd.s32 $0x1400, s20;
	_ =	swait.ge [sflag:s31], $0x2800  }
0x61: {  	s4 =	sshra.s32 s4, $0x2;
	[sflag:s31] =	ssyncset.done $0x0  }
0x62: {  	s5 =	sadd.s32 $0x780, s4;
	[sflag:s31] =	ssyncadd.s32 $0xFFFFD800  }
0x63: {  	[tilespmem:s23], [sflag:$0x2] =	stream.indirect.gather [hbm4b:s3+s13], $0x10, s5, s13, $0xb8;
	[tilespmem:$0x8200] =	vst v63  }
0x64: {  	s5 =	sadd.s32 $0x800, s4  }
0x65: {  	[tilespmem:s25], [sflag:$0x2] =	stream.indirect.gather [hbm4b:s3+s13], $0x10, s5, s13, $0xb8;
	[tilespmem:$0x8200] =	vst v63  }
0x66: {  	s5 =	sadd.s32 $0x880, s4  }
0x67: {  	[tilespmem:s28], [sflag:$0x2] =	stream.indirect.gather [hbm4b:s3+s13], $0x10, s5, s13, $0xb8;
	[tilespmem:$0x8200] =	vst v63  }
0x68: {  	s5 =	sadd.s32 $0x900, s4  }
0x69: {  	[tilespmem:s30], [sflag:$0x2] =	stream.indirect.gather [hbm4b:s3+s13], $0x10, s5, s13, $0xb8;
	[tilespmem:$0x8200] =	vst v63  }
0x6a: {  	s5 =	sadd.s32 $0x980, s4  }
0x6b: {  	[tilespmem:s0], [sflag:$0x2] =	stream.indirect.gather [hbm4b:s3+s13], $0x10, s5, s13, $0xb8;
	[tilespmem:$0x8200] =	vst v63  }
0x6c: {  	_ =	swait.ge [sflag:s1], $0x2800  }
0x6d: {  	[sflag:s1] =	ssyncset.done $0x0  }
0x6e: {  	[sflag:s1] =	ssyncadd.s32 $0xFFFFD800  }
0x6f: {  	[hbm4b:s22+s2] =	stream.linear.scatter [tilespmem:s14], [sflag:$0x3], $0x2800, $0x38;
	[tilespmem:$0x8200] =	vst v63  }
0x70: {  	_ =	swait.ge [sflag:s16], $0x2800  }
0x71: {  	[sflag:s16] =	ssyncset.done $0x0  }
0x72: {  	s5 =	sadd.s32 $0xA00, s4;
	[sflag:s16] =	ssyncadd.s32 $0xFFFFD800  }
0x73: {  	[tilespmem:s14], [sflag:$0x1] =	stream.indirect.gather [hbm4b:s3+s13], $0x10, s5, s13, $0xb8;
	[tilespmem:$0x8200] =	vst v63  }
0x74: {  	s5 =	sadd.s32 $0xA80, s4  }
0x75: {  	[tilespmem:s15], [sflag:$0x1] =	stream.indirect.gather [hbm4b:s3+s13], $0x10, s5, s13, $0xb8;
	[tilespmem:$0x8200] =	vst v63  }
0x76: {  	s5 =	sadd.s32 $0xB00, s4  }
0x77: {  	[tilespmem:s17], [sflag:$0x1] =	stream.indirect.gather [hbm4b:s3+s13], $0x10, s5, s13, $0xb8;
	[tilespmem:$0x8200] =	vst v63  }
0x78: {  	s5 =	sadd.s32 $0xB80, s4  }
0x79: {  	[tilespmem:s19], [sflag:$0x1] =	stream.indirect.gather [hbm4b:s3+s13], $0x10, s5, s13, $0xb8;
	[tilespmem:$0x8200] =	vst v63  }
.Ltmp0:
0x7a: {  	s4 =	sadd.s32 $0xC00, s4;
	(pc) =	sbr.rel @p0 .LBB2_2-.Ltmp0, $4  }
0x7b: {  	[tilespmem:s21], [sflag:$0x1] =	stream.indirect.gather [hbm4b:s3+s13], $0x10, s4, s13, $0xb8;
	[tilespmem:$0x8200] =	vst v63  }
0x7c: {  	_ =	swait.ge [sflag:s29], $0x2800  }
0x7d: {  	[sflag:s29] =	ssyncset.done $0x0  }
0x7e: {  	s24 =	sadd.s32 $0xA00, s24;
	s22 =	sadd.s32 $0xA00, s22;
	[sflag:s29] =	ssyncadd.s32 $0xFFFFD800  }
0x7f: {  	[hbm4b:s11+s2] =	stream.linear.scatter [tilespmem:s23], [sflag:$0x4], $0x2800, $0x38;
	[tilespmem:$0x8200] =	vst v63  }
0x80: {  	_ =	swait.ge [sflag:s31], $0x2800  }
0x81: {  	[sflag:s31] =	ssyncset.done $0x0  }
0x82: {  	s4 =	simm.s32 $0x2F80;
	[sflag:s31] =	ssyncadd.s32 $0xFFFFD800  }
0x83: {  	[tilespmem:s23], [sflag:$0x2] =	stream.indirect.gather [hbm4b:s3+s13], $0x10, s4, s13, $0xb8;
	[tilespmem:$0x8200] =	vst v63  }
0x84: {  	s5 =	simm.s32 $0x3000  }
0x85: {  	[tilespmem:s25], [sflag:$0x2] =	stream.indirect.gather [hbm4b:s3+s13], $0x10, s5, s13, $0xb8;
	[tilespmem:$0x8200] =	vst v63  }
0x86: {  	s11 =	simm.s32 $0x3080  }
0x87: {  	[tilespmem:s28], [sflag:$0x2] =	stream.indirect.gather [hbm4b:s3+s13], $0x10, s11, s13, $0xb8;
	[tilespmem:$0x8200] =	vst v63  }
0x88: {  	s20 =	simm.s32 $0x3100  }
0x89: {  	[tilespmem:s30], [sflag:$0x2] =	stream.indirect.gather [hbm4b:s3+s13], $0x10, s20, s13, $0xb8;
	[tilespmem:$0x8200] =	vst v63  }
0x8a: {  	s22 =	simm.s32 $0x3180  }
0x8b: {  	[tilespmem:s0], [sflag:$0x2] =	stream.indirect.gather [hbm4b:s3+s13], $0x10, s22, s13, $0xb8;
	[tilespmem:$0x8200] =	vst v63  }
0x8c: {  	_ =	swait.ge [sflag:s1], $0x2800  }
0x8d: {  	[sflag:s1] =	ssyncset.done $0x0  }
0x8e: {  	[sflag:s1] =	ssyncadd.s32 $0xFFFFD800  }
0x8f: {  	[hbm4b:s8+s2] =	stream.linear.scatter [tilespmem:s14], [sflag:$0x3], $0x2800, $0x38;
	[tilespmem:$0x8200] =	vst v63  }
0x90: {  	_ =	swait.ge [sflag:s16], $0x2800  }
0x91: {  	[sflag:s16] =	ssyncset.done $0x0  }
0x92: {  	[sflag:s16] =	ssyncadd.s32 $0xFFFFD800  }
0x93: {  	_ =	swait.ge [sflag:s29], $0x2800  }
0x94: {  	[sflag:s29] =	ssyncset.done $0x0  }
0x95: {  	[sflag:s29] =	ssyncadd.s32 $0xFFFFD800  }
0x96: {  	[hbm4b:s9+s2] =	stream.linear.scatter [tilespmem:s23], [sflag:$0x4], $0x2800, $0x38;
	[tilespmem:$0x8200] =	vst v63  }
0x97: {  	_ =	swait.ge [sflag:s31], $0x2800  }
0x98: {  	s18 =	sadd.s32 $0x1, s18;
	s24 =	rddreg [dreg:$0x3]  }
0x99: {  	p0 =	sne.s32 s18, s24  }
.Ltmp1:
0x9a: {  	_ = 	snop;
	(pc) =	sbr.rel @p0 .LBB2_1-.Ltmp1, $3  }
0x9b: {  	_ =	sdelay $0x1  }
0x9c: {  	[sflag:s31] =	ssyncset.done $0x0  }
0x9d: {  	[sflag:s31] =	ssyncadd.s32 $0xFFFFD800  }
0x9e: {  	_ =	sfence.sel $0x180000  }
0x9f: {  	[bflag:$0x0] =	sbarrier.arrive $0xFFFF  }
0xa0: {  	_ =	strace $0x9000004A  }
0xa1: {  	s0 =	stileid.u32;
	[bflag:$0x2] =	sbarrier.arrive $0xFFFF  }
0xa2: {  	p0 =	sne.s32 s0, $0x0;
	s0 =	rddreg [dreg:$0x1]  }
0xa3: {  	s0 =	sadd.s32 @!p0 $0x100000, s0  }
0xa4: {  	[sflag:s0] =	ssyncadd.tile.s32 @!p0 $0x1;
	_ =	shalt  }
.Lfunc_end2:
_tile_overlayer_lowered:
.L_overlay_start_2:
0xa5: {  	(tag) =	ssettag $0x2  }
0xa6: {  	s0 =	rddreg [dreg:$0x0];
	s2 =	stileid.u32  }
0xa7: {  	s1 =	rddreg [dreg:$0x1];
	p0 =	sne.s32 s2, $0x0  }
0xa8: {  	s3 =	rddreg [dreg:$0x2];
	[bflag:$0x3] =	sbarrier.arrive $0xFFFF;
	s2 =	simm.s32 @!p0 $0x1C05  }
0xa9: {  	[timem:s3], [sflag:s2] =	dma.local @!p0 [hbm:s0], s1  }
0xaa: {  	s0 =	simm.s32 @!p0 $0x5  }
0xab: {  	_ =	swait.ge @!p0 [sflag:s0], s1  }
0xac: {  	s1 =	ssub.s32 @!p0 $0x0, s1;
	[sflag:s0] =	ssyncset.done @!p0 $0x0  }
0xad: {  	[sflag:s0] =	ssyncadd.s32 @!p0 s1  }
0xae: {  	[bflag:$0x3] =	sbarrier.arrive $0xFFFF  }
0xaf: {  	_ =	shalt  }

// kernel: kernel.19.cloned.1.call-start
scs
__scs_entry_jumppad:
0x0: {  	(pc) =	sbr.rel $0x88, $3  }
0x1: {  	(tag) =	ssettag $0x0;
	lr =	simm.s32 $0x1  }
0x2: {  	[smem:$0x3F95] =	sst lr;
	_ =	strace $0xD0000000  }
0x3: {  	_ = 	snop  }
0x4: {  	_ = 	snop  }
0x5: {  	_ = 	snop  }
0x6: {  	_ = 	snop  }
0x7: {  	_ = 	snop  }
__scs_overlays_trampoline_lowered:
0x8: {  	[smem:$0x3FA4] =	sst s0  }
0x9: {  	[smem:$0x3FA5] =	sst s1  }
0xa: {  	[smem:$0x3FA6] =	sst s2  }
0xb: {  	[smem:$0x3FA7] =	sst s3  }
0xc: {  	[smem:$0x3FA8] =	sst s4  }
0xd: {  	[smem:$0x3FA9] =	sst s5  }
0xe: {  	[smem:$0x3FAA] =	sst s6  }
0xf: {  	[smem:$0x3FAB] =	sst s7  }
0x10: {  	[smem:$0x3FAC] =	sst s8  }
0x11: {  	[smem:$0x3FAD] =	sst s9;
	s0 =	simm.s32 @!p0 $0x0  }
0x12: {  	s1 =	sld [smem:$0x3F93];
	s0 =	simm.s32 @p0 $0x1  }
0x13: {  	[smem:$0x3FAE] =	sst s0;
	s0 =	simm.s32 @!p1 $0x0  }
0x14: {  	s2 =	sld [smem:$0x3F92];
	s0 =	simm.s32 @p1 $0x1  }
0x15: {  	[smem:$0x3FAF] =	sst s0;
	s0 =	simm.s32 @!p2 $0x0  }
0x16: {  	s3 =	sld [smem:$0x3FDB];
	s0 =	simm.s32 @p2 $0x1  }
0x17: {  	s4 =	simm.s32 $0x1BF5;
	[smem:$0x3FB1] =	sst s0  }
0x18: {  	s0 =	sld [smem:$0x3F94];
	_ =	swait.ge [sflag:s4], $0x0  }
0x19: {  	s7 =	sld [smem:$0x3F95]  }
0x1a: {  	s8 =	sadd.s32 $0xFFFFE003, lr  }
0x1b: {  	s9 =	sadd.s32 $0xFFFFFEF7, lr;
	s5 =	simm.s32 $0xFFFFFFFF;
	p2 =	slt.u32 s8, $0xFFFFF086  }
0x1c: {  	p1 =	slt.u32 s9, $0xF7A;
	s5 =	simm.s32 @!p2 $0x0  }
0x1d: {  	s5 =	simm.s32 @p1 $0x1;
	p0 =	seq.s32 s7, s2  }
0x1e: {  	s7 =	smul.u32 @!p0 $0xF7A, s2;
	p2 =	seq.s32 @!p0 s5, $0x0  }
0x1f: {  	s9 =	smul.u32 $0xF7A, s1;
	s8 =	simm.s32 @!p0 $0x1BF5;
	p2 =	por !p2, p0  }
0x20: {  	[sflag:s8] =	ssyncset.s32 @!p0 $0xFFFFF086;
	s6 =	sadd.s32 @!p0 s3, s7;
	s7 =	simm.s32 @!p0 $0x108  }
0x21: {  	s3 =	sadd.s32 s3, s9;
	s6 =	sadd.s32 @!p0 $0x88, s6;
	s7 =	simm.s32 @p2 $0x1082  }
0x22: {  	[simem:s7], [sflag:s8] =	dma.local @!p0 [hbm:s6], $0xF7A  }
0x23: {  	s9 =	sor.u32 $0xD0000000, s2;
	s6 =	simm.s32 $0x108;
	_ =	swait.ge @!p0 [sflag:s8], $0x0  }
0x24: {  	s3 =	sadd.s32 $0x88, s3;
	s6 =	simm.s32 @!p1 $0x1082;
	[sflag:s4] =	ssyncset.s32 $0xFFFFF086  }
0x25: {  	[simem:s6], [sflag:s4] =	dma.local [hbm:s3], $0xF7A  }
0x26: {  	[smem:$0x3F95] =	sst s1;
	(tag) =	ssettag s2;
	_ =	strace s9  }
0x27: {  	s1 =	sld [smem:$0x3FA5]  }
0x28: {  	s2 =	sld [smem:$0x3FA6]  }
0x29: {  	s4 =	sld [smem:$0x3FA8]  }
0x2a: {  	p0 =	seq.s32 s5, $0x0;
	s5 =	sld [smem:$0x3FA9]  }
0x2b: {  	s6 =	sld [smem:$0x3FAA]  }
0x2c: {  	s7 =	sld [smem:$0x3FAB]  }
0x2d: {  	s3 =	simm.s32 $0x108;
	s8 =	sld [smem:$0x3FAC]  }
0x2e: {  	s3 =	simm.s32 @!p0 $0x1082;
	s9 =	sld [smem:$0x3FAD]  }
0x2f: {  	lr =	sadd.s32 s0, s3;
	s0 =	sld [smem:$0x3FA4]  }
0x30: {  	s3 =	sld [smem:$0x3FA7]  }
0x31: {  	[smem:$0x3FB0] =	sst s10  }
0x32: {  	s10 =	sld [smem:$0x3FAE];
	_ =	sdelay $0x3  }
0x33: {  	p0 =	seq.s32 s10, $0x1;
	s10 =	sld [smem:$0x3FB0];
	_ =	sdelay $0x3  }
0x34: {  	[smem:$0x3FB0] =	sst s10  }
0x35: {  	s10 =	sld [smem:$0x3FAF];
	_ =	sdelay $0x3  }
0x36: {  	p1 =	seq.s32 s10, $0x1;
	s10 =	sld [smem:$0x3FB0];
	_ =	sdelay $0x3  }
0x37: {  	[smem:$0x3FB0] =	sst s10  }
0x38: {  	s10 =	sld [smem:$0x3FB1]  }
0x39: {  	_ = 	snop;
	(pc) =	sbr.ind lr, $3  }
0x3a: {  	_ = 	snop  }
0x3b: {  	_ = 	snop  }
0x3c: {  	p2 =	seq.s32 s10, $0x1;
	s10 =	sld [smem:$0x3FB0]  }
0x3d: {  	_ =	shalt  }
0x3e: {  	_ =	shalt  }
0x3f: {  	_ =	shalt  }
0x40: {  	_ =	shalt  }
0x41: {  	_ =	shalt  }
0x42: {  	_ =	shalt  }
0x43: {  	_ =	shalt  }
0x44: {  	_ =	shalt  }
0x45: {  	_ =	shalt  }
0x46: {  	_ =	shalt  }
0x47: {  	_ =	shalt  }
0x48: {  	_ =	shalt  }
0x49: {  	_ =	shalt  }
0x4a: {  	_ =	shalt  }
0x4b: {  	_ =	shalt  }
0x4c: {  	_ =	shalt  }
0x4d: {  	_ =	shalt  }
0x4e: {  	_ =	shalt  }
0x4f: {  	_ =	shalt  }
0x50: {  	_ =	shalt  }
0x51: {  	_ =	shalt  }
0x52: {  	_ =	shalt  }
0x53: {  	_ =	shalt  }
0x54: {  	_ =	shalt  }
0x55: {  	_ =	shalt  }
0x56: {  	_ =	shalt  }
0x57: {  	_ =	shalt  }
0x58: {  	_ =	shalt  }
0x59: {  	_ =	shalt  }
0x5a: {  	_ =	shalt  }
0x5b: {  	_ =	shalt  }
0x5c: {  	_ =	shalt  }
0x5d: {  	_ =	shalt  }
0x5e: {  	_ =	shalt  }
0x5f: {  	_ =	shalt  }
0x60: {  	_ =	shalt  }
0x61: {  	_ =	shalt  }
0x62: {  	_ =	shalt  }
0x63: {  	_ =	shalt  }
0x64: {  	_ =	shalt  }
0x65: {  	_ =	shalt  }
0x66: {  	_ =	shalt  }
0x67: {  	_ =	shalt  }
0x68: {  	_ =	shalt  }
0x69: {  	_ =	shalt  }
0x6a: {  	_ =	shalt  }
0x6b: {  	_ =	shalt  }
0x6c: {  	_ =	shalt  }
0x6d: {  	_ =	shalt  }
0x6e: {  	_ =	shalt  }
0x6f: {  	_ =	shalt  }
0x70: {  	_ =	shalt  }
0x71: {  	_ =	shalt  }
0x72: {  	_ =	shalt  }
0x73: {  	_ =	shalt  }
0x74: {  	_ =	shalt  }
0x75: {  	_ =	shalt  }
0x76: {  	_ =	shalt  }
0x77: {  	_ =	shalt  }
0x78: {  	_ =	shalt  }
0x79: {  	_ =	shalt  }
0x7a: {  	_ =	shalt  }
0x7b: {  	_ =	shalt  }
0x7c: {  	_ =	shalt  }
0x7d: {  	_ =	shalt  }
0x7e: {  	_ =	shalt  }
0x7f: {  	_ =	shalt  }
0x80: {  	_ =	shalt  }
0x81: {  	_ =	shalt  }
0x82: {  	_ =	shalt  }
0x83: {  	_ =	shalt  }
0x84: {  	_ =	shalt  }
0x85: {  	_ =	shalt  }
0x86: {  	_ =	shalt  }
0x87: {  	_ =	shalt  }
.Lfunc_end0:
.L_simem_size_0:
called_computation.3_lowered:
.L_overlay_start_0:
0x88: {  	s2 =	sld [smem:$0x3FD9]  }
0x89: {  	s3 =	sld [smem:$0x3FFE];
	_ =	sdelay $0x1  }
0x8a: {  	s1 =	srdreg.scid  }
0x8b: {  	s0 =	sand.u32 $0x1, s1  }
0x8c: {  	s17 =	sshll.u32 s0, $0xA;
	s2 =	sadd.s32 s3, s2  }
0x8d: {  	s2 =	sadd.s32 s2, s17  }
0x8e: {  	[smem:$0x3FBC] =	sst s2  }
0x8f: {  	_ = 	snop  }
0x90: {  	(tm) =	ssettm $0x1  }
0x91: {  	s18 =	sld [smem:$0x3FFB];
	_ =	sdelay $0x3  }
0x92: {  	_ =	strace s18  }
0x93: {  	s2 =	sld [smem:$0x3FFC];
	_ =	sdelay $0x3  }
0x94: {  	_ =	strace s2  }
0x95: {  	s2 =	sld [smem:$0x3FFD];
	_ =	sdelay $0x3  }
0x96: {  	_ =	strace s2  }
0x97: {  	_ =	strace $0x8FFFFFFF  }
0x98: {  	s19 =	sld [smem:$0x3FDB];
	_ =	sdelay $0x1  }
0x99: {  	s20 =	simm.s32 $_scs_section_size  }
0x9a: {  	s4 =	simm.s32 $_size__tile_overlayer_lowered;
	s5 =	simm.s32 $_tile_overlayer_lowered  }
0x9b: {  	s6 =	simm.s32 $0x1BFF;
	s21 =	sshll.u32 s5, $0x1;
	s3 =	sadd.s32 s20, s19  }
0x9c: {  	s22 =	simm.s32 $0x0;
	s4 =	sshll.u32 s4, $0x1;
	s5 =	sadd.s32 s21, s3  }
0x9d: {  	[timem:s22], [sflag:s6] =	dma.local [hbm:s5], s4  }
0x9e: {  	_ =	swait.ge [sflag:s6], s4  }
0x9f: {  	s4 =	ssub.s32 $0x0, s4;
	[sflag:s6] =	ssyncset.done $0x0  }
0xa0: {  	[sflag:s6] =	ssyncadd.s32 s4;
	_ =	sdelay $0x1  }
0xa1: {  	s23 =	simm.s32 $0x1B8B  }
0xa2: {  	_ =	swait.ge [sflag:s23], $0x1  }
0xa3: {  	[sflag:s23] =	ssyncset.done $0x0  }
0xa4: {  	[sflag:s23] =	ssyncadd.s32 $0xFFFFFFFF  }
0xa5: {  	s4 =	sld [smem:$0x0]  }
0xa6: {  	s5 =	sand.u32 $0xFFFFFFFE, s1  }
0xa7: {  	p0 =	sne.s32 s1, s5  }
0xa8: {  	s5 =	sshll.u32 @p0 s5, $0xE  }
0xa9: {  	s5 =	sadd.s32 @p0 $0x11B8D, s5;
	s6 =	sshll.u32 @p0 s4, $0x11  }
0xaa: {  	s5 =	sor.u32 @p0 s6, s5  }
0xab: {  	[sflag:s5] =	ssyncadd.remote.s32 @p0 $0x1;
	_ =	sdelay $0x1  }
0xac: {  	s5 =	simm.s32 @p0 $0x1B8D  }
0xad: {  	_ =	swait.eq @p0 [sflag:s5], $0x1  }
0xae: {  	[sflag:s5] =	ssyncadd.s32 @p0 $0xFFFFFFFF  }
0xaf: {  	s6 =	sshll.u32 @!p0 s1, $0xE  }
0xb0: {  	s6 =	sor.u32 @!p0 $0x4000, s6;
	s5 =	simm.s32 @!p0 $0x1B8D  }
0xb1: {  	s4 =	sshll.u32 @!p0 s4, $0x11;
	s6 =	sadd.s32 @!p0 $0x11B8D, s6;
	_ =	swait.eq @!p0 [sflag:s5], $0x1  }
0xb2: {  	s4 =	sor.u32 @!p0 s4, s6;
	[sflag:s5] =	ssyncadd.s32 @!p0 $0xFFFFFFFF  }
0xb3: {  	s25 =	simm.s32 $0x1B8E;
	s24 =	sld [smem:$0x3FFE];
	[sflag:s4] =	ssyncadd.remote.s32 @!p0 $0x1  }
0xb4: {  	s26 =	simm.s32 $execute0_lowered;
	[smem:$0x3FD2] =	sst s25  }
0xb5: {  	s5 =	sshll.u32 s26, $0x1;
	_ =	strace $0x8000004C;
	[dreg:$0x1] =	wrdreg $0xFFFFFFFF  }
0xb6: {  	s28 =	simm.s32 $_size_execute0_lowered;
	s3 =	sadd.s32 s3, s5;
	[dreg:$0x0] =	wrdreg $0x0  }
0xb7: {  	s5 =	sshll.u32 s28, $0x1;
	[dreg:$0x2] =	wrdreg s3  }
0xb8: {  	[dreg:$0x3] =	wrdreg s5  }
0xb9: {  	[dreg:$0x4] =	wrdreg $0xC0  }
0xba: {  	_ =	task [dreg:s22], $0x5FFFF  }
0xbb: {  	[dreg:$0x1] =	wrdreg $0xFFFFFFFF  }
0xbc: {  	[dreg:$0x0] =	wrdreg $0x60  }
0xbd: {  	[dreg:$0x2] =	wrdreg s24  }
0xbe: {  	[dreg:$0x3] =	wrdreg $0xC  }
0xbf: {  	_ =	task.clear_ibuf [dreg:s22], $0x4FFFF;
	_ =	strace $0x9000004C  }
0xc0: {  	s29 =	simm.s32 $0xC;
	_ =	strace $0x8000004E  }
0xc1: {  	_ =	swait.ge [sflag:s29], $0x1  }
0xc2: {  	[sflag:s29] =	ssyncadd.s32 $0xFFFFFFFF  }
0xc3: {  	_ =	strace $0x9000004E  }
0xc4: {  	_ =	sfence  }
0xc5: {  	s30 =	sld [smem:$0x0];
	_ =	sdelay $0x2  }
0xc6: {  	s31 =	sshll.u32 s1, $0xD;
	s1 =	sshrl.u32 s1, $0x2  }
0xc7: {  	s4 =	sand.u32 $0x4000, s31;
	s1 =	sadd.s32 s1, s30  }
0xc8: {  	s0 =	sor.u32 s4, s0;
	s1 =	sshll.u32 s1, $0x11  }
0xc9: {  	s0 =	sor.u32 s1, s0  }
0xca: {  	s0 =	sadd.s32 $0x8F2B, s0  }
0xcb: {  	[sflag:s0] =	ssyncadd.remote.s32 $0x1  }
0xcc: {  	_ =	sfence.sel $0xFFFF  }
0xcd: {  	[dreg:$0x0] =	wrdreg $0xFFFFFFFF;
	(pc) =	sbr.abs _section_cstart, $3  }
0xce: {  	[dreg:$0x1] =	wrdreg $0xFFFFFFFF  }
0xcf: {  	_ =	task.clear_ibuf [dreg:s22], $0x2FFFF;
	_ =	strace $0x9FFFFFFF  }
0xd0: {  	(tm) =	ssettm $0x7FFFFFFF  }
0xd1: {  	_ =	shalt  }
tec
execute0_lowered:
.L_overlay_start_1:
0x0: {  	(tag) =	ssettag $0x1  }
0x1: {  	s0 =	rddreg [dreg:$0x0];
	s1 =	srdreg.scid  }
0x2: {  	s9 =	stileid.u32;
	s2 =	simm.s32 $0x0;
	s12 =	simm.s32 $0x5  }
0x3: {  	s13 =	simm.s32 $0x80;
	s14 =	simm.s32 $0x3200;
	s15 =	simm.s32 $0x3A00  }
0x4: {  	s17 =	simm.s32 $0x4200;
	s19 =	simm.s32 $0x4A00;
	s21 =	simm.s32 $0x5200  }
0x5: {  	s28 =	simm.s32 $0x6A00;
	s30 =	simm.s32 $0x7200;
	s16 =	simm.s32 $0x3  }
0x6: {  	s29 =	simm.s32 $0x2;
	s31 =	simm.s32 $0x4;
	s8 =	smul.u32 $0xC800, s9  }
0x7: {  	s1 =	sand.u32 $0x1, s1;
	s3 =	sshll.u32 s9, $0x1;
	s9 =	smul.u32 $0x6400, s9  }
0x8: {  	[smem:$0x7FF] =	sst s2;
	s4 =	sor.u32 s1, s3;
	s10 =	smul.u32 $0x3200, s1  }
0x9: {  	_ =	strace $0x8000004D;
	s24 =	ssub.s32 $0x2, s1;
	s1 =	smul.u32 $0x6400, s1  }
0xa: {  	s18 =	simm.s32 $0x0;
	s3 =	sadd.s32 $0x189C00, s0;
	s5 =	smul.u32 $0x640, s4  }
0xb: {  	s6 =	smul.u32 $0x6400, s4;
	s7 =	sshrl.u32 s24, $0x1;
	s9 =	sadd.s32 s10, s9  }
0xc: {  	s23 =	sadd.s32 s5, s0;
	s0 =	sadd.s32 $0x282A00, s0;
	s5 =	ssub.s32 s24, s7  }
0xd: {  	s26 =	sshll.u32 s9, $0x1;
	s4 =	sadd.s32 $0x1C200, s23;
	s25 =	smax.u32 s5, $0x1  }
0xe: {  	s6 =	sadd.s32 s0, s6;
	s11 =	sadd.s32 s8, s0;
	[dreg:$0x2] =	wrdreg s4  }
0xf: {  	s0 =	sadd.s32 s0, s26;
	s23 =	simm.s32 $0x5A00;
	[dreg:$0x3] =	wrdreg s25  }
0x10: {  	s7 =	sadd.s32 $0x500, s6;
	s8 =	sadd.s32 $0x5A00, s6;
	s1 =	sadd.s32 s1, s11  }
0x11: {  	s9 =	sadd.s32 $0x5F00, s6;
	s26 =	sadd.s32 $0xF00, s0;
	s25 =	simm.s32 $0x6200  }
0x12: {  	s0 =	simm.s32 $0x7A00;
	s10 =	sadd.s32 $0xA00, s1;
	s1 =	simm.s32 $0x1  }
.LBB2_1:
0x13: {  	s4 =	rddreg [dreg:$0x2]  }
0x14: {  	[tilespmem:s2], [sflag:$0x5] =	stream.linear.gather [hbm4b:s4+s2], $0x3200, $0x38;
	[tilespmem:$0x8200] =	vst v63  }
0x15: {  	_ =	swait.ge [sflag:s12], $0x3200  }
0x16: {  	[sflag:s12] =	ssyncset.done $0x0  }
0x17: {  	[sflag:s12] =	ssyncadd.s32 $0xFFFFCE00  }
0x18: {  	[tilespmem:s14], [sflag:$0x1] =	stream.indirect.gather [hbm4b:s3+s13], $0x10, s2, s13, $0xb8;
	[tilespmem:$0x8200] =	vst v63  }
0x19: {  	_ = 	snop  }
0x1a: {  	[tilespmem:s15], [sflag:$0x1] =	stream.indirect.gather [hbm4b:s3+s13], $0x10, s13, s13, $0xb8;
	[tilespmem:$0x8200] =	vst v63  }
0x1b: {  	s20 =	simm.s32 $0x100  }
0x1c: {  	[tilespmem:s17], [sflag:$0x1] =	stream.indirect.gather [hbm4b:s3+s13], $0x10, s20, s13, $0xb8;
	[tilespmem:$0x8200] =	vst v63  }
0x1d: {  	s22 =	simm.s32 $0x180  }
0x1e: {  	[tilespmem:s19], [sflag:$0x1] =	stream.indirect.gather [hbm4b:s3+s13], $0x10, s22, s13, $0xb8;
	[tilespmem:$0x8200] =	vst v63  }
0x1f: {  	s24 =	simm.s32 $0x200  }
0x20: {  	[tilespmem:s21], [sflag:$0x1] =	stream.indirect.gather [hbm4b:s3+s13], $0x10, s24, s13, $0xb8;
	[tilespmem:$0x8200] =	vst v63  }
0x21: {  	s5 =	simm.s32 $0x280  }
0x22: {  	[tilespmem:s23], [sflag:$0x2] =	stream.indirect.gather [hbm4b:s3+s13], $0x10, s5, s13, $0xb8;
	[tilespmem:$0x8200] =	vst v63  }
0x23: {  	s11 =	simm.s32 $0x300  }
0x24: {  	[tilespmem:s25], [sflag:$0x2] =	stream.indirect.gather [hbm4b:s3+s13], $0x10, s11, s13, $0xb8;
	[tilespmem:$0x8200] =	vst v63  }
0x25: {  	s20 =	simm.s32 $0x380  }
0x26: {  	[tilespmem:s28], [sflag:$0x2] =	stream.indirect.gather [hbm4b:s3+s13], $0x10, s20, s13, $0xb8;
	[tilespmem:$0x8200] =	vst v63  }
0x27: {  	s22 =	simm.s32 $0x400  }
0x28: {  	[tilespmem:s30], [sflag:$0x2] =	stream.indirect.gather [hbm4b:s3+s13], $0x10, s22, s13, $0xb8;
	[tilespmem:$0x8200] =	vst v63  }
0x29: {  	s24 =	simm.s32 $0x480  }
0x2a: {  	[tilespmem:s0], [sflag:$0x2] =	stream.indirect.gather [hbm4b:s3+s13], $0x10, s24, s13, $0xb8;
	[tilespmem:$0x8200] =	vst v63  }
0x2b: {  	_ =	swait.ge [sflag:s1], $0x2800  }
0x2c: {  	[sflag:s1] =	ssyncset.done $0x0  }
0x2d: {  	[sflag:s1] =	ssyncadd.s32 $0xFFFFD800  }
0x2e: {  	[hbm4b:s6+s2] =	stream.linear.scatter [tilespmem:s14], [sflag:$0x3], $0x2800, $0x38;
	[tilespmem:$0x8200] =	vst v63  }
0x2f: {  	_ =	swait.ge [sflag:s16], $0x2800  }
0x30: {  	[sflag:s16] =	ssyncset.done $0x0  }
0x31: {  	s5 =	simm.s32 $0x500;
	[sflag:s16] =	ssyncadd.s32 $0xFFFFD800  }
0x32: {  	[tilespmem:s14], [sflag:$0x1] =	stream.indirect.gather [hbm4b:s3+s13], $0x10, s5, s13, $0xb8;
	[tilespmem:$0x8200] =	vst v63  }
0x33: {  	s11 =	simm.s32 $0x580  }
0x34: {  	[tilespmem:s15], [sflag:$0x1] =	stream.indirect.gather [hbm4b:s3+s13], $0x10, s11, s13, $0xb8;
	[tilespmem:$0x8200] =	vst v63  }
0x35: {  	s20 =	simm.s32 $0x600  }
0x36: {  	[tilespmem:s17], [sflag:$0x1] =	stream.indirect.gather [hbm4b:s3+s13], $0x10, s20, s13, $0xb8;
	[tilespmem:$0x8200] =	vst v63  }
0x37: {  	s22 =	simm.s32 $0x680  }
0x38: {  	[tilespmem:s19], [sflag:$0x1] =	stream.indirect.gather [hbm4b:s3+s13], $0x10, s22, s13, $0xb8;
	[tilespmem:$0x8200] =	vst v63  }
0x39: {  	s24 =	simm.s32 $0x700  }
0x3a: {  	[tilespmem:s21], [sflag:$0x1] =	stream.indirect.gather [hbm4b:s3+s13], $0x10, s24, s13, $0xb8;
	[tilespmem:$0x8200] =	vst v63  }
0x3b: {  	_ =	swait.ge [sflag:s29], $0x2800  }
0x3c: {  	[sflag:s29] =	ssyncset.done $0x0  }
0x3d: {  	[sflag:s29] =	ssyncadd.s32 $0xFFFFD800  }
0x3e: {  	[hbm4b:s7+s2] =	stream.linear.scatter [tilespmem:s23], [sflag:$0x4], $0x2800, $0x38;
	[tilespmem:$0x8200] =	vst v63  }
0x3f: {  	_ =	swait.ge [sflag:s31], $0x2800  }
0x40: {  	[sflag:s31] =	ssyncset.done $0x0  }
0x41: {  	s11 =	simm.s32 $0x780;
	[sflag:s31] =	ssyncadd.s32 $0xFFFFD800  }
0x42: {  	[tilespmem:s23], [sflag:$0x2] =	stream.indirect.gather [hbm4b:s3+s13], $0x10, s11, s13, $0xb8;
	[tilespmem:$0x8200] =	vst v63  }
0x43: {  	s5 =	simm.s32 $0x800  }
0x44: {  	[tilespmem:s25], [sflag:$0x2] =	stream.indirect.gather [hbm4b:s3+s13], $0x10, s5, s13, $0xb8;
	[tilespmem:$0x8200] =	vst v63  }
0x45: {  	s20 =	simm.s32 $0x880  }
0x46: {  	[tilespmem:s28], [sflag:$0x2] =	stream.indirect.gather [hbm4b:s3+s13], $0x10, s20, s13, $0xb8;
	[tilespmem:$0x8200] =	vst v63  }
0x47: {  	s22 =	simm.s32 $0x900  }
0x48: {  	[tilespmem:s30], [sflag:$0x2] =	stream.indirect.gather [hbm4b:s3+s13], $0x10, s22, s13, $0xb8;
	[tilespmem:$0x8200] =	vst v63  }
0x49: {  	s24 =	simm.s32 $0x980  }
0x4a: {  	[tilespmem:s0], [sflag:$0x2] =	stream.indirect.gather [hbm4b:s3+s13], $0x10, s24, s13, $0xb8;
	[tilespmem:$0x8200] =	vst v63  }
0x4b: {  	_ =	swait.ge [sflag:s1], $0x2800  }
0x4c: {  	[sflag:s1] =	ssyncset.done $0x0  }
0x4d: {  	[sflag:s1] =	ssyncadd.s32 $0xFFFFD800  }
0x4e: {  	[hbm4b:s10+s2] =	stream.linear.scatter [tilespmem:s14], [sflag:$0x3], $0x2800, $0x38;
	[tilespmem:$0x8200] =	vst v63  }
0x4f: {  	_ =	swait.ge [sflag:s16], $0x2800  }
0x50: {  	[sflag:s16] =	ssyncset.done $0x0  }
0x51: {  	s4 =	simm.s32 $0xA00;
	[sflag:s16] =	ssyncadd.s32 $0xFFFFD800  }
0x52: {  	[tilespmem:s14], [sflag:$0x1] =	stream.indirect.gather [hbm4b:s3+s13], $0x10, s4, s13, $0xb8;
	[tilespmem:$0x8200] =	vst v63  }
0x53: {  	s5 =	simm.s32 $0xA80  }
0x54: {  	[tilespmem:s15], [sflag:$0x1] =	stream.indirect.gather [hbm4b:s3+s13], $0x10, s5, s13, $0xb8;
	[tilespmem:$0x8200] =	vst v63  }
0x55: {  	s20 =	simm.s32 $0xB00  }
0x56: {  	[tilespmem:s17], [sflag:$0x1] =	stream.indirect.gather [hbm4b:s3+s13], $0x10, s20, s13, $0xb8;
	[tilespmem:$0x8200] =	vst v63  }
0x57: {  	s22 =	simm.s32 $0xB80  }
0x58: {  	[tilespmem:s19], [sflag:$0x1] =	stream.indirect.gather [hbm4b:s3+s13], $0x10, s22, s13, $0xb8;
	[tilespmem:$0x8200] =	vst v63  }
0x59: {  	s24 =	simm.s32 $0xC00  }
0x5a: {  	[tilespmem:s21], [sflag:$0x1] =	stream.indirect.gather [hbm4b:s3+s13], $0x10, s24, s13, $0xb8;
	[tilespmem:$0x8200] =	vst v63  }
0x5b: {  	_ =	swait.ge [sflag:s29], $0x2800  }
0x5c: {  	s11 =	smov.u32 s26;
	s20 =	simm.s32 $0x1400;
	[sflag:s29] =	ssyncset.done $0x0  }
0x5d: {  	s22 =	sadd.s32 $0xA00, s10;
	s24 =	sadd.s32 $0xA00, s26;
	[sflag:s29] =	ssyncadd.s32 $0xFFFFD800  }
.LBB2_2:
0x5e: {  	[hbm4b:s11+s2] =	stream.linear.scatter [tilespmem:s23], [sflag:$0x4], $0x2800, $0x38;
	[tilespmem:$0x8200] =	vst v63  }
0x5f: {  	s4 =	smov.u32 s20;
	s11 =	smov.u32 s24  }
0x60: {  	p0 =	sne.s32 s20, $0x8C00;
	s20 =	sadd.s32 $0x1400, s20;
	_ =	swait.ge [sflag:s31], $0x2800  }
0x61: {  	s4 =	sshra.s32 s4, $0x2;
	[sflag:s31] =	ssyncset.done $0x0  }
0x62: {  	s5 =	sadd.s32 $0x780, s4;
	[sflag:s31] =	ssyncadd.s32 $0xFFFFD800  }
0x63: {  	[tilespmem:s23], [sflag:$0x2] =	stream.indirect.gather [hbm4b:s3+s13], $0x10, s5, s13, $0xb8;
	[tilespmem:$0x8200] =	vst v63  }
0x64: {  	s5 =	sadd.s32 $0x800, s4  }
0x65: {  	[tilespmem:s25], [sflag:$0x2] =	stream.indirect.gather [hbm4b:s3+s13], $0x10, s5, s13, $0xb8;
	[tilespmem:$0x8200] =	vst v63  }
0x66: {  	s5 =	sadd.s32 $0x880, s4  }
0x67: {  	[tilespmem:s28], [sflag:$0x2] =	stream.indirect.gather [hbm4b:s3+s13], $0x10, s5, s13, $0xb8;
	[tilespmem:$0x8200] =	vst v63  }
0x68: {  	s5 =	sadd.s32 $0x900, s4  }
0x69: {  	[tilespmem:s30], [sflag:$0x2] =	stream.indirect.gather [hbm4b:s3+s13], $0x10, s5, s13, $0xb8;
	[tilespmem:$0x8200] =	vst v63  }
0x6a: {  	s5 =	sadd.s32 $0x980, s4  }
0x6b: {  	[tilespmem:s0], [sflag:$0x2] =	stream.indirect.gather [hbm4b:s3+s13], $0x10, s5, s13, $0xb8;
	[tilespmem:$0x8200] =	vst v63  }
0x6c: {  	_ =	swait.ge [sflag:s1], $0x2800  }
0x6d: {  	[sflag:s1] =	ssyncset.done $0x0  }
0x6e: {  	[sflag:s1] =	ssyncadd.s32 $0xFFFFD800  }
0x6f: {  	[hbm4b:s22+s2] =	stream.linear.scatter [tilespmem:s14], [sflag:$0x3], $0x2800, $0x38;
	[tilespmem:$0x8200] =	vst v63  }
0x70: {  	_ =	swait.ge [sflag:s16], $0x2800  }
0x71: {  	[sflag:s16] =	ssyncset.done $0x0  }
0x72: {  	s5 =	sadd.s32 $0xA00, s4;
	[sflag:s16] =	ssyncadd.s32 $0xFFFFD800  }
0x73: {  	[tilespmem:s14], [sflag:$0x1] =	stream.indirect.gather [hbm4b:s3+s13], $0x10, s5, s13, $0xb8;
	[tilespmem:$0x8200] =	vst v63  }
0x74: {  	s5 =	sadd.s32 $0xA80, s4  }
0x75: {  	[tilespmem:s15], [sflag:$0x1] =	stream.indirect.gather [hbm4b:s3+s13], $0x10, s5, s13, $0xb8;
	[tilespmem:$0x8200] =	vst v63  }
0x76: {  	s5 =	sadd.s32 $0xB00, s4  }
0x77: {  	[tilespmem:s17], [sflag:$0x1] =	stream.indirect.gather [hbm4b:s3+s13], $0x10, s5, s13, $0xb8;
	[tilespmem:$0x8200] =	vst v63  }
0x78: {  	s5 =	sadd.s32 $0xB80, s4  }
0x79: {  	[tilespmem:s19], [sflag:$0x1] =	stream.indirect.gather [hbm4b:s3+s13], $0x10, s5, s13, $0xb8;
	[tilespmem:$0x8200] =	vst v63  }
.Ltmp0:
0x7a: {  	s4 =	sadd.s32 $0xC00, s4;
	(pc) =	sbr.rel @p0 .LBB2_2-.Ltmp0, $4  }
0x7b: {  	[tilespmem:s21], [sflag:$0x1] =	stream.indirect.gather [hbm4b:s3+s13], $0x10, s4, s13, $0xb8;
	[tilespmem:$0x8200] =	vst v63  }
0x7c: {  	_ =	swait.ge [sflag:s29], $0x2800  }
0x7d: {  	[sflag:s29] =	ssyncset.done $0x0  }
0x7e: {  	s24 =	sadd.s32 $0xA00, s24;
	s22 =	sadd.s32 $0xA00, s22;
	[sflag:s29] =	ssyncadd.s32 $0xFFFFD800  }
0x7f: {  	[hbm4b:s11+s2] =	stream.linear.scatter [tilespmem:s23], [sflag:$0x4], $0x2800, $0x38;
	[tilespmem:$0x8200] =	vst v63  }
0x80: {  	_ =	swait.ge [sflag:s31], $0x2800  }
0x81: {  	[sflag:s31] =	ssyncset.done $0x0  }
0x82: {  	s4 =	simm.s32 $0x2F80;
	[sflag:s31] =	ssyncadd.s32 $0xFFFFD800  }
0x83: {  	[tilespmem:s23], [sflag:$0x2] =	stream.indirect.gather [hbm4b:s3+s13], $0x10, s4, s13, $0xb8;
	[tilespmem:$0x8200] =	vst v63  }
0x84: {  	s5 =	simm.s32 $0x3000  }
0x85: {  	[tilespmem:s25], [sflag:$0x2] =	stream.indirect.gather [hbm4b:s3+s13], $0x10, s5, s13, $0xb8;
	[tilespmem:$0x8200] =	vst v63  }
0x86: {  	s11 =	simm.s32 $0x3080  }
0x87: {  	[tilespmem:s28], [sflag:$0x2] =	stream.indirect.gather [hbm4b:s3+s13], $0x10, s11, s13, $0xb8;
	[tilespmem:$0x8200] =	vst v63  }
0x88: {  	s20 =	simm.s32 $0x3100  }
0x89: {  	[tilespmem:s30], [sflag:$0x2] =	stream.indirect.gather [hbm4b:s3+s13], $0x10, s20, s13, $0xb8;
	[tilespmem:$0x8200] =	vst v63  }
0x8a: {  	s22 =	simm.s32 $0x3180  }
0x8b: {  	[tilespmem:s0], [sflag:$0x2] =	stream.indirect.gather [hbm4b:s3+s13], $0x10, s22, s13, $0xb8;
	[tilespmem:$0x8200] =	vst v63  }
0x8c: {  	_ =	swait.ge [sflag:s1], $0x2800  }
0x8d: {  	[sflag:s1] =	ssyncset.done $0x0  }
0x8e: {  	[sflag:s1] =	ssyncadd.s32 $0xFFFFD800  }
0x8f: {  	[hbm4b:s8+s2] =	stream.linear.scatter [tilespmem:s14], [sflag:$0x3], $0x2800, $0x38;
	[tilespmem:$0x8200] =	vst v63  }
0x90: {  	_ =	swait.ge [sflag:s16], $0x2800  }
0x91: {  	[sflag:s16] =	ssyncset.done $0x0  }
0x92: {  	[sflag:s16] =	ssyncadd.s32 $0xFFFFD800  }
0x93: {  	_ =	swait.ge [sflag:s29], $0x2800  }
0x94: {  	[sflag:s29] =	ssyncset.done $0x0  }
0x95: {  	[sflag:s29] =	ssyncadd.s32 $0xFFFFD800  }
0x96: {  	[hbm4b:s9+s2] =	stream.linear.scatter [tilespmem:s23], [sflag:$0x4], $0x2800, $0x38;
	[tilespmem:$0x8200] =	vst v63  }
0x97: {  	_ =	swait.ge [sflag:s31], $0x2800  }
0x98: {  	s18 =	sadd.s32 $0x1, s18;
	s24 =	rddreg [dreg:$0x3]  }
0x99: {  	p0 =	sne.s32 s18, s24  }
.Ltmp1:
0x9a: {  	_ = 	snop;
	(pc) =	sbr.rel @p0 .LBB2_1-.Ltmp1, $3  }
0x9b: {  	_ =	sdelay $0x1  }
0x9c: {  	[sflag:s31] =	ssyncset.done $0x0  }
0x9d: {  	[sflag:s31] =	ssyncadd.s32 $0xFFFFD800  }
0x9e: {  	_ =	sfence.sel $0x180000  }
0x9f: {  	[bflag:$0x0] =	sbarrier.arrive $0xFFFF  }
0xa0: {  	_ =	strace $0x9000004D  }
0xa1: {  	s0 =	stileid.u32;
	[bflag:$0x2] =	sbarrier.arrive $0xFFFF  }
0xa2: {  	p0 =	sne.s32 s0, $0x0;
	s0 =	rddreg [dreg:$0x1]  }
0xa3: {  	s0 =	sadd.s32 @!p0 $0x100000, s0  }
0xa4: {  	[sflag:s0] =	ssyncadd.tile.s32 @!p0 $0x1;
	_ =	shalt  }
.Lfunc_end2:
_tile_overlayer_lowered:
.L_overlay_start_2:
0xa5: {  	(tag) =	ssettag $0x2  }
0xa6: {  	s0 =	rddreg [dreg:$0x0];
	s2 =	stileid.u32  }
0xa7: {  	s1 =	rddreg [dreg:$0x1];
	p0 =	sne.s32 s2, $0x0  }
0xa8: {  	s3 =	rddreg [dreg:$0x2];
	[bflag:$0x3] =	sbarrier.arrive $0xFFFF;
	s2 =	simm.s32 @!p0 $0x1C05  }
0xa9: {  	[timem:s3], [sflag:s2] =	dma.local @!p0 [hbm:s0], s1  }
0xaa: {  	s0 =	simm.s32 @!p0 $0x5  }
0xab: {  	_ =	swait.ge @!p0 [sflag:s0], s1  }
0xac: {  	s1 =	ssub.s32 @!p0 $0x0, s1;
	[sflag:s0] =	ssyncset.done @!p0 $0x0  }
0xad: {  	[sflag:s0] =	ssyncadd.s32 @!p0 s1  }
0xae: {  	[bflag:$0x3] =	sbarrier.arrive $0xFFFF  }
0xaf: {  	_ =	shalt  }

</sc_bundles>
